<compile_context>
chip_gen: v7x
topology: tpu7x:2x2x1
jax: 0.10.2.dev20260603
libtpu: 0.0.44.dev20260713+nightly
codegen_flags: <defaults>
</compile_context>

<pallas_src>
import functools

import jax
import jax.numpy as jnp
from jax import lax
from jax.experimental import pallas as pl
from jax.experimental.pallas import tpu as pltpu
from jax.experimental.pallas import tpu_sc as plsc

_DEPTH = 8
_HIDDEN = 768
_EXPERTS = 64
_B = 4
_S = 8192

_NCORES = 1
_NSUB = 16
_NW = _NCORES * _NSUB
_S_SC = 1024
_S_TC = _S - _S_SC
_TCB = 1792

_W_PER_B = _NW // _B
_ROWS_PER_W = _S_SC // _W_PER_B
_CHUNK = 64
_NCHUNK = _ROWS_PER_W // _CHUNK
_LANES = 16
_NVEC = _HIDDEN // _LANES
_GROUPS = 4
_VPG = _NVEC // _GROUPS
_COLS_PG = _VPG * _LANES


def _sc_rowsum_body(hs_hbm, out_hbm, buf, acc, sem0, sem1):
    wid = lax.axis_index("s") * _NCORES + lax.axis_index("c")
    b = wid // _W_PER_B
    k = wid % _W_PER_B
    base = b * _S + _S_TC + k * _ROWS_PER_W
    sems = (sem0, sem1)

    zero = jnp.zeros((_LANES,), jnp.float32)
    for j in range(_NVEC):
        acc[pl.ds(j * _LANES, _LANES)] = zero

    def _start(c, bsel):
        pltpu.async_copy(hs_hbm.at[pl.ds(base + c * _CHUNK, _CHUNK)],
                         buf.at[bsel], sems[bsel])

    _start(0, 0)
    _start(1, 1)

    def super_body(c2, carry):
        for bsel in (0, 1):
            c = c2 * 2 + bsel
            pltpu.make_async_copy(hs_hbm.at[pl.ds(0, _CHUNK)],
                                  buf.at[bsel], sems[bsel]).wait()
            for g in range(_GROUPS):
                col0 = g * _COLS_PG

                def row_body(r, accs):
                    return tuple(
                        accs[j] + buf[bsel, r, pl.ds(col0 + j * _LANES, _LANES)]
                        for j in range(_VPG)
                    )

                init = tuple(
                    acc[pl.ds(col0 + j * _LANES, _LANES)]
                    for j in range(_VPG)
                )
                accs = lax.fori_loop(0, _CHUNK, row_body, init)
                for j in range(_VPG):
                    acc[pl.ds(col0 + j * _LANES, _LANES)] = accs[j]

            @pl.when(c2 < _NCHUNK // 2 - 1)
            def _():
                _start(c + 2, bsel)
        return carry

    lax.fori_loop(0, _NCHUNK // 2, super_body, 0)
    pltpu.sync_copy(acc, out_hbm.at[wid])


@functools.lru_cache(maxsize=1)
def _get_sc_rowsum():
    return pl.kernel(
        _sc_rowsum_body,
        out_type=jax.ShapeDtypeStruct((_NW, _HIDDEN), jnp.float32),
        mesh=plsc.VectorSubcoreMesh(core_axis_name="c", subcore_axis_name="s",
                                    num_cores=_NCORES),
        scratch_types=[
            pltpu.VMEM((2, _CHUNK, _HIDDEN), jnp.float32),
            pltpu.VMEM((_HIDDEN,), jnp.float32),
            pltpu.SemaphoreType.DMA,
            pltpu.SemaphoreType.DMA,
        ],
    )


def _tc_reduce_body(hs_ref, out_ref):
    c = pl.program_id(1)
    s = jnp.sum(hs_ref[0], axis=0, keepdims=True)[None]

    @pl.when(c == 0)
    def _():
        out_ref[...] = s

    @pl.when(c > 0)
    def _():
        out_ref[...] += s


def _tc_reduce(hidden_states):
    return pl.pallas_call(
        _tc_reduce_body,
        grid=(_B, _S_TC // _TCB),
        in_specs=[pl.BlockSpec((1, _TCB, _HIDDEN),
                               lambda b, c: (b, c, 0))],
        out_specs=pl.BlockSpec((1, 1, _HIDDEN), lambda b, c: (b, 0, 0)),
        out_shape=jax.ShapeDtypeStruct((_B, 1, _HIDDEN), jnp.float32),
        name="tc_reduce",
    )(hidden_states)


def _epilogue_body(cd_ref, part_ref, tc_ref, demb_ref, w_ref, b_ref,
                   aux_ref, idx_ref):
    cd = cd_ref[0]
    psum = part_ref[...]
    colsum = (jnp.sum(psum.reshape(_B, _W_PER_B, _HIDDEN), axis=1)
              + tc_ref[:, 0, :])
    demb = demb_ref[pl.ds(cd, 1), :]
    mean = (colsum + demb) * (1.0 / (_S + 1))
    logits = lax.dot_general(
        mean, w_ref[...], (((1,), (1,)), ((), ())),
        preferred_element_type=jnp.float32,
    ) + b_ref[...]

    m = jnp.max(logits, axis=1, keepdims=True)
    ex = jnp.exp(logits - m)
    probs = ex / jnp.sum(ex, axis=1, keepdims=True)
    usage = jnp.mean(probs, axis=0, keepdims=True)
    uni = 1.0 / _EXPERTS
    kl = jnp.sum(uni * (jnp.log(uni) - jnp.log(usage + 1e-9)))
    coeff = 0.01 * (cd.astype(jnp.float32) / _DEPTH)
    aux_ref[...] = jnp.reshape(coeff * kl, (1, 1))

    iota_e = lax.broadcasted_iota(jnp.int32, (_B, _EXPERTS), 1)
    rmax = jnp.max(logits, axis=1, keepdims=True)
    ei = jnp.min(jnp.where(logits == rmax, iota_e, _EXPERTS),
                 axis=1, keepdims=True)
    counts = jnp.sum((ei == iota_e).astype(jnp.int32),
                     axis=0, keepdims=True)
    cmax = jnp.max(counts)
    idx_ref[...] = jnp.reshape(
        jnp.min(jnp.where(counts == cmax,
                          lax.broadcasted_iota(jnp.int32, (1, _EXPERTS), 1),
                          _EXPERTS)),
        (1, 1))


def _epilogue(cd, partials, tcsum, demb, w, b):
    return pl.pallas_call(
        _epilogue_body,
        out_shape=(
            jax.ShapeDtypeStruct((1, 1), jnp.float32),
            jax.ShapeDtypeStruct((1, 1), jnp.int32),
        ),
        in_specs=[pl.BlockSpec(memory_space=pltpu.SMEM)]
        + [pl.BlockSpec(memory_space=pltpu.VMEM)] * 5,
        name="router_epilogue",
    )(cd, partials, tcsum, demb, w, b)


def kernel(hidden_states, current_depth, depth_embedding, router_W, router_b):
    hs_flat = hidden_states.reshape(_B * _S, _HIDDEN)
    partials = _get_sc_rowsum()(hs_flat)
    tcsum = _tc_reduce(hidden_states)
    cd = jnp.asarray(current_depth, jnp.int32).reshape(1)
    aux, nidx = _epilogue(cd, partials, tcsum, depth_embedding, router_W,
                          router_b.reshape(1, _EXPERTS))
    return aux[0, 0], nidx[0, 0]

# --- scband reference (transcript-rebuilt; emitter-appended) ---
"""Pipeline reference for scband-mixture-router-82849919139919 (READ-ONLY COPY).

The authoritative reference and input builder live on the scoring server;
editing this copy changes nothing except your own understanding.
"""

import jax, jax.numpy as jnp
import numpy as np

DEPTH = 8
HIDDEN = 768
NUM_EXPERTS = 64

def setup_inputs(seed: int = 0) -> dict:
    key = jax.random.key(seed)
    k1, k2, k3, k4 = jax.random.split(key, 4)
    hidden_states = jax.random.normal(k1, (4, 8192, HIDDEN), dtype=jnp.float32)
    depth_embedding = jax.random.normal(k2, (DEPTH, HIDDEN), dtype=jnp.float32) * 0.02
    router_W = jax.random.normal(k3, (NUM_EXPERTS, HIDDEN), dtype=jnp.float32) * (1.0 / np.sqrt(HIDDEN))
    router_b = jnp.zeros((NUM_EXPERTS,), dtype=jnp.float32)
    return {"hidden_states": hidden_states, "current_depth": 3,
            "depth_embedding": depth_embedding, "router_W": router_W, "router_b": router_b}

def reference(hidden_states, current_depth, depth_embedding, router_W, router_b):
    B, S, H = hidden_states.shape
    # depth embedding lookup (gather)
    depth_idx = jnp.full((B,), current_depth, dtype=jnp.int32)
    depth_emb = jnp.take(depth_embedding, depth_idx, axis=0)  # [B, H]
    depth_emb = depth_emb[:, None, :]                           # [B, 1, H]
    extended_sequence = jnp.concatenate([depth_emb, hidden_states], axis=1)  # [B, S+1, H]
    # router linear
    router_outputs = jnp.einsum('bsh,eh->bse', extended_sequence, router_W) + router_b
    sequence_representation = router_outputs.mean(axis=1)       # [B, E]
    router_probs = jax.nn.softmax(sequence_representation, axis=-1)
    expert_usage = router_probs.mean(axis=0)                    # [E]
    num_experts = expert_usage.shape[0]
    uniform = jnp.full_like(expert_usage, 1.0 / num_experts)
    # F.kl_div(log_input, target, reduction='sum') = sum(target * (log(target) - log_input))
    log_input = jnp.log(expert_usage + 1e-09)
    kl_loss = jnp.sum(uniform * (jnp.log(uniform) - log_input))
    base_loss_coefficient = 0.01
    loss_coefficient = base_loss_coefficient * (current_depth / DEPTH)
    aux_loss = loss_coefficient * kl_loss
    expert_indices = jnp.argmax(router_probs, axis=-1)          # [B]
    # torch mode(): most frequent value (smallest on tie -> bincount argmax picks smallest)
    counts = jnp.bincount(expert_indices, length=num_experts)
    next_idx = jnp.argmax(counts)
    return (aux_loss, next_idx)

if __name__ == "__main__":
    import jax
    _d = setup_inputs()
    print(jax.jit(kernel)(*tuple(_d.values())))

</pallas_src>

<mosaic_0001>
#map = affine_map<(d0, d1) -> (0, 0)>
module attributes {stable_mosaic.version = 14 : i64} {
  func.func @_sc_rowsum_body(%arg0: i32, %arg1: i32, %arg2: memref<32768x768xf32, #tpu.memory_space<hbm>>, %arg3: memref<16x768xf32, #tpu.memory_space<hbm>>, %arg4: memref<2x64x768xf32, #tpu.memory_space<vmem>>, %arg5: memref<768xf32, #tpu.memory_space<vmem>>, %arg6: memref<!tpu.dma_semaphore, #tpu.memory_space<semaphore_mem>>, %arg7: memref<!tpu.dma_semaphore, #tpu.memory_space<semaphore_mem>>) attributes {dimension_semantics = [#tpu.dimension_semantics<core_parallel>, #tpu.dimension_semantics<subcore_parallel>], iteration_bounds = array<i64: 1, 16>, scalar_prefetch = 0 : i64, scratch_operands = 4 : i64, tpu.core_type = #tpu.core_type<sc_vector_subcore>, window_params = [{transform_indices = #map}, {transform_indices = #map}]} {
    %mul3A = arith.constant 1 : i32
    %mul3A_0 = arith.muli %arg1, %mul3A : i32
    %add3A = arith.addi %mul3A_0, %arg0 : i32
    %jit3A = arith.constant 4 : i32
    %div3A = arith.divsi %add3A, %jit3A : i32
    %sign3A = arith.constant 0 : i32
    %sign3A_1 = arith.cmpi sgt, %add3A, %sign3A : i32
    %sign3A_2 = arith.extui %sign3A_1 : i1 to i32
    %sign3A_3 = arith.constant 0 : i32
    %sign3A_4 = arith.cmpi slt, %add3A, %sign3A_3 : i32
    %sign3A_5 = arith.extui %sign3A_4 : i1 to i32
    %sign3A_6 = arith.subi %sign3A_2, %sign3A_5 : i32
    %sign3A_7 = arith.constant 0 : i32
    %sign3A_8 = arith.cmpi sgt, %jit3A, %sign3A_7 : i32
    %sign3A_9 = arith.extui %sign3A_8 : i1 to i32
    %sign3A_10 = arith.constant 0 : i32
    %sign3A_11 = arith.cmpi slt, %jit3A, %sign3A_10 : i32
    %sign3A_12 = arith.extui %sign3A_11 : i1 to i32
    %sign3A_13 = arith.subi %sign3A_9, %sign3A_12 : i32
    %ne3A = arith.cmpi ne, %sign3A_6, %sign3A_13 : i32
    %rem3A = arith.remsi %add3A, %jit3A : i32
    %ne3A_14 = arith.constant 0 : i32
    %ne3A_15 = arith.cmpi ne, %rem3A, %ne3A_14 : i32
    %and3A = arith.andi %ne3A, %ne3A_15 : i1
    %sub3A = arith.constant 1 : i32
    %sub3A_16 = arith.subi %div3A, %sub3A : i32
    %select_n3A = arith.select %and3A, %sub3A_16, %div3A : i32
    %jit3A_17 = arith.constant 4 : i32
    %eq3A = arith.constant 0 : i32
    %eq3A_18 = arith.cmpi eq, %jit3A_17, %eq3A : i32
    %jit3A_19 = arith.constant 1 : i32
    %select_n3A_20 = arith.select %eq3A_18, %jit3A_19, %jit3A_17 : i32
    %rem3A_21 = arith.remsi %add3A, %select_n3A_20 : i32
    %ne3A_22 = arith.constant 0 : i32
    %ne3A_23 = arith.cmpi ne, %rem3A_21, %ne3A_22 : i32
    %lt3A = arith.constant 0 : i32
    %lt3A_24 = arith.cmpi slt, %rem3A_21, %lt3A : i32
    %lt3A_25 = arith.constant 0 : i32
    %lt3A_26 = arith.cmpi slt, %select_n3A_20, %lt3A_25 : i32
    %ne3A_27 = arith.xori %lt3A_24, %lt3A_26 : i1
    %and3A_28 = arith.andi %ne3A_27, %ne3A_23 : i1
    %add3A_29 = arith.addi %rem3A_21, %select_n3A_20 : i32
    %select_n3A_30 = arith.select %and3A_28, %add3A_29, %rem3A_21 : i32
    %mul3A_31 = arith.constant 8192 : i32
    %mul3A_32 = arith.muli %select_n3A, %mul3A_31 : i32
    %add3A_33 = arith.constant 7168 : i32
    %add3A_34 = arith.addi %mul3A_32, %add3A_33 : i32
    %mul3A_35 = arith.constant 256 : i32
    %mul3A_36 = arith.muli %select_n3A_30, %mul3A_35 : i32
    %add3A_37 = arith.addi %add3A_34, %mul3A_36 : i32
    %broadcast_in_dim3A = arith.constant 0.000000e+00 : f32
    %broadcast_in_dim3A_38 = vector.broadcast %broadcast_in_dim3A : f32 to vector<16xf32>
    %swap3A = arith.constant 0 : index
    %swap3A_39 = tpu.vector_load %arg5[%swap3A] {strides = array<i32>} : memref<768xf32, #tpu.memory_space<vmem>>, vector<16xf32>,
    %swap3A_40 = vector.shape_cast %swap3A_39 : vector<16xf32> to vector<16xf32>
    %swap3A_41 = vector.shape_cast %broadcast_in_dim3A_38 : vector<16xf32> to vector<16xf32>
    tpu.vector_store %arg5[%swap3A], %swap3A_41 {strides = array<i32>} : memref<768xf32, #tpu.memory_space<vmem>>, vector<16xf32>,
    %swap3A_42 = arith.constant 16 : index
    %swap3A_43 = tpu.vector_load %arg5[%swap3A_42] {strides = array<i32>} : memref<768xf32, #tpu.memory_space<vmem>>, vector<16xf32>,
    %swap3A_44 = vector.shape_cast %swap3A_43 : vector<16xf32> to vector<16xf32>
    %swap3A_45 = vector.shape_cast %broadcast_in_dim3A_38 : vector<16xf32> to vector<16xf32>
    tpu.vector_store %arg5[%swap3A_42], %swap3A_45 {strides = array<i32>} : memref<768xf32, #tpu.memory_space<vmem>>, vector<16xf32>,
    %swap3A_46 = arith.constant 32 : index
    %swap3A_47 = tpu.vector_load %arg5[%swap3A_46] {strides = array<i32>} : memref<768xf32, #tpu.memory_space<vmem>>, vector<16xf32>,
    %swap3A_48 = vector.shape_cast %swap3A_47 : vector<16xf32> to vector<16xf32>
    %swap3A_49 = vector.shape_cast %broadcast_in_dim3A_38 : vector<16xf32> to vector<16xf32>
    tpu.vector_store %arg5[%swap3A_46], %swap3A_49 {strides = array<i32>} : memref<768xf32, #tpu.memory_space<vmem>>, vector<16xf32>,
    %swap3A_50 = arith.constant 48 : index
    %swap3A_51 = tpu.vector_load %arg5[%swap3A_50] {strides = array<i32>} : memref<768xf32, #tpu.memory_space<vmem>>, vector<16xf32>,
    %swap3A_52 = vector.shape_cast %swap3A_51 : vector<16xf32> to vector<16xf32>
    %swap3A_53 = vector.shape_cast %broadcast_in_dim3A_38 : vector<16xf32> to vector<16xf32>
    tpu.vector_store %arg5[%swap3A_50], %swap3A_53 {strides = array<i32>} : memref<768xf32, #tpu.memory_space<vmem>>, vector<16xf32>,
    %swap3A_54 = arith.constant 64 : index
    %swap3A_55 = tpu.vector_load %arg5[%swap3A_54] {strides = array<i32>} : memref<768xf32, #tpu.memory_space<vmem>>, vector<16xf32>,
    %swap3A_56 = vector.shape_cast %swap3A_55 : vector<16xf32> to vector<16xf32>
    %swap3A_57 = vector.shape_cast %broadcast_in_dim3A_38 : vector<16xf32> to vector<16xf32>
    tpu.vector_store %arg5[%swap3A_54], %swap3A_57 {strides = array<i32>} : memref<768xf32, #tpu.memory_space<vmem>>, vector<16xf32>,
    %swap3A_58 = arith.constant 80 : index
    %swap3A_59 = tpu.vector_load %arg5[%swap3A_58] {strides = array<i32>} : memref<768xf32, #tpu.memory_space<vmem>>, vector<16xf32>,
    %swap3A_60 = vector.shape_cast %swap3A_59 : vector<16xf32> to vector<16xf32>
    %swap3A_61 = vector.shape_cast %broadcast_in_dim3A_38 : vector<16xf32> to vector<16xf32>
    tpu.vector_store %arg5[%swap3A_58], %swap3A_61 {strides = array<i32>} : memref<768xf32, #tpu.memory_space<vmem>>, vector<16xf32>,
    %swap3A_62 = arith.constant 96 : index
    %swap3A_63 = tpu.vector_load %arg5[%swap3A_62] {strides = array<i32>} : memref<768xf32, #tpu.memory_space<vmem>>, vector<16xf32>,
    %swap3A_64 = vector.shape_cast %swap3A_63 : vector<16xf32> to vector<16xf32>
    %swap3A_65 = vector.shape_cast %broadcast_in_dim3A_38 : vector<16xf32> to vector<16xf32>
    tpu.vector_store %arg5[%swap3A_62], %swap3A_65 {strides = array<i32>} : memref<768xf32, #tpu.memory_space<vmem>>, vector<16xf32>,
    %swap3A_66 = arith.constant 112 : index
    %swap3A_67 = tpu.vector_load %arg5[%swap3A_66] {strides = array<i32>} : memref<768xf32, #tpu.memory_space<vmem>>, vector<16xf32>,
    %swap3A_68 = vector.shape_cast %swap3A_67 : vector<16xf32> to vector<16xf32>
    %swap3A_69 = vector.shape_cast %broadcast_in_dim3A_38 : vector<16xf32> to vector<16xf32>
    tpu.vector_store %arg5[%swap3A_66], %swap3A_69 {strides = array<i32>} : memref<768xf32, #tpu.memory_space<vmem>>, vector<16xf32>,
    %swap3A_70 = arith.constant 128 : index
    %swap3A_71 = tpu.vector_load %arg5[%swap3A_70] {strides = array<i32>} : memref<768xf32, #tpu.memory_space<vmem>>, vector<16xf32>,
    %swap3A_72 = vector.shape_cast %swap3A_71 : vector<16xf32> to vector<16xf32>
    %swap3A_73 = vector.shape_cast %broadcast_in_dim3A_38 : vector<16xf32> to vector<16xf32>
    tpu.vector_store %arg5[%swap3A_70], %swap3A_73 {strides = array<i32>} : memref<768xf32, #tpu.memory_space<vmem>>, vector<16xf32>,
    %swap3A_74 = arith.constant 144 : index
    %swap3A_75 = tpu.vector_load %arg5[%swap3A_74] {strides = array<i32>} : memref<768xf32, #tpu.memory_space<vmem>>, vector<16xf32>,
    %swap3A_76 = vector.shape_cast %swap3A_75 : vector<16xf32> to vector<16xf32>
    %swap3A_77 = vector.shape_cast %broadcast_in_dim3A_38 : vector<16xf32> to vector<16xf32>
    tpu.vector_store %arg5[%swap3A_74], %swap3A_77 {strides = array<i32>} : memref<768xf32, #tpu.memory_space<vmem>>, vector<16xf32>,
    %swap3A_78 = arith.constant 160 : index
    %swap3A_79 = tpu.vector_load %arg5[%swap3A_78] {strides = array<i32>} : memref<768xf32, #tpu.memory_space<vmem>>, vector<16xf32>,
    %swap3A_80 = vector.shape_cast %swap3A_79 : vector<16xf32> to vector<16xf32>
    %swap3A_81 = vector.shape_cast %broadcast_in_dim3A_38 : vector<16xf32> to vector<16xf32>
    tpu.vector_store %arg5[%swap3A_78], %swap3A_81 {strides = array<i32>} : memref<768xf32, #tpu.memory_space<vmem>>, vector<16xf32>,
    %swap3A_82 = arith.constant 176 : index
    %swap3A_83 = tpu.vector_load %arg5[%swap3A_82] {strides = array<i32>} : memref<768xf32, #tpu.memory_space<vmem>>, vector<16xf32>,
    %swap3A_84 = vector.shape_cast %swap3A_83 : vector<16xf32> to vector<16xf32>
    %swap3A_85 = vector.shape_cast %broadcast_in_dim3A_38 : vector<16xf32> to vector<16xf32>
    tpu.vector_store %arg5[%swap3A_82], %swap3A_85 {strides = array<i32>} : memref<768xf32, #tpu.memory_space<vmem>>, vector<16xf32>,
    %swap3A_86 = arith.constant 192 : index
    %swap3A_87 = tpu.vector_load %arg5[%swap3A_86] {strides = array<i32>} : memref<768xf32, #tpu.memory_space<vmem>>, vector<16xf32>,
    %swap3A_88 = vector.shape_cast %swap3A_87 : vector<16xf32> to vector<16xf32>
    %swap3A_89 = vector.shape_cast %broadcast_in_dim3A_38 : vector<16xf32> to vector<16xf32>
    tpu.vector_store %arg5[%swap3A_86], %swap3A_89 {strides = array<i32>} : memref<768xf32, #tpu.memory_space<vmem>>, vector<16xf32>,
    %swap3A_90 = arith.constant 208 : index
    %swap3A_91 = tpu.vector_load %arg5[%swap3A_90] {strides = array<i32>} : memref<768xf32, #tpu.memory_space<vmem>>, vector<16xf32>,
    %swap3A_92 = vector.shape_cast %swap3A_91 : vector<16xf32> to vector<16xf32>
    %swap3A_93 = vector.shape_cast %broadcast_in_dim3A_38 : vector<16xf32> to vector<16xf32>
    tpu.vector_store %arg5[%swap3A_90], %swap3A_93 {strides = array<i32>} : memref<768xf32, #tpu.memory_space<vmem>>, vector<16xf32>,
    %swap3A_94 = arith.constant 224 : index
    %swap3A_95 = tpu.vector_load %arg5[%swap3A_94] {strides = array<i32>} : memref<768xf32, #tpu.memory_space<vmem>>, vector<16xf32>,
    %swap3A_96 = vector.shape_cast %swap3A_95 : vector<16xf32> to vector<16xf32>
    %swap3A_97 = vector.shape_cast %broadcast_in_dim3A_38 : vector<16xf32> to vector<16xf32>
    tpu.vector_store %arg5[%swap3A_94], %swap3A_97 {strides = array<i32>} : memref<768xf32, #tpu.memory_space<vmem>>, vector<16xf32>,
    %swap3A_98 = arith.constant 240 : index
    %swap3A_99 = tpu.vector_load %arg5[%swap3A_98] {strides = array<i32>} : memref<768xf32, #tpu.memory_space<vmem>>, vector<16xf32>,
    %swap3A_100 = vector.shape_cast %swap3A_99 : vector<16xf32> to vector<16xf32>
    %swap3A_101 = vector.shape_cast %broadcast_in_dim3A_38 : vector<16xf32> to vector<16xf32>
    tpu.vector_store %arg5[%swap3A_98], %swap3A_101 {strides = array<i32>} : memref<768xf32, #tpu.memory_space<vmem>>, vector<16xf32>,
    %swap3A_102 = arith.constant 256 : index
    %swap3A_103 = tpu.vector_load %arg5[%swap3A_102] {strides = array<i32>} : memref<768xf32, #tpu.memory_space<vmem>>, vector<16xf32>,
    %swap3A_104 = vector.shape_cast %swap3A_103 : vector<16xf32> to vector<16xf32>
    %swap3A_105 = vector.shape_cast %broadcast_in_dim3A_38 : vector<16xf32> to vector<16xf32>
    tpu.vector_store %arg5[%swap3A_102], %swap3A_105 {strides = array<i32>} : memref<768xf32, #tpu.memory_space<vmem>>, vector<16xf32>,
    %swap3A_106 = arith.constant 272 : index
    %swap3A_107 = tpu.vector_load %arg5[%swap3A_106] {strides = array<i32>} : memref<768xf32, #tpu.memory_space<vmem>>, vector<16xf32>,
    %swap3A_108 = vector.shape_cast %swap3A_107 : vector<16xf32> to vector<16xf32>
    %swap3A_109 = vector.shape_cast %broadcast_in_dim3A_38 : vector<16xf32> to vector<16xf32>
    tpu.vector_store %arg5[%swap3A_106], %swap3A_109 {strides = array<i32>} : memref<768xf32, #tpu.memory_space<vmem>>, vector<16xf32>,
    %swap3A_110 = arith.constant 288 : index
    %swap3A_111 = tpu.vector_load %arg5[%swap3A_110] {strides = array<i32>} : memref<768xf32, #tpu.memory_space<vmem>>, vector<16xf32>,
    %swap3A_112 = vector.shape_cast %swap3A_111 : vector<16xf32> to vector<16xf32>
    %swap3A_113 = vector.shape_cast %broadcast_in_dim3A_38 : vector<16xf32> to vector<16xf32>
    tpu.vector_store %arg5[%swap3A_110], %swap3A_113 {strides = array<i32>} : memref<768xf32, #tpu.memory_space<vmem>>, vector<16xf32>,
    %swap3A_114 = arith.constant 304 : index
    %swap3A_115 = tpu.vector_load %arg5[%swap3A_114] {strides = array<i32>} : memref<768xf32, #tpu.memory_space<vmem>>, vector<16xf32>,
    %swap3A_116 = vector.shape_cast %swap3A_115 : vector<16xf32> to vector<16xf32>
    %swap3A_117 = vector.shape_cast %broadcast_in_dim3A_38 : vector<16xf32> to vector<16xf32>
    tpu.vector_store %arg5[%swap3A_114], %swap3A_117 {strides = array<i32>} : memref<768xf32, #tpu.memory_space<vmem>>, vector<16xf32>,
    %swap3A_118 = arith.constant 320 : index
    %swap3A_119 = tpu.vector_load %arg5[%swap3A_118] {strides = array<i32>} : memref<768xf32, #tpu.memory_space<vmem>>, vector<16xf32>,
    %swap3A_120 = vector.shape_cast %swap3A_119 : vector<16xf32> to vector<16xf32>
    %swap3A_121 = vector.shape_cast %broadcast_in_dim3A_38 : vector<16xf32> to vector<16xf32>
    tpu.vector_store %arg5[%swap3A_118], %swap3A_121 {strides = array<i32>} : memref<768xf32, #tpu.memory_space<vmem>>, vector<16xf32>,
    %swap3A_122 = arith.constant 336 : index
    %swap3A_123 = tpu.vector_load %arg5[%swap3A_122] {strides = array<i32>} : memref<768xf32, #tpu.memory_space<vmem>>, vector<16xf32>,
    %swap3A_124 = vector.shape_cast %swap3A_123 : vector<16xf32> to vector<16xf32>
    %swap3A_125 = vector.shape_cast %broadcast_in_dim3A_38 : vector<16xf32> to vector<16xf32>
    tpu.vector_store %arg5[%swap3A_122], %swap3A_125 {strides = array<i32>} : memref<768xf32, #tpu.memory_space<vmem>>, vector<16xf32>,
    %swap3A_126 = arith.constant 352 : index
    %swap3A_127 = tpu.vector_load %arg5[%swap3A_126] {strides = array<i32>} : memref<768xf32, #tpu.memory_space<vmem>>, vector<16xf32>,
    %swap3A_128 = vector.shape_cast %swap3A_127 : vector<16xf32> to vector<16xf32>
    %swap3A_129 = vector.shape_cast %broadcast_in_dim3A_38 : vector<16xf32> to vector<16xf32>
    tpu.vector_store %arg5[%swap3A_126], %swap3A_129 {strides = array<i32>} : memref<768xf32, #tpu.memory_space<vmem>>, vector<16xf32>,
    %swap3A_130 = arith.constant 368 : index
    %swap3A_131 = tpu.vector_load %arg5[%swap3A_130] {strides = array<i32>} : memref<768xf32, #tpu.memory_space<vmem>>, vector<16xf32>,
    %swap3A_132 = vector.shape_cast %swap3A_131 : vector<16xf32> to vector<16xf32>
    %swap3A_133 = vector.shape_cast %broadcast_in_dim3A_38 : vector<16xf32> to vector<16xf32>
    tpu.vector_store %arg5[%swap3A_130], %swap3A_133 {strides = array<i32>} : memref<768xf32, #tpu.memory_space<vmem>>, vector<16xf32>,
    %swap3A_134 = arith.constant 384 : index
    %swap3A_135 = tpu.vector_load %arg5[%swap3A_134] {strides = array<i32>} : memref<768xf32, #tpu.memory_space<vmem>>, vector<16xf32>,
    %swap3A_136 = vector.shape_cast %swap3A_135 : vector<16xf32> to vector<16xf32>
    %swap3A_137 = vector.shape_cast %broadcast_in_dim3A_38 : vector<16xf32> to vector<16xf32>
    tpu.vector_store %arg5[%swap3A_134], %swap3A_137 {strides = array<i32>} : memref<768xf32, #tpu.memory_space<vmem>>, vector<16xf32>,
    %swap3A_138 = arith.constant 400 : index
    %swap3A_139 = tpu.vector_load %arg5[%swap3A_138] {strides = array<i32>} : memref<768xf32, #tpu.memory_space<vmem>>, vector<16xf32>,
    %swap3A_140 = vector.shape_cast %swap3A_139 : vector<16xf32> to vector<16xf32>
    %swap3A_141 = vector.shape_cast %broadcast_in_dim3A_38 : vector<16xf32> to vector<16xf32>
    tpu.vector_store %arg5[%swap3A_138], %swap3A_141 {strides = array<i32>} : memref<768xf32, #tpu.memory_space<vmem>>, vector<16xf32>,
    %swap3A_142 = arith.constant 416 : index
    %swap3A_143 = tpu.vector_load %arg5[%swap3A_142] {strides = array<i32>} : memref<768xf32, #tpu.memory_space<vmem>>, vector<16xf32>,
    %swap3A_144 = vector.shape_cast %swap3A_143 : vector<16xf32> to vector<16xf32>
    %swap3A_145 = vector.shape_cast %broadcast_in_dim3A_38 : vector<16xf32> to vector<16xf32>
    tpu.vector_store %arg5[%swap3A_142], %swap3A_145 {strides = array<i32>} : memref<768xf32, #tpu.memory_space<vmem>>, vector<16xf32>,
    %swap3A_146 = arith.constant 432 : index
    %swap3A_147 = tpu.vector_load %arg5[%swap3A_146] {strides = array<i32>} : memref<768xf32, #tpu.memory_space<vmem>>, vector<16xf32>,
    %swap3A_148 = vector.shape_cast %swap3A_147 : vector<16xf32> to vector<16xf32>
    %swap3A_149 = vector.shape_cast %broadcast_in_dim3A_38 : vector<16xf32> to vector<16xf32>
    tpu.vector_store %arg5[%swap3A_146], %swap3A_149 {strides = array<i32>} : memref<768xf32, #tpu.memory_space<vmem>>, vector<16xf32>,
    %swap3A_150 = arith.constant 448 : index
    %swap3A_151 = tpu.vector_load %arg5[%swap3A_150] {strides = array<i32>} : memref<768xf32, #tpu.memory_space<vmem>>, vector<16xf32>,
    %swap3A_152 = vector.shape_cast %swap3A_151 : vector<16xf32> to vector<16xf32>
    %swap3A_153 = vector.shape_cast %broadcast_in_dim3A_38 : vector<16xf32> to vector<16xf32>
    tpu.vector_store %arg5[%swap3A_150], %swap3A_153 {strides = array<i32>} : memref<768xf32, #tpu.memory_space<vmem>>, vector<16xf32>,
    %swap3A_154 = arith.constant 464 : index
    %swap3A_155 = tpu.vector_load %arg5[%swap3A_154] {strides = array<i32>} : memref<768xf32, #tpu.memory_space<vmem>>, vector<16xf32>,
    %swap3A_156 = vector.shape_cast %swap3A_155 : vector<16xf32> to vector<16xf32>
    %swap3A_157 = vector.shape_cast %broadcast_in_dim3A_38 : vector<16xf32> to vector<16xf32>
    tpu.vector_store %arg5[%swap3A_154], %swap3A_157 {strides = array<i32>} : memref<768xf32, #tpu.memory_space<vmem>>, vector<16xf32>,
    %swap3A_158 = arith.constant 480 : index
    %swap3A_159 = tpu.vector_load %arg5[%swap3A_158] {strides = array<i32>} : memref<768xf32, #tpu.memory_space<vmem>>, vector<16xf32>,
    %swap3A_160 = vector.shape_cast %swap3A_159 : vector<16xf32> to vector<16xf32>
    %swap3A_161 = vector.shape_cast %broadcast_in_dim3A_38 : vector<16xf32> to vector<16xf32>
    tpu.vector_store %arg5[%swap3A_158], %swap3A_161 {strides = array<i32>} : memref<768xf32, #tpu.memory_space<vmem>>, vector<16xf32>,
    %swap3A_162 = arith.constant 496 : index
    %swap3A_163 = tpu.vector_load %arg5[%swap3A_162] {strides = array<i32>} : memref<768xf32, #tpu.memory_space<vmem>>, vector<16xf32>,
    %swap3A_164 = vector.shape_cast %swap3A_163 : vector<16xf32> to vector<16xf32>
    %swap3A_165 = vector.shape_cast %broadcast_in_dim3A_38 : vector<16xf32> to vector<16xf32>
    tpu.vector_store %arg5[%swap3A_162], %swap3A_165 {strides = array<i32>} : memref<768xf32, #tpu.memory_space<vmem>>, vector<16xf32>,
    %swap3A_166 = arith.constant 512 : index
    %swap3A_167 = tpu.vector_load %arg5[%swap3A_166] {strides = array<i32>} : memref<768xf32, #tpu.memory_space<vmem>>, vector<16xf32>,
    %swap3A_168 = vector.shape_cast %swap3A_167 : vector<16xf32> to vector<16xf32>
    %swap3A_169 = vector.shape_cast %broadcast_in_dim3A_38 : vector<16xf32> to vector<16xf32>
    tpu.vector_store %arg5[%swap3A_166], %swap3A_169 {strides = array<i32>} : memref<768xf32, #tpu.memory_space<vmem>>, vector<16xf32>,
    %swap3A_170 = arith.constant 528 : index
    %swap3A_171 = tpu.vector_load %arg5[%swap3A_170] {strides = array<i32>} : memref<768xf32, #tpu.memory_space<vmem>>, vector<16xf32>,
    %swap3A_172 = vector.shape_cast %swap3A_171 : vector<16xf32> to vector<16xf32>
    %swap3A_173 = vector.shape_cast %broadcast_in_dim3A_38 : vector<16xf32> to vector<16xf32>
    tpu.vector_store %arg5[%swap3A_170], %swap3A_173 {strides = array<i32>} : memref<768xf32, #tpu.memory_space<vmem>>, vector<16xf32>,
    %swap3A_174 = arith.constant 544 : index
    %swap3A_175 = tpu.vector_load %arg5[%swap3A_174] {strides = array<i32>} : memref<768xf32, #tpu.memory_space<vmem>>, vector<16xf32>,
    %swap3A_176 = vector.shape_cast %swap3A_175 : vector<16xf32> to vector<16xf32>
    %swap3A_177 = vector.shape_cast %broadcast_in_dim3A_38 : vector<16xf32> to vector<16xf32>
    tpu.vector_store %arg5[%swap3A_174], %swap3A_177 {strides = array<i32>} : memref<768xf32, #tpu.memory_space<vmem>>, vector<16xf32>,
    %swap3A_178 = arith.constant 560 : index
    %swap3A_179 = tpu.vector_load %arg5[%swap3A_178] {strides = array<i32>} : memref<768xf32, #tpu.memory_space<vmem>>, vector<16xf32>,
    %swap3A_180 = vector.shape_cast %swap3A_179 : vector<16xf32> to vector<16xf32>
    %swap3A_181 = vector.shape_cast %broadcast_in_dim3A_38 : vector<16xf32> to vector<16xf32>
    tpu.vector_store %arg5[%swap3A_178], %swap3A_181 {strides = array<i32>} : memref<768xf32, #tpu.memory_space<vmem>>, vector<16xf32>,
    %swap3A_182 = arith.constant 576 : index
    %swap3A_183 = tpu.vector_load %arg5[%swap3A_182] {strides = array<i32>} : memref<768xf32, #tpu.memory_space<vmem>>, vector<16xf32>,
    %swap3A_184 = vector.shape_cast %swap3A_183 : vector<16xf32> to vector<16xf32>
    %swap3A_185 = vector.shape_cast %broadcast_in_dim3A_38 : vector<16xf32> to vector<16xf32>
    tpu.vector_store %arg5[%swap3A_182], %swap3A_185 {strides = array<i32>} : memref<768xf32, #tpu.memory_space<vmem>>, vector<16xf32>,
    %swap3A_186 = arith.constant 592 : index
    %swap3A_187 = tpu.vector_load %arg5[%swap3A_186] {strides = array<i32>} : memref<768xf32, #tpu.memory_space<vmem>>, vector<16xf32>,
    %swap3A_188 = vector.shape_cast %swap3A_187 : vector<16xf32> to vector<16xf32>
    %swap3A_189 = vector.shape_cast %broadcast_in_dim3A_38 : vector<16xf32> to vector<16xf32>
    tpu.vector_store %arg5[%swap3A_186], %swap3A_189 {strides = array<i32>} : memref<768xf32, #tpu.memory_space<vmem>>, vector<16xf32>,
    %swap3A_190 = arith.constant 608 : index
    %swap3A_191 = tpu.vector_load %arg5[%swap3A_190] {strides = array<i32>} : memref<768xf32, #tpu.memory_space<vmem>>, vector<16xf32>,
    %swap3A_192 = vector.shape_cast %swap3A_191 : vector<16xf32> to vector<16xf32>
    %swap3A_193 = vector.shape_cast %broadcast_in_dim3A_38 : vector<16xf32> to vector<16xf32>
    tpu.vector_store %arg5[%swap3A_190], %swap3A_193 {strides = array<i32>} : memref<768xf32, #tpu.memory_space<vmem>>, vector<16xf32>,
    %swap3A_194 = arith.constant 624 : index
    %swap3A_195 = tpu.vector_load %arg5[%swap3A_194] {strides = array<i32>} : memref<768xf32, #tpu.memory_space<vmem>>, vector<16xf32>,
    %swap3A_196 = vector.shape_cast %swap3A_195 : vector<16xf32> to vector<16xf32>
    %swap3A_197 = vector.shape_cast %broadcast_in_dim3A_38 : vector<16xf32> to vector<16xf32>
    tpu.vector_store %arg5[%swap3A_194], %swap3A_197 {strides = array<i32>} : memref<768xf32, #tpu.memory_space<vmem>>, vector<16xf32>,
    %swap3A_198 = arith.constant 640 : index
    %swap3A_199 = tpu.vector_load %arg5[%swap3A_198] {strides = array<i32>} : memref<768xf32, #tpu.memory_space<vmem>>, vector<16xf32>,
    %swap3A_200 = vector.shape_cast %swap3A_199 : vector<16xf32> to vector<16xf32>
    %swap3A_201 = vector.shape_cast %broadcast_in_dim3A_38 : vector<16xf32> to vector<16xf32>
    tpu.vector_store %arg5[%swap3A_198], %swap3A_201 {strides = array<i32>} : memref<768xf32, #tpu.memory_space<vmem>>, vector<16xf32>,
    %swap3A_202 = arith.constant 656 : index
    %swap3A_203 = tpu.vector_load %arg5[%swap3A_202] {strides = array<i32>} : memref<768xf32, #tpu.memory_space<vmem>>, vector<16xf32>,
    %swap3A_204 = vector.shape_cast %swap3A_203 : vector<16xf32> to vector<16xf32>
    %swap3A_205 = vector.shape_cast %broadcast_in_dim3A_38 : vector<16xf32> to vector<16xf32>
    tpu.vector_store %arg5[%swap3A_202], %swap3A_205 {strides = array<i32>} : memref<768xf32, #tpu.memory_space<vmem>>, vector<16xf32>,
    %swap3A_206 = arith.constant 672 : index
    %swap3A_207 = tpu.vector_load %arg5[%swap3A_206] {strides = array<i32>} : memref<768xf32, #tpu.memory_space<vmem>>, vector<16xf32>,
    %swap3A_208 = vector.shape_cast %swap3A_207 : vector<16xf32> to vector<16xf32>
    %swap3A_209 = vector.shape_cast %broadcast_in_dim3A_38 : vector<16xf32> to vector<16xf32>
    tpu.vector_store %arg5[%swap3A_206], %swap3A_209 {strides = array<i32>} : memref<768xf32, #tpu.memory_space<vmem>>, vector<16xf32>,
    %swap3A_210 = arith.constant 688 : index
    %swap3A_211 = tpu.vector_load %arg5[%swap3A_210] {strides = array<i32>} : memref<768xf32, #tpu.memory_space<vmem>>, vector<16xf32>,
    %swap3A_212 = vector.shape_cast %swap3A_211 : vector<16xf32> to vector<16xf32>
    %swap3A_213 = vector.shape_cast %broadcast_in_dim3A_38 : vector<16xf32> to vector<16xf32>
    tpu.vector_store %arg5[%swap3A_210], %swap3A_213 {strides = array<i32>} : memref<768xf32, #tpu.memory_space<vmem>>, vector<16xf32>,
    %swap3A_214 = arith.constant 704 : index
    %swap3A_215 = tpu.vector_load %arg5[%swap3A_214] {strides = array<i32>} : memref<768xf32, #tpu.memory_space<vmem>>, vector<16xf32>,
    %swap3A_216 = vector.shape_cast %swap3A_215 : vector<16xf32> to vector<16xf32>
    %swap3A_217 = vector.shape_cast %broadcast_in_dim3A_38 : vector<16xf32> to vector<16xf32>
    tpu.vector_store %arg5[%swap3A_214], %swap3A_217 {strides = array<i32>} : memref<768xf32, #tpu.memory_space<vmem>>, vector<16xf32>,
    %swap3A_218 = arith.constant 720 : index
    %swap3A_219 = tpu.vector_load %arg5[%swap3A_218] {strides = array<i32>} : memref<768xf32, #tpu.memory_space<vmem>>, vector<16xf32>,
    %swap3A_220 = vector.shape_cast %swap3A_219 : vector<16xf32> to vector<16xf32>
    %swap3A_221 = vector.shape_cast %broadcast_in_dim3A_38 : vector<16xf32> to vector<16xf32>
    tpu.vector_store %arg5[%swap3A_218], %swap3A_221 {strides = array<i32>} : memref<768xf32, #tpu.memory_space<vmem>>, vector<16xf32>,
    %swap3A_222 = arith.constant 736 : index
    %swap3A_223 = tpu.vector_load %arg5[%swap3A_222] {strides = array<i32>} : memref<768xf32, #tpu.memory_space<vmem>>, vector<16xf32>,
    %swap3A_224 = vector.shape_cast %swap3A_223 : vector<16xf32> to vector<16xf32>
    %swap3A_225 = vector.shape_cast %broadcast_in_dim3A_38 : vector<16xf32> to vector<16xf32>
    tpu.vector_store %arg5[%swap3A_222], %swap3A_225 {strides = array<i32>} : memref<768xf32, #tpu.memory_space<vmem>>, vector<16xf32>,
    %swap3A_226 = arith.constant 752 : index
    %swap3A_227 = tpu.vector_load %arg5[%swap3A_226] {strides = array<i32>} : memref<768xf32, #tpu.memory_space<vmem>>, vector<16xf32>,
    %swap3A_228 = vector.shape_cast %swap3A_227 : vector<16xf32> to vector<16xf32>
    %swap3A_229 = vector.shape_cast %broadcast_in_dim3A_38 : vector<16xf32> to vector<16xf32>
    tpu.vector_store %arg5[%swap3A_226], %swap3A_229 {strides = array<i32>} : memref<768xf32, #tpu.memory_space<vmem>>, vector<16xf32>,
    %add3A_230 = arith.constant 0 : i32
    %add3A_231 = arith.addi %add3A_37, %add3A_230 : i32
    %dma_start3A = arith.constant 0 : i32
    %dma_start3A_232 = arith.constant 0 : i32
    %dma_start3A_233 = arith.constant 0 : i32
    %dma_start3A_234 = tpu.memref_slice %arg4[%dma_start3A, %dma_start3A_232, %dma_start3A_233] : memref<2x64x768xf32, #tpu.memory_space<vmem>> -> memref<1x64x768xf32, #tpu.memory_space<vmem>>
    %dma_start3A_235 = tpu.memref_squeeze %dma_start3A_234 : memref<1x64x768xf32, #tpu.memory_space<vmem>> -> memref<64x768xf32, #tpu.memory_space<vmem>>
    %dma_start3A_236 = arith.constant 0 : i32
    %dma_start3A_237 = tpu.memref_slice %arg2[%add3A_231, %dma_start3A_236] : memref<32768x768xf32, #tpu.memory_space<hbm>> -> memref<64x768xf32, #tpu.memory_space<hbm>>
    %dma_start3A_238 = arith.constant 0 : i32
    %dma_start3A_239 = arith.constant 0 : i32
    %dma_start3A_240 = tpu.memref_slice %arg4[%dma_start3A, %dma_start3A_238, %dma_start3A_239] : memref<2x64x768xf32, #tpu.memory_space<vmem>> -> memref<1x64x768xf32, #tpu.memory_space<vmem>>
    %dma_start3A_241 = tpu.memref_squeeze %dma_start3A_240 : memref<1x64x768xf32, #tpu.memory_space<vmem>> -> memref<64x768xf32, #tpu.memory_space<vmem>>
    %dma_start3A_242 = arith.constant 0 : i32
    %dma_start3A_243 = tpu.memref_slice %arg2[%add3A_231, %dma_start3A_242] : memref<32768x768xf32, #tpu.memory_space<hbm>> -> memref<64x768xf32, #tpu.memory_space<hbm>>
    tpu.enqueue_dma source(%dma_start3A_243 : memref<64x768xf32, #tpu.memory_space<hbm>>) target(%dma_start3A_241 : memref<64x768xf32, #tpu.memory_space<vmem>>) target_semaphore(%arg6 : memref<!tpu.dma_semaphore, #tpu.memory_space<semaphore_mem>>)
    %add3A_244 = arith.constant 64 : i32
    %add3A_245 = arith.addi %add3A_37, %add3A_244 : i32
    %dma_start3A_246 = arith.constant 1 : i32
    %dma_start3A_247 = arith.constant 0 : i32
    %dma_start3A_248 = arith.constant 0 : i32
    %dma_start3A_249 = tpu.memref_slice %arg4[%dma_start3A_246, %dma_start3A_247, %dma_start3A_248] : memref<2x64x768xf32, #tpu.memory_space<vmem>> -> memref<1x64x768xf32, #tpu.memory_space<vmem>>
    %dma_start3A_250 = tpu.memref_squeeze %dma_start3A_249 : memref<1x64x768xf32, #tpu.memory_space<vmem>> -> memref<64x768xf32, #tpu.memory_space<vmem>>
    %dma_start3A_251 = arith.constant 0 : i32
    %dma_start3A_252 = tpu.memref_slice %arg2[%add3A_245, %dma_start3A_251] : memref<32768x768xf32, #tpu.memory_space<hbm>> -> memref<64x768xf32, #tpu.memory_space<hbm>>
    %dma_start3A_253 = arith.constant 0 : i32
    %dma_start3A_254 = arith.constant 0 : i32
    %dma_start3A_255 = tpu.memref_slice %arg4[%dma_start3A_246, %dma_start3A_253, %dma_start3A_254] : memref<2x64x768xf32, #tpu.memory_space<vmem>> -> memref<1x64x768xf32, #tpu.memory_space<vmem>>
    %dma_start3A_256 = tpu.memref_squeeze %dma_start3A_255 : memref<1x64x768xf32, #tpu.memory_space<vmem>> -> memref<64x768xf32, #tpu.memory_space<vmem>>
    %dma_start3A_257 = arith.constant 0 : i32
    %dma_start3A_258 = tpu.memref_slice %arg2[%add3A_245, %dma_start3A_257] : memref<32768x768xf32, #tpu.memory_space<hbm>> -> memref<64x768xf32, #tpu.memory_space<hbm>>
    tpu.enqueue_dma source(%dma_start3A_258 : memref<64x768xf32, #tpu.memory_space<hbm>>) target(%dma_start3A_256 : memref<64x768xf32, #tpu.memory_space<vmem>>) target_semaphore(%arg7 : memref<!tpu.dma_semaphore, #tpu.memory_space<semaphore_mem>>)
    %scan3A = arith.constant 0 : i32
    %scan3A_259 = arith.constant 0 : i32
    %scan3A_260 = arith.constant 2 : i32
    %scan3A_261 = arith.addi %scan3A_259, %scan3A_260 : i32
    %scan3A_262 = arith.constant 1 : i32
    scf.for %scan3A_264 = %scan3A_259 to %scan3A_261 step %scan3A_262  : i32 {
      %mul3A_265 = arith.constant 2 : i32
      %mul3A_266 = arith.muli %scan3A_264, %mul3A_265 : i32
      %add3A_267 = arith.constant 0 : i32
      %add3A_268 = arith.addi %mul3A_266, %add3A_267 : i32
      %dma_wait3A = arith.constant 0 : i32
      %dma_wait3A_269 = arith.constant 0 : i32
      %dma_wait3A_270 = arith.constant 0 : i32
      %dma_wait3A_271 = tpu.memref_slice %arg4[%dma_wait3A, %dma_wait3A_269, %dma_wait3A_270] : memref<2x64x768xf32, #tpu.memory_space<vmem>> -> memref<1x64x768xf32, #tpu.memory_space<vmem>>
      %dma_wait3A_272 = tpu.memref_squeeze %dma_wait3A_271 : memref<1x64x768xf32, #tpu.memory_space<vmem>> -> memref<64x768xf32, #tpu.memory_space<vmem>>
      %dma_wait3A_273 = arith.constant 0 : i32
      %dma_wait3A_274 = arith.constant 0 : i32
      %dma_wait3A_275 = tpu.memref_slice %arg2[%dma_wait3A_273, %dma_wait3A_274] : memref<32768x768xf32, #tpu.memory_space<hbm>> -> memref<64x768xf32, #tpu.memory_space<hbm>>
      %dma_wait3A_276 = arith.constant 0 : i32
      %dma_wait3A_277 = arith.constant 0 : i32
      %dma_wait3A_278 = tpu.memref_slice %arg4[%dma_wait3A, %dma_wait3A_276, %dma_wait3A_277] : memref<2x64x768xf32, #tpu.memory_space<vmem>> -> memref<1x64x768xf32, #tpu.memory_space<vmem>>
      %dma_wait3A_279 = tpu.memref_squeeze %dma_wait3A_278 : memref<1x64x768xf32, #tpu.memory_space<vmem>> -> memref<64x768xf32, #tpu.memory_space<vmem>>
      %dma_wait3A_280 = arith.constant 0 : i32
      %dma_wait3A_281 = arith.constant 0 : i32
      %dma_wait3A_282 = tpu.memref_slice %arg2[%dma_wait3A_280, %dma_wait3A_281] : memref<32768x768xf32, #tpu.memory_space<hbm>> -> memref<64x768xf32, #tpu.memory_space<hbm>>
      tpu.wait_dma2 semaphore(%arg6 : memref<!tpu.dma_semaphore, #tpu.memory_space<semaphore_mem>>) src(%dma_wait3A_282 : memref<64x768xf32, #tpu.memory_space<hbm>>) dst(%dma_wait3A_279 : memref<64x768xf32, #tpu.memory_space<vmem>>)
      %get3A = arith.constant 0 : index
      %get3A_283 = tpu.vector_load %arg5[%get3A] {strides = array<i32>} : memref<768xf32, #tpu.memory_space<vmem>>, vector<16xf32>,
      %get3A_284 = vector.shape_cast %get3A_283 : vector<16xf32> to vector<16xf32>
      %get3A_285 = arith.constant 16 : index
      %get3A_286 = tpu.vector_load %arg5[%get3A_285] {strides = array<i32>} : memref<768xf32, #tpu.memory_space<vmem>>, vector<16xf32>,
      %get3A_287 = vector.shape_cast %get3A_286 : vector<16xf32> to vector<16xf32>
      %get3A_288 = arith.constant 32 : index
      %get3A_289 = tpu.vector_load %arg5[%get3A_288] {strides = array<i32>} : memref<768xf32, #tpu.memory_space<vmem>>, vector<16xf32>,
      %get3A_290 = vector.shape_cast %get3A_289 : vector<16xf32> to vector<16xf32>
      %get3A_291 = arith.constant 48 : index
      %get3A_292 = tpu.vector_load %arg5[%get3A_291] {strides = array<i32>} : memref<768xf32, #tpu.memory_space<vmem>>, vector<16xf32>,
      %get3A_293 = vector.shape_cast %get3A_292 : vector<16xf32> to vector<16xf32>
      %get3A_294 = arith.constant 64 : index
      %get3A_295 = tpu.vector_load %arg5[%get3A_294] {strides = array<i32>} : memref<768xf32, #tpu.memory_space<vmem>>, vector<16xf32>,
      %get3A_296 = vector.shape_cast %get3A_295 : vector<16xf32> to vector<16xf32>
      %get3A_297 = arith.constant 80 : index
      %get3A_298 = tpu.vector_load %arg5[%get3A_297] {strides = array<i32>} : memref<768xf32, #tpu.memory_space<vmem>>, vector<16xf32>,
      %get3A_299 = vector.shape_cast %get3A_298 : vector<16xf32> to vector<16xf32>
      %get3A_300 = arith.constant 96 : index
      %get3A_301 = tpu.vector_load %arg5[%get3A_300] {strides = array<i32>} : memref<768xf32, #tpu.memory_space<vmem>>, vector<16xf32>,
      %get3A_302 = vector.shape_cast %get3A_301 : vector<16xf32> to vector<16xf32>
      %get3A_303 = arith.constant 112 : index
      %get3A_304 = tpu.vector_load %arg5[%get3A_303] {strides = array<i32>} : memref<768xf32, #tpu.memory_space<vmem>>, vector<16xf32>,
      %get3A_305 = vector.shape_cast %get3A_304 : vector<16xf32> to vector<16xf32>
      %get3A_306 = arith.constant 128 : index
      %get3A_307 = tpu.vector_load %arg5[%get3A_306] {strides = array<i32>} : memref<768xf32, #tpu.memory_space<vmem>>, vector<16xf32>,
      %get3A_308 = vector.shape_cast %get3A_307 : vector<16xf32> to vector<16xf32>
      %get3A_309 = arith.constant 144 : index
      %get3A_310 = tpu.vector_load %arg5[%get3A_309] {strides = array<i32>} : memref<768xf32, #tpu.memory_space<vmem>>, vector<16xf32>,
      %get3A_311 = vector.shape_cast %get3A_310 : vector<16xf32> to vector<16xf32>
      %get3A_312 = arith.constant 160 : index
      %get3A_313 = tpu.vector_load %arg5[%get3A_312] {strides = array<i32>} : memref<768xf32, #tpu.memory_space<vmem>>, vector<16xf32>,
      %get3A_314 = vector.shape_cast %get3A_313 : vector<16xf32> to vector<16xf32>
      %get3A_315 = arith.constant 176 : index
      %get3A_316 = tpu.vector_load %arg5[%get3A_315] {strides = array<i32>} : memref<768xf32, #tpu.memory_space<vmem>>, vector<16xf32>,
      %get3A_317 = vector.shape_cast %get3A_316 : vector<16xf32> to vector<16xf32>
      %scan3A_318 = arith.constant 0 : i32
      %scan3A_319 = arith.constant 64 : i32
      %scan3A_320 = arith.addi %scan3A_318, %scan3A_319 : i32
      %scan3A_321 = arith.constant 1 : i32
      %scan3A_322:12 = scf.for %scan3A_1029 = %scan3A_318 to %scan3A_320 step %scan3A_321 iter_args(%scan3A_1030 = %get3A_284, %scan3A_1031 = %get3A_287, %scan3A_1032 = %get3A_290, %scan3A_1033 = %get3A_293, %scan3A_1034 = %get3A_296, %scan3A_1035 = %get3A_299, %scan3A_1036 = %get3A_302, %scan3A_1037 = %get3A_305, %scan3A_1038 = %get3A_308, %scan3A_1039 = %get3A_311, %scan3A_1040 = %get3A_314, %scan3A_1041 = %get3A_317) -> (vector<16xf32>, vector<16xf32>, vector<16xf32>, vector<16xf32>, vector<16xf32>, vector<16xf32>, vector<16xf32>, vector<16xf32>, vector<16xf32>, vector<16xf32>, vector<16xf32>, vector<16xf32>)  : i32 {
        %get3A_1042 = arith.constant 0 : i32
        %get3A_1043 = arith.index_cast %get3A_1042 : i32 to index
        %get3A_1044 = arith.index_cast %scan3A_1029 : i32 to index
        %get3A_1045 = arith.constant 0 : index
        %get3A_1046 = tpu.vector_load %arg4[%get3A_1043, %get3A_1044, %get3A_1045] {strides = array<i32>} : memref<2x64x768xf32, #tpu.memory_space<vmem>>, vector<1x1x16xf32>,
        %get3A_1047 = vector.shape_cast %get3A_1046 : vector<1x1x16xf32> to vector<16xf32>
        %add3A_1048 = arith.addf %scan3A_1030, %get3A_1047 : vector<16xf32>
        %get3A_1049 = arith.constant 0 : i32
        %get3A_1050 = arith.index_cast %get3A_1049 : i32 to index
        %get3A_1051 = arith.index_cast %scan3A_1029 : i32 to index
        %get3A_1052 = arith.constant 16 : index
        %get3A_1053 = tpu.vector_load %arg4[%get3A_1050, %get3A_1051, %get3A_1052] {strides = array<i32>} : memref<2x64x768xf32, #tpu.memory_space<vmem>>, vector<1x1x16xf32>,
        %get3A_1054 = vector.shape_cast %get3A_1053 : vector<1x1x16xf32> to vector<16xf32>
        %add3A_1055 = arith.addf %scan3A_1031, %get3A_1054 : vector<16xf32>
        %get3A_1056 = arith.constant 0 : i32
        %get3A_1057 = arith.index_cast %get3A_1056 : i32 to index
        %get3A_1058 = arith.index_cast %scan3A_1029 : i32 to index
        %get3A_1059 = arith.constant 32 : index
        %get3A_1060 = tpu.vector_load %arg4[%get3A_1057, %get3A_1058, %get3A_1059] {strides = array<i32>} : memref<2x64x768xf32, #tpu.memory_space<vmem>>, vector<1x1x16xf32>,
        %get3A_1061 = vector.shape_cast %get3A_1060 : vector<1x1x16xf32> to vector<16xf32>
        %add3A_1062 = arith.addf %scan3A_1032, %get3A_1061 : vector<16xf32>
        %get3A_1063 = arith.constant 0 : i32
        %get3A_1064 = arith.index_cast %get3A_1063 : i32 to index
        %get3A_1065 = arith.index_cast %scan3A_1029 : i32 to index
        %get3A_1066 = arith.constant 48 : index
        %get3A_1067 = tpu.vector_load %arg4[%get3A_1064, %get3A_1065, %get3A_1066] {strides = array<i32>} : memref<2x64x768xf32, #tpu.memory_space<vmem>>, vector<1x1x16xf32>,
        %get3A_1068 = vector.shape_cast %get3A_1067 : vector<1x1x16xf32> to vector<16xf32>
        %add3A_1069 = arith.addf %scan3A_1033, %get3A_1068 : vector<16xf32>
        %get3A_1070 = arith.constant 0 : i32
        %get3A_1071 = arith.index_cast %get3A_1070 : i32 to index
        %get3A_1072 = arith.index_cast %scan3A_1029 : i32 to index
        %get3A_1073 = arith.constant 64 : index
        %get3A_1074 = tpu.vector_load %arg4[%get3A_1071, %get3A_1072, %get3A_1073] {strides = array<i32>} : memref<2x64x768xf32, #tpu.memory_space<vmem>>, vector<1x1x16xf32>,
        %get3A_1075 = vector.shape_cast %get3A_1074 : vector<1x1x16xf32> to vector<16xf32>
        %add3A_1076 = arith.addf %scan3A_1034, %get3A_1075 : vector<16xf32>
        %get3A_1077 = arith.constant 0 : i32
        %get3A_1078 = arith.index_cast %get3A_1077 : i32 to index
        %get3A_1079 = arith.index_cast %scan3A_1029 : i32 to index
        %get3A_1080 = arith.constant 80 : index
        %get3A_1081 = tpu.vector_load %arg4[%get3A_1078, %get3A_1079, %get3A_1080] {strides = array<i32>} : memref<2x64x768xf32, #tpu.memory_space<vmem>>, vector<1x1x16xf32>,
        %get3A_1082 = vector.shape_cast %get3A_1081 : vector<1x1x16xf32> to vector<16xf32>
        %add3A_1083 = arith.addf %scan3A_1035, %get3A_1082 : vector<16xf32>
        %get3A_1084 = arith.constant 0 : i32
        %get3A_1085 = arith.index_cast %get3A_1084 : i32 to index
        %get3A_1086 = arith.index_cast %scan3A_1029 : i32 to index
        %get3A_1087 = arith.constant 96 : index
        %get3A_1088 = tpu.vector_load %arg4[%get3A_1085, %get3A_1086, %get3A_1087] {strides = array<i32>} : memref<2x64x768xf32, #tpu.memory_space<vmem>>, vector<1x1x16xf32>,
        %get3A_1089 = vector.shape_cast %get3A_1088 : vector<1x1x16xf32> to vector<16xf32>
        %add3A_1090 = arith.addf %scan3A_1036, %get3A_1089 : vector<16xf32>
        %get3A_1091 = arith.constant 0 : i32
        %get3A_1092 = arith.index_cast %get3A_1091 : i32 to index
        %get3A_1093 = arith.index_cast %scan3A_1029 : i32 to index
        %get3A_1094 = arith.constant 112 : index
        %get3A_1095 = tpu.vector_load %arg4[%get3A_1092, %get3A_1093, %get3A_1094] {strides = array<i32>} : memref<2x64x768xf32, #tpu.memory_space<vmem>>, vector<1x1x16xf32>,
        %get3A_1096 = vector.shape_cast %get3A_1095 : vector<1x1x16xf32> to vector<16xf32>
        %add3A_1097 = arith.addf %scan3A_1037, %get3A_1096 : vector<16xf32>
        %get3A_1098 = arith.constant 0 : i32
        %get3A_1099 = arith.index_cast %get3A_1098 : i32 to index
        %get3A_1100 = arith.index_cast %scan3A_1029 : i32 to index
        %get3A_1101 = arith.constant 128 : index
        %get3A_1102 = tpu.vector_load %arg4[%get3A_1099, %get3A_1100, %get3A_1101] {strides = array<i32>} : memref<2x64x768xf32, #tpu.memory_space<vmem>>, vector<1x1x16xf32>,
        %get3A_1103 = vector.shape_cast %get3A_1102 : vector<1x1x16xf32> to vector<16xf32>
        %add3A_1104 = arith.addf %scan3A_1038, %get3A_1103 : vector<16xf32>
        %get3A_1105 = arith.constant 0 : i32
        %get3A_1106 = arith.index_cast %get3A_1105 : i32 to index
        %get3A_1107 = arith.index_cast %scan3A_1029 : i32 to index
        %get3A_1108 = arith.constant 144 : index
        %get3A_1109 = tpu.vector_load %arg4[%get3A_1106, %get3A_1107, %get3A_1108] {strides = array<i32>} : memref<2x64x768xf32, #tpu.memory_space<vmem>>, vector<1x1x16xf32>,
        %get3A_1110 = vector.shape_cast %get3A_1109 : vector<1x1x16xf32> to vector<16xf32>
        %add3A_1111 = arith.addf %scan3A_1039, %get3A_1110 : vector<16xf32>
        %get3A_1112 = arith.constant 0 : i32
        %get3A_1113 = arith.index_cast %get3A_1112 : i32 to index
        %get3A_1114 = arith.index_cast %scan3A_1029 : i32 to index
        %get3A_1115 = arith.constant 160 : index
        %get3A_1116 = tpu.vector_load %arg4[%get3A_1113, %get3A_1114, %get3A_1115] {strides = array<i32>} : memref<2x64x768xf32, #tpu.memory_space<vmem>>, vector<1x1x16xf32>,
        %get3A_1117 = vector.shape_cast %get3A_1116 : vector<1x1x16xf32> to vector<16xf32>
        %add3A_1118 = arith.addf %scan3A_1040, %get3A_1117 : vector<16xf32>
        %get3A_1119 = arith.constant 0 : i32
        %get3A_1120 = arith.index_cast %get3A_1119 : i32 to index
        %get3A_1121 = arith.index_cast %scan3A_1029 : i32 to index
        %get3A_1122 = arith.constant 176 : index
        %get3A_1123 = tpu.vector_load %arg4[%get3A_1120, %get3A_1121, %get3A_1122] {strides = array<i32>} : memref<2x64x768xf32, #tpu.memory_space<vmem>>, vector<1x1x16xf32>,
        %get3A_1124 = vector.shape_cast %get3A_1123 : vector<1x1x16xf32> to vector<16xf32>
        %add3A_1125 = arith.addf %scan3A_1041, %get3A_1124 : vector<16xf32>
        scf.yield %add3A_1048, %add3A_1055, %add3A_1062, %add3A_1069, %add3A_1076, %add3A_1083, %add3A_1090, %add3A_1097, %add3A_1104, %add3A_1111, %add3A_1118, %add3A_1125 : vector<16xf32>, vector<16xf32>, vector<16xf32>, vector<16xf32>, vector<16xf32>, vector<16xf32>, vector<16xf32>, vector<16xf32>, vector<16xf32>, vector<16xf32>, vector<16xf32>, vector<16xf32>
      }
      %scan3A_323 = arith.constant 64 : i32
      %swap3A_324 = arith.constant 0 : index
      %swap3A_325 = tpu.vector_load %arg5[%swap3A_324] {strides = array<i32>} : memref<768xf32, #tpu.memory_space<vmem>>, vector<16xf32>,
      %swap3A_326 = vector.shape_cast %swap3A_325 : vector<16xf32> to vector<16xf32>
      %swap3A_327 = vector.shape_cast %scan3A_322#0 : vector<16xf32> to vector<16xf32>
      tpu.vector_store %arg5[%swap3A_324], %swap3A_327 {strides = array<i32>} : memref<768xf32, #tpu.memory_space<vmem>>, vector<16xf32>,
      %swap3A_328 = arith.constant 16 : index
      %swap3A_329 = tpu.vector_load %arg5[%swap3A_328] {strides = array<i32>} : memref<768xf32, #tpu.memory_space<vmem>>, vector<16xf32>,
      %swap3A_330 = vector.shape_cast %swap3A_329 : vector<16xf32> to vector<16xf32>
      %swap3A_331 = vector.shape_cast %scan3A_322#1 : vector<16xf32> to vector<16xf32>
      tpu.vector_store %arg5[%swap3A_328], %swap3A_331 {strides = array<i32>} : memref<768xf32, #tpu.memory_space<vmem>>, vector<16xf32>,
      %swap3A_332 = arith.constant 32 : index
      %swap3A_333 = tpu.vector_load %arg5[%swap3A_332] {strides = array<i32>} : memref<768xf32, #tpu.memory_space<vmem>>, vector<16xf32>,
      %swap3A_334 = vector.shape_cast %swap3A_333 : vector<16xf32> to vector<16xf32>
      %swap3A_335 = vector.shape_cast %scan3A_322#2 : vector<16xf32> to vector<16xf32>
      tpu.vector_store %arg5[%swap3A_332], %swap3A_335 {strides = array<i32>} : memref<768xf32, #tpu.memory_space<vmem>>, vector<16xf32>,
      %swap3A_336 = arith.constant 48 : index
      %swap3A_337 = tpu.vector_load %arg5[%swap3A_336] {strides = array<i32>} : memref<768xf32, #tpu.memory_space<vmem>>, vector<16xf32>,
      %swap3A_338 = vector.shape_cast %swap3A_337 : vector<16xf32> to vector<16xf32>
      %swap3A_339 = vector.shape_cast %scan3A_322#3 : vector<16xf32> to vector<16xf32>
      tpu.vector_store %arg5[%swap3A_336], %swap3A_339 {strides = array<i32>} : memref<768xf32, #tpu.memory_space<vmem>>, vector<16xf32>,
      %swap3A_340 = arith.constant 64 : index
      %swap3A_341 = tpu.vector_load %arg5[%swap3A_340] {strides = array<i32>} : memref<768xf32, #tpu.memory_space<vmem>>, vector<16xf32>,
      %swap3A_342 = vector.shape_cast %swap3A_341 : vector<16xf32> to vector<16xf32>
      %swap3A_343 = vector.shape_cast %scan3A_322#4 : vector<16xf32> to vector<16xf32>
      tpu.vector_store %arg5[%swap3A_340], %swap3A_343 {strides = array<i32>} : memref<768xf32, #tpu.memory_space<vmem>>, vector<16xf32>,
      %swap3A_344 = arith.constant 80 : index
      %swap3A_345 = tpu.vector_load %arg5[%swap3A_344] {strides = array<i32>} : memref<768xf32, #tpu.memory_space<vmem>>, vector<16xf32>,
      %swap3A_346 = vector.shape_cast %swap3A_345 : vector<16xf32> to vector<16xf32>
      %swap3A_347 = vector.shape_cast %scan3A_322#5 : vector<16xf32> to vector<16xf32>
      tpu.vector_store %arg5[%swap3A_344], %swap3A_347 {strides = array<i32>} : memref<768xf32, #tpu.memory_space<vmem>>, vector<16xf32>,
      %swap3A_348 = arith.constant 96 : index
      %swap3A_349 = tpu.vector_load %arg5[%swap3A_348] {strides = array<i32>} : memref<768xf32, #tpu.memory_space<vmem>>, vector<16xf32>,
      %swap3A_350 = vector.shape_cast %swap3A_349 : vector<16xf32> to vector<16xf32>
      %swap3A_351 = vector.shape_cast %scan3A_322#6 : vector<16xf32> to vector<16xf32>
      tpu.vector_store %arg5[%swap3A_348], %swap3A_351 {strides = array<i32>} : memref<768xf32, #tpu.memory_space<vmem>>, vector<16xf32>,
      %swap3A_352 = arith.constant 112 : index
      %swap3A_353 = tpu.vector_load %arg5[%swap3A_352] {strides = array<i32>} : memref<768xf32, #tpu.memory_space<vmem>>, vector<16xf32>,
      %swap3A_354 = vector.shape_cast %swap3A_353 : vector<16xf32> to vector<16xf32>
      %swap3A_355 = vector.shape_cast %scan3A_322#7 : vector<16xf32> to vector<16xf32>
      tpu.vector_store %arg5[%swap3A_352], %swap3A_355 {strides = array<i32>} : memref<768xf32, #tpu.memory_space<vmem>>, vector<16xf32>,
      %swap3A_356 = arith.constant 128 : index
      %swap3A_357 = tpu.vector_load %arg5[%swap3A_356] {strides = array<i32>} : memref<768xf32, #tpu.memory_space<vmem>>, vector<16xf32>,
      %swap3A_358 = vector.shape_cast %swap3A_357 : vector<16xf32> to vector<16xf32>
      %swap3A_359 = vector.shape_cast %scan3A_322#8 : vector<16xf32> to vector<16xf32>
      tpu.vector_store %arg5[%swap3A_356], %swap3A_359 {strides = array<i32>} : memref<768xf32, #tpu.memory_space<vmem>>, vector<16xf32>,
      %swap3A_360 = arith.constant 144 : index
      %swap3A_361 = tpu.vector_load %arg5[%swap3A_360] {strides = array<i32>} : memref<768xf32, #tpu.memory_space<vmem>>, vector<16xf32>,
      %swap3A_362 = vector.shape_cast %swap3A_361 : vector<16xf32> to vector<16xf32>
      %swap3A_363 = vector.shape_cast %scan3A_322#9 : vector<16xf32> to vector<16xf32>
      tpu.vector_store %arg5[%swap3A_360], %swap3A_363 {strides = array<i32>} : memref<768xf32, #tpu.memory_space<vmem>>, vector<16xf32>,
      %swap3A_364 = arith.constant 160 : index
      %swap3A_365 = tpu.vector_load %arg5[%swap3A_364] {strides = array<i32>} : memref<768xf32, #tpu.memory_space<vmem>>, vector<16xf32>,
      %swap3A_366 = vector.shape_cast %swap3A_365 : vector<16xf32> to vector<16xf32>
      %swap3A_367 = vector.shape_cast %scan3A_322#10 : vector<16xf32> to vector<16xf32>
      tpu.vector_store %arg5[%swap3A_364], %swap3A_367 {strides = array<i32>} : memref<768xf32, #tpu.memory_space<vmem>>, vector<16xf32>,
      %swap3A_368 = arith.constant 176 : index
      %swap3A_369 = tpu.vector_load %arg5[%swap3A_368] {strides = array<i32>} : memref<768xf32, #tpu.memory_space<vmem>>, vector<16xf32>,
      %swap3A_370 = vector.shape_cast %swap3A_369 : vector<16xf32> to vector<16xf32>
      %swap3A_371 = vector.shape_cast %scan3A_322#11 : vector<16xf32> to vector<16xf32>
      tpu.vector_store %arg5[%swap3A_368], %swap3A_371 {strides = array<i32>} : memref<768xf32, #tpu.memory_space<vmem>>, vector<16xf32>,
      %get3A_372 = arith.constant 192 : index
      %get3A_373 = tpu.vector_load %arg5[%get3A_372] {strides = array<i32>} : memref<768xf32, #tpu.memory_space<vmem>>, vector<16xf32>,
      %get3A_374 = vector.shape_cast %get3A_373 : vector<16xf32> to vector<16xf32>
      %get3A_375 = arith.constant 208 : index
      %get3A_376 = tpu.vector_load %arg5[%get3A_375] {strides = array<i32>} : memref<768xf32, #tpu.memory_space<vmem>>, vector<16xf32>,
      %get3A_377 = vector.shape_cast %get3A_376 : vector<16xf32> to vector<16xf32>
      %get3A_378 = arith.constant 224 : index
      %get3A_379 = tpu.vector_load %arg5[%get3A_378] {strides = array<i32>} : memref<768xf32, #tpu.memory_space<vmem>>, vector<16xf32>,
      %get3A_380 = vector.shape_cast %get3A_379 : vector<16xf32> to vector<16xf32>
      %get3A_381 = arith.constant 240 : index
      %get3A_382 = tpu.vector_load %arg5[%get3A_381] {strides = array<i32>} : memref<768xf32, #tpu.memory_space<vmem>>, vector<16xf32>,
      %get3A_383 = vector.shape_cast %get3A_382 : vector<16xf32> to vector<16xf32>
      %get3A_384 = arith.constant 256 : index
      %get3A_385 = tpu.vector_load %arg5[%get3A_384] {strides = array<i32>} : memref<768xf32, #tpu.memory_space<vmem>>, vector<16xf32>,
      %get3A_386 = vector.shape_cast %get3A_385 : vector<16xf32> to vector<16xf32>
      %get3A_387 = arith.constant 272 : index
      %get3A_388 = tpu.vector_load %arg5[%get3A_387] {strides = array<i32>} : memref<768xf32, #tpu.memory_space<vmem>>, vector<16xf32>,
      %get3A_389 = vector.shape_cast %get3A_388 : vector<16xf32> to vector<16xf32>
      %get3A_390 = arith.constant 288 : index
      %get3A_391 = tpu.vector_load %arg5[%get3A_390] {strides = array<i32>} : memref<768xf32, #tpu.memory_space<vmem>>, vector<16xf32>,
      %get3A_392 = vector.shape_cast %get3A_391 : vector<16xf32> to vector<16xf32>
      %get3A_393 = arith.constant 304 : index
      %get3A_394 = tpu.vector_load %arg5[%get3A_393] {strides = array<i32>} : memref<768xf32, #tpu.memory_space<vmem>>, vector<16xf32>,
      %get3A_395 = vector.shape_cast %get3A_394 : vector<16xf32> to vector<16xf32>
      %get3A_396 = arith.constant 320 : index
      %get3A_397 = tpu.vector_load %arg5[%get3A_396] {strides = array<i32>} : memref<768xf32, #tpu.memory_space<vmem>>, vector<16xf32>,
      %get3A_398 = vector.shape_cast %get3A_397 : vector<16xf32> to vector<16xf32>
      %get3A_399 = arith.constant 336 : index
      %get3A_400 = tpu.vector_load %arg5[%get3A_399] {strides = array<i32>} : memref<768xf32, #tpu.memory_space<vmem>>, vector<16xf32>,
      %get3A_401 = vector.shape_cast %get3A_400 : vector<16xf32> to vector<16xf32>
      %get3A_402 = arith.constant 352 : index
      %get3A_403 = tpu.vector_load %arg5[%get3A_402] {strides = array<i32>} : memref<768xf32, #tpu.memory_space<vmem>>, vector<16xf32>,
      %get3A_404 = vector.shape_cast %get3A_403 : vector<16xf32> to vector<16xf32>
      %get3A_405 = arith.constant 368 : index
      %get3A_406 = tpu.vector_load %arg5[%get3A_405] {strides = array<i32>} : memref<768xf32, #tpu.memory_space<vmem>>, vector<16xf32>,
      %get3A_407 = vector.shape_cast %get3A_406 : vector<16xf32> to vector<16xf32>
      %scan3A_408 = arith.constant 0 : i32
      %scan3A_409 = arith.constant 64 : i32
      %scan3A_410 = arith.addi %scan3A_408, %scan3A_409 : i32
      %scan3A_411 = arith.constant 1 : i32
      %scan3A_412:12 = scf.for %scan3A_1029 = %scan3A_408 to %scan3A_410 step %scan3A_411 iter_args(%scan3A_1030 = %get3A_374, %scan3A_1031 = %get3A_377, %scan3A_1032 = %get3A_380, %scan3A_1033 = %get3A_383, %scan3A_1034 = %get3A_386, %scan3A_1035 = %get3A_389, %scan3A_1036 = %get3A_392, %scan3A_1037 = %get3A_395, %scan3A_1038 = %get3A_398, %scan3A_1039 = %get3A_401, %scan3A_1040 = %get3A_404, %scan3A_1041 = %get3A_407) -> (vector<16xf32>, vector<16xf32>, vector<16xf32>, vector<16xf32>, vector<16xf32>, vector<16xf32>, vector<16xf32>, vector<16xf32>, vector<16xf32>, vector<16xf32>, vector<16xf32>, vector<16xf32>)  : i32 {
        %get3A_1042 = arith.constant 0 : i32
        %get3A_1043 = arith.index_cast %get3A_1042 : i32 to index
        %get3A_1044 = arith.index_cast %scan3A_1029 : i32 to index
        %get3A_1045 = arith.constant 192 : index
        %get3A_1046 = tpu.vector_load %arg4[%get3A_1043, %get3A_1044, %get3A_1045] {strides = array<i32>} : memref<2x64x768xf32, #tpu.memory_space<vmem>>, vector<1x1x16xf32>,
        %get3A_1047 = vector.shape_cast %get3A_1046 : vector<1x1x16xf32> to vector<16xf32>
        %add3A_1048 = arith.addf %scan3A_1030, %get3A_1047 : vector<16xf32>
        %get3A_1049 = arith.constant 0 : i32
        %get3A_1050 = arith.index_cast %get3A_1049 : i32 to index
        %get3A_1051 = arith.index_cast %scan3A_1029 : i32 to index
        %get3A_1052 = arith.constant 208 : index
        %get3A_1053 = tpu.vector_load %arg4[%get3A_1050, %get3A_1051, %get3A_1052] {strides = array<i32>} : memref<2x64x768xf32, #tpu.memory_space<vmem>>, vector<1x1x16xf32>,
        %get3A_1054 = vector.shape_cast %get3A_1053 : vector<1x1x16xf32> to vector<16xf32>
        %add3A_1055 = arith.addf %scan3A_1031, %get3A_1054 : vector<16xf32>
        %get3A_1056 = arith.constant 0 : i32
        %get3A_1057 = arith.index_cast %get3A_1056 : i32 to index
        %get3A_1058 = arith.index_cast %scan3A_1029 : i32 to index
        %get3A_1059 = arith.constant 224 : index
        %get3A_1060 = tpu.vector_load %arg4[%get3A_1057, %get3A_1058, %get3A_1059] {strides = array<i32>} : memref<2x64x768xf32, #tpu.memory_space<vmem>>, vector<1x1x16xf32>,
        %get3A_1061 = vector.shape_cast %get3A_1060 : vector<1x1x16xf32> to vector<16xf32>
        %add3A_1062 = arith.addf %scan3A_1032, %get3A_1061 : vector<16xf32>
        %get3A_1063 = arith.constant 0 : i32
        %get3A_1064 = arith.index_cast %get3A_1063 : i32 to index
        %get3A_1065 = arith.index_cast %scan3A_1029 : i32 to index
        %get3A_1066 = arith.constant 240 : index
        %get3A_1067 = tpu.vector_load %arg4[%get3A_1064, %get3A_1065, %get3A_1066] {strides = array<i32>} : memref<2x64x768xf32, #tpu.memory_space<vmem>>, vector<1x1x16xf32>,
        %get3A_1068 = vector.shape_cast %get3A_1067 : vector<1x1x16xf32> to vector<16xf32>
        %add3A_1069 = arith.addf %scan3A_1033, %get3A_1068 : vector<16xf32>
        %get3A_1070 = arith.constant 0 : i32
        %get3A_1071 = arith.index_cast %get3A_1070 : i32 to index
        %get3A_1072 = arith.index_cast %scan3A_1029 : i32 to index
        %get3A_1073 = arith.constant 256 : index
        %get3A_1074 = tpu.vector_load %arg4[%get3A_1071, %get3A_1072, %get3A_1073] {strides = array<i32>} : memref<2x64x768xf32, #tpu.memory_space<vmem>>, vector<1x1x16xf32>,
        %get3A_1075 = vector.shape_cast %get3A_1074 : vector<1x1x16xf32> to vector<16xf32>
        %add3A_1076 = arith.addf %scan3A_1034, %get3A_1075 : vector<16xf32>
        %get3A_1077 = arith.constant 0 : i32
        %get3A_1078 = arith.index_cast %get3A_1077 : i32 to index
        %get3A_1079 = arith.index_cast %scan3A_1029 : i32 to index
        %get3A_1080 = arith.constant 272 : index
        %get3A_1081 = tpu.vector_load %arg4[%get3A_1078, %get3A_1079, %get3A_1080] {strides = array<i32>} : memref<2x64x768xf32, #tpu.memory_space<vmem>>, vector<1x1x16xf32>,
        %get3A_1082 = vector.shape_cast %get3A_1081 : vector<1x1x16xf32> to vector<16xf32>
        %add3A_1083 = arith.addf %scan3A_1035, %get3A_1082 : vector<16xf32>
        %get3A_1084 = arith.constant 0 : i32
        %get3A_1085 = arith.index_cast %get3A_1084 : i32 to index
        %get3A_1086 = arith.index_cast %scan3A_1029 : i32 to index
        %get3A_1087 = arith.constant 288 : index
        %get3A_1088 = tpu.vector_load %arg4[%get3A_1085, %get3A_1086, %get3A_1087] {strides = array<i32>} : memref<2x64x768xf32, #tpu.memory_space<vmem>>, vector<1x1x16xf32>,
        %get3A_1089 = vector.shape_cast %get3A_1088 : vector<1x1x16xf32> to vector<16xf32>
        %add3A_1090 = arith.addf %scan3A_1036, %get3A_1089 : vector<16xf32>
        %get3A_1091 = arith.constant 0 : i32
        %get3A_1092 = arith.index_cast %get3A_1091 : i32 to index
        %get3A_1093 = arith.index_cast %scan3A_1029 : i32 to index
        %get3A_1094 = arith.constant 304 : index
        %get3A_1095 = tpu.vector_load %arg4[%get3A_1092, %get3A_1093, %get3A_1094] {strides = array<i32>} : memref<2x64x768xf32, #tpu.memory_space<vmem>>, vector<1x1x16xf32>,
        %get3A_1096 = vector.shape_cast %get3A_1095 : vector<1x1x16xf32> to vector<16xf32>
        %add3A_1097 = arith.addf %scan3A_1037, %get3A_1096 : vector<16xf32>
        %get3A_1098 = arith.constant 0 : i32
        %get3A_1099 = arith.index_cast %get3A_1098 : i32 to index
        %get3A_1100 = arith.index_cast %scan3A_1029 : i32 to index
        %get3A_1101 = arith.constant 320 : index
        %get3A_1102 = tpu.vector_load %arg4[%get3A_1099, %get3A_1100, %get3A_1101] {strides = array<i32>} : memref<2x64x768xf32, #tpu.memory_space<vmem>>, vector<1x1x16xf32>,
        %get3A_1103 = vector.shape_cast %get3A_1102 : vector<1x1x16xf32> to vector<16xf32>
        %add3A_1104 = arith.addf %scan3A_1038, %get3A_1103 : vector<16xf32>
        %get3A_1105 = arith.constant 0 : i32
        %get3A_1106 = arith.index_cast %get3A_1105 : i32 to index
        %get3A_1107 = arith.index_cast %scan3A_1029 : i32 to index
        %get3A_1108 = arith.constant 336 : index
        %get3A_1109 = tpu.vector_load %arg4[%get3A_1106, %get3A_1107, %get3A_1108] {strides = array<i32>} : memref<2x64x768xf32, #tpu.memory_space<vmem>>, vector<1x1x16xf32>,
        %get3A_1110 = vector.shape_cast %get3A_1109 : vector<1x1x16xf32> to vector<16xf32>
        %add3A_1111 = arith.addf %scan3A_1039, %get3A_1110 : vector<16xf32>
        %get3A_1112 = arith.constant 0 : i32
        %get3A_1113 = arith.index_cast %get3A_1112 : i32 to index
        %get3A_1114 = arith.index_cast %scan3A_1029 : i32 to index
        %get3A_1115 = arith.constant 352 : index
        %get3A_1116 = tpu.vector_load %arg4[%get3A_1113, %get3A_1114, %get3A_1115] {strides = array<i32>} : memref<2x64x768xf32, #tpu.memory_space<vmem>>, vector<1x1x16xf32>,
        %get3A_1117 = vector.shape_cast %get3A_1116 : vector<1x1x16xf32> to vector<16xf32>
        %add3A_1118 = arith.addf %scan3A_1040, %get3A_1117 : vector<16xf32>
        %get3A_1119 = arith.constant 0 : i32
        %get3A_1120 = arith.index_cast %get3A_1119 : i32 to index
        %get3A_1121 = arith.index_cast %scan3A_1029 : i32 to index
        %get3A_1122 = arith.constant 368 : index
        %get3A_1123 = tpu.vector_load %arg4[%get3A_1120, %get3A_1121, %get3A_1122] {strides = array<i32>} : memref<2x64x768xf32, #tpu.memory_space<vmem>>, vector<1x1x16xf32>,
        %get3A_1124 = vector.shape_cast %get3A_1123 : vector<1x1x16xf32> to vector<16xf32>
        %add3A_1125 = arith.addf %scan3A_1041, %get3A_1124 : vector<16xf32>
        scf.yield %add3A_1048, %add3A_1055, %add3A_1062, %add3A_1069, %add3A_1076, %add3A_1083, %add3A_1090, %add3A_1097, %add3A_1104, %add3A_1111, %add3A_1118, %add3A_1125 : vector<16xf32>, vector<16xf32>, vector<16xf32>, vector<16xf32>, vector<16xf32>, vector<16xf32>, vector<16xf32>, vector<16xf32>, vector<16xf32>, vector<16xf32>, vector<16xf32>, vector<16xf32>
      }
      %scan3A_413 = arith.constant 64 : i32
      %swap3A_414 = arith.constant 192 : index
      %swap3A_415 = tpu.vector_load %arg5[%swap3A_414] {strides = array<i32>} : memref<768xf32, #tpu.memory_space<vmem>>, vector<16xf32>,
      %swap3A_416 = vector.shape_cast %swap3A_415 : vector<16xf32> to vector<16xf32>
      %swap3A_417 = vector.shape_cast %scan3A_412#0 : vector<16xf32> to vector<16xf32>
      tpu.vector_store %arg5[%swap3A_414], %swap3A_417 {strides = array<i32>} : memref<768xf32, #tpu.memory_space<vmem>>, vector<16xf32>,
      %swap3A_418 = arith.constant 208 : index
      %swap3A_419 = tpu.vector_load %arg5[%swap3A_418] {strides = array<i32>} : memref<768xf32, #tpu.memory_space<vmem>>, vector<16xf32>,
      %swap3A_420 = vector.shape_cast %swap3A_419 : vector<16xf32> to vector<16xf32>
      %swap3A_421 = vector.shape_cast %scan3A_412#1 : vector<16xf32> to vector<16xf32>
      tpu.vector_store %arg5[%swap3A_418], %swap3A_421 {strides = array<i32>} : memref<768xf32, #tpu.memory_space<vmem>>, vector<16xf32>,
      %swap3A_422 = arith.constant 224 : index
      %swap3A_423 = tpu.vector_load %arg5[%swap3A_422] {strides = array<i32>} : memref<768xf32, #tpu.memory_space<vmem>>, vector<16xf32>,
      %swap3A_424 = vector.shape_cast %swap3A_423 : vector<16xf32> to vector<16xf32>
      %swap3A_425 = vector.shape_cast %scan3A_412#2 : vector<16xf32> to vector<16xf32>
      tpu.vector_store %arg5[%swap3A_422], %swap3A_425 {strides = array<i32>} : memref<768xf32, #tpu.memory_space<vmem>>, vector<16xf32>,
      %swap3A_426 = arith.constant 240 : index
      %swap3A_427 = tpu.vector_load %arg5[%swap3A_426] {strides = array<i32>} : memref<768xf32, #tpu.memory_space<vmem>>, vector<16xf32>,
      %swap3A_428 = vector.shape_cast %swap3A_427 : vector<16xf32> to vector<16xf32>
      %swap3A_429 = vector.shape_cast %scan3A_412#3 : vector<16xf32> to vector<16xf32>
      tpu.vector_store %arg5[%swap3A_426], %swap3A_429 {strides = array<i32>} : memref<768xf32, #tpu.memory_space<vmem>>, vector<16xf32>,
      %swap3A_430 = arith.constant 256 : index
      %swap3A_431 = tpu.vector_load %arg5[%swap3A_430] {strides = array<i32>} : memref<768xf32, #tpu.memory_space<vmem>>, vector<16xf32>,
      %swap3A_432 = vector.shape_cast %swap3A_431 : vector<16xf32> to vector<16xf32>
      %swap3A_433 = vector.shape_cast %scan3A_412#4 : vector<16xf32> to vector<16xf32>
      tpu.vector_store %arg5[%swap3A_430], %swap3A_433 {strides = array<i32>} : memref<768xf32, #tpu.memory_space<vmem>>, vector<16xf32>,
      %swap3A_434 = arith.constant 272 : index
      %swap3A_435 = tpu.vector_load %arg5[%swap3A_434] {strides = array<i32>} : memref<768xf32, #tpu.memory_space<vmem>>, vector<16xf32>,
      %swap3A_436 = vector.shape_cast %swap3A_435 : vector<16xf32> to vector<16xf32>
      %swap3A_437 = vector.shape_cast %scan3A_412#5 : vector<16xf32> to vector<16xf32>
      tpu.vector_store %arg5[%swap3A_434], %swap3A_437 {strides = array<i32>} : memref<768xf32, #tpu.memory_space<vmem>>, vector<16xf32>,
      %swap3A_438 = arith.constant 288 : index
      %swap3A_439 = tpu.vector_load %arg5[%swap3A_438] {strides = array<i32>} : memref<768xf32, #tpu.memory_space<vmem>>, vector<16xf32>,
      %swap3A_440 = vector.shape_cast %swap3A_439 : vector<16xf32> to vector<16xf32>
      %swap3A_441 = vector.shape_cast %scan3A_412#6 : vector<16xf32> to vector<16xf32>
      tpu.vector_store %arg5[%swap3A_438], %swap3A_441 {strides = array<i32>} : memref<768xf32, #tpu.memory_space<vmem>>, vector<16xf32>,
      %swap3A_442 = arith.constant 304 : index
      %swap3A_443 = tpu.vector_load %arg5[%swap3A_442] {strides = array<i32>} : memref<768xf32, #tpu.memory_space<vmem>>, vector<16xf32>,
      %swap3A_444 = vector.shape_cast %swap3A_443 : vector<16xf32> to vector<16xf32>
      %swap3A_445 = vector.shape_cast %scan3A_412#7 : vector<16xf32> to vector<16xf32>
      tpu.vector_store %arg5[%swap3A_442], %swap3A_445 {strides = array<i32>} : memref<768xf32, #tpu.memory_space<vmem>>, vector<16xf32>,
      %swap3A_446 = arith.constant 320 : index
      %swap3A_447 = tpu.vector_load %arg5[%swap3A_446] {strides = array<i32>} : memref<768xf32, #tpu.memory_space<vmem>>, vector<16xf32>,
      %swap3A_448 = vector.shape_cast %swap3A_447 : vector<16xf32> to vector<16xf32>
      %swap3A_449 = vector.shape_cast %scan3A_412#8 : vector<16xf32> to vector<16xf32>
      tpu.vector_store %arg5[%swap3A_446], %swap3A_449 {strides = array<i32>} : memref<768xf32, #tpu.memory_space<vmem>>, vector<16xf32>,
      %swap3A_450 = arith.constant 336 : index
      %swap3A_451 = tpu.vector_load %arg5[%swap3A_450] {strides = array<i32>} : memref<768xf32, #tpu.memory_space<vmem>>, vector<16xf32>,
      %swap3A_452 = vector.shape_cast %swap3A_451 : vector<16xf32> to vector<16xf32>
      %swap3A_453 = vector.shape_cast %scan3A_412#9 : vector<16xf32> to vector<16xf32>
      tpu.vector_store %arg5[%swap3A_450], %swap3A_453 {strides = array<i32>} : memref<768xf32, #tpu.memory_space<vmem>>, vector<16xf32>,
      %swap3A_454 = arith.constant 352 : index
      %swap3A_455 = tpu.vector_load %arg5[%swap3A_454] {strides = array<i32>} : memref<768xf32, #tpu.memory_space<vmem>>, vector<16xf32>,
      %swap3A_456 = vector.shape_cast %swap3A_455 : vector<16xf32> to vector<16xf32>
      %swap3A_457 = vector.shape_cast %scan3A_412#10 : vector<16xf32> to vector<16xf32>
      tpu.vector_store %arg5[%swap3A_454], %swap3A_457 {strides = array<i32>} : memref<768xf32, #tpu.memory_space<vmem>>, vector<16xf32>,
      %swap3A_458 = arith.constant 368 : index
      %swap3A_459 = tpu.vector_load %arg5[%swap3A_458] {strides = array<i32>} : memref<768xf32, #tpu.memory_space<vmem>>, vector<16xf32>,
      %swap3A_460 = vector.shape_cast %swap3A_459 : vector<16xf32> to vector<16xf32>
      %swap3A_461 = vector.shape_cast %scan3A_412#11 : vector<16xf32> to vector<16xf32>
      tpu.vector_store %arg5[%swap3A_458], %swap3A_461 {strides = array<i32>} : memref<768xf32, #tpu.memory_space<vmem>>, vector<16xf32>,
      %get3A_462 = arith.constant 384 : index
      %get3A_463 = tpu.vector_load %arg5[%get3A_462] {strides = array<i32>} : memref<768xf32, #tpu.memory_space<vmem>>, vector<16xf32>,
      %get3A_464 = vector.shape_cast %get3A_463 : vector<16xf32> to vector<16xf32>
      %get3A_465 = arith.constant 400 : index
      %get3A_466 = tpu.vector_load %arg5[%get3A_465] {strides = array<i32>} : memref<768xf32, #tpu.memory_space<vmem>>, vector<16xf32>,
      %get3A_467 = vector.shape_cast %get3A_466 : vector<16xf32> to vector<16xf32>
      %get3A_468 = arith.constant 416 : index
      %get3A_469 = tpu.vector_load %arg5[%get3A_468] {strides = array<i32>} : memref<768xf32, #tpu.memory_space<vmem>>, vector<16xf32>,
      %get3A_470 = vector.shape_cast %get3A_469 : vector<16xf32> to vector<16xf32>
      %get3A_471 = arith.constant 432 : index
      %get3A_472 = tpu.vector_load %arg5[%get3A_471] {strides = array<i32>} : memref<768xf32, #tpu.memory_space<vmem>>, vector<16xf32>,
      %get3A_473 = vector.shape_cast %get3A_472 : vector<16xf32> to vector<16xf32>
      %get3A_474 = arith.constant 448 : index
      %get3A_475 = tpu.vector_load %arg5[%get3A_474] {strides = array<i32>} : memref<768xf32, #tpu.memory_space<vmem>>, vector<16xf32>,
      %get3A_476 = vector.shape_cast %get3A_475 : vector<16xf32> to vector<16xf32>
      %get3A_477 = arith.constant 464 : index
      %get3A_478 = tpu.vector_load %arg5[%get3A_477] {strides = array<i32>} : memref<768xf32, #tpu.memory_space<vmem>>, vector<16xf32>,
      %get3A_479 = vector.shape_cast %get3A_478 : vector<16xf32> to vector<16xf32>
      %get3A_480 = arith.constant 480 : index
      %get3A_481 = tpu.vector_load %arg5[%get3A_480] {strides = array<i32>} : memref<768xf32, #tpu.memory_space<vmem>>, vector<16xf32>,
      %get3A_482 = vector.shape_cast %get3A_481 : vector<16xf32> to vector<16xf32>
      %get3A_483 = arith.constant 496 : index
      %get3A_484 = tpu.vector_load %arg5[%get3A_483] {strides = array<i32>} : memref<768xf32, #tpu.memory_space<vmem>>, vector<16xf32>,
      %get3A_485 = vector.shape_cast %get3A_484 : vector<16xf32> to vector<16xf32>
      %get3A_486 = arith.constant 512 : index
      %get3A_487 = tpu.vector_load %arg5[%get3A_486] {strides = array<i32>} : memref<768xf32, #tpu.memory_space<vmem>>, vector<16xf32>,
      %get3A_488 = vector.shape_cast %get3A_487 : vector<16xf32> to vector<16xf32>
      %get3A_489 = arith.constant 528 : index
      %get3A_490 = tpu.vector_load %arg5[%get3A_489] {strides = array<i32>} : memref<768xf32, #tpu.memory_space<vmem>>, vector<16xf32>,
      %get3A_491 = vector.shape_cast %get3A_490 : vector<16xf32> to vector<16xf32>
      %get3A_492 = arith.constant 544 : index
      %get3A_493 = tpu.vector_load %arg5[%get3A_492] {strides = array<i32>} : memref<768xf32, #tpu.memory_space<vmem>>, vector<16xf32>,
      %get3A_494 = vector.shape_cast %get3A_493 : vector<16xf32> to vector<16xf32>
      %get3A_495 = arith.constant 560 : index
      %get3A_496 = tpu.vector_load %arg5[%get3A_495] {strides = array<i32>} : memref<768xf32, #tpu.memory_space<vmem>>, vector<16xf32>,
      %get3A_497 = vector.shape_cast %get3A_496 : vector<16xf32> to vector<16xf32>
      %scan3A_498 = arith.constant 0 : i32
      %scan3A_499 = arith.constant 64 : i32
      %scan3A_500 = arith.addi %scan3A_498, %scan3A_499 : i32
      %scan3A_501 = arith.constant 1 : i32
      %scan3A_502:12 = scf.for %scan3A_1029 = %scan3A_498 to %scan3A_500 step %scan3A_501 iter_args(%scan3A_1030 = %get3A_464, %scan3A_1031 = %get3A_467, %scan3A_1032 = %get3A_470, %scan3A_1033 = %get3A_473, %scan3A_1034 = %get3A_476, %scan3A_1035 = %get3A_479, %scan3A_1036 = %get3A_482, %scan3A_1037 = %get3A_485, %scan3A_1038 = %get3A_488, %scan3A_1039 = %get3A_491, %scan3A_1040 = %get3A_494, %scan3A_1041 = %get3A_497) -> (vector<16xf32>, vector<16xf32>, vector<16xf32>, vector<16xf32>, vector<16xf32>, vector<16xf32>, vector<16xf32>, vector<16xf32>, vector<16xf32>, vector<16xf32>, vector<16xf32>, vector<16xf32>)  : i32 {
        %get3A_1042 = arith.constant 0 : i32
        %get3A_1043 = arith.index_cast %get3A_1042 : i32 to index
        %get3A_1044 = arith.index_cast %scan3A_1029 : i32 to index
        %get3A_1045 = arith.constant 384 : index
        %get3A_1046 = tpu.vector_load %arg4[%get3A_1043, %get3A_1044, %get3A_1045] {strides = array<i32>} : memref<2x64x768xf32, #tpu.memory_space<vmem>>, vector<1x1x16xf32>,
        %get3A_1047 = vector.shape_cast %get3A_1046 : vector<1x1x16xf32> to vector<16xf32>
        %add3A_1048 = arith.addf %scan3A_1030, %get3A_1047 : vector<16xf32>
        %get3A_1049 = arith.constant 0 : i32
        %get3A_1050 = arith.index_cast %get3A_1049 : i32 to index
        %get3A_1051 = arith.index_cast %scan3A_1029 : i32 to index
        %get3A_1052 = arith.constant 400 : index
        %get3A_1053 = tpu.vector_load %arg4[%get3A_1050, %get3A_1051, %get3A_1052] {strides = array<i32>} : memref<2x64x768xf32, #tpu.memory_space<vmem>>, vector<1x1x16xf32>,
        %get3A_1054 = vector.shape_cast %get3A_1053 : vector<1x1x16xf32> to vector<16xf32>
        %add3A_1055 = arith.addf %scan3A_1031, %get3A_1054 : vector<16xf32>
        %get3A_1056 = arith.constant 0 : i32
        %get3A_1057 = arith.index_cast %get3A_1056 : i32 to index
        %get3A_1058 = arith.index_cast %scan3A_1029 : i32 to index
        %get3A_1059 = arith.constant 416 : index
        %get3A_1060 = tpu.vector_load %arg4[%get3A_1057, %get3A_1058, %get3A_1059] {strides = array<i32>} : memref<2x64x768xf32, #tpu.memory_space<vmem>>, vector<1x1x16xf32>,
        %get3A_1061 = vector.shape_cast %get3A_1060 : vector<1x1x16xf32> to vector<16xf32>
        %add3A_1062 = arith.addf %scan3A_1032, %get3A_1061 : vector<16xf32>
        %get3A_1063 = arith.constant 0 : i32
        %get3A_1064 = arith.index_cast %get3A_1063 : i32 to index
        %get3A_1065 = arith.index_cast %scan3A_1029 : i32 to index
        %get3A_1066 = arith.constant 432 : index
        %get3A_1067 = tpu.vector_load %arg4[%get3A_1064, %get3A_1065, %get3A_1066] {strides = array<i32>} : memref<2x64x768xf32, #tpu.memory_space<vmem>>, vector<1x1x16xf32>,
        %get3A_1068 = vector.shape_cast %get3A_1067 : vector<1x1x16xf32> to vector<16xf32>
        %add3A_1069 = arith.addf %scan3A_1033, %get3A_1068 : vector<16xf32>
        %get3A_1070 = arith.constant 0 : i32
        %get3A_1071 = arith.index_cast %get3A_1070 : i32 to index
        %get3A_1072 = arith.index_cast %scan3A_1029 : i32 to index
        %get3A_1073 = arith.constant 448 : index
        %get3A_1074 = tpu.vector_load %arg4[%get3A_1071, %get3A_1072, %get3A_1073] {strides = array<i32>} : memref<2x64x768xf32, #tpu.memory_space<vmem>>, vector<1x1x16xf32>,
        %get3A_1075 = vector.shape_cast %get3A_1074 : vector<1x1x16xf32> to vector<16xf32>
        %add3A_1076 = arith.addf %scan3A_1034, %get3A_1075 : vector<16xf32>
        %get3A_1077 = arith.constant 0 : i32
        %get3A_1078 = arith.index_cast %get3A_1077 : i32 to index
        %get3A_1079 = arith.index_cast %scan3A_1029 : i32 to index
        %get3A_1080 = arith.constant 464 : index
        %get3A_1081 = tpu.vector_load %arg4[%get3A_1078, %get3A_1079, %get3A_1080] {strides = array<i32>} : memref<2x64x768xf32, #tpu.memory_space<vmem>>, vector<1x1x16xf32>,
        %get3A_1082 = vector.shape_cast %get3A_1081 : vector<1x1x16xf32> to vector<16xf32>
        %add3A_1083 = arith.addf %scan3A_1035, %get3A_1082 : vector<16xf32>
        %get3A_1084 = arith.constant 0 : i32
        %get3A_1085 = arith.index_cast %get3A_1084 : i32 to index
        %get3A_1086 = arith.index_cast %scan3A_1029 : i32 to index
        %get3A_1087 = arith.constant 480 : index
        %get3A_1088 = tpu.vector_load %arg4[%get3A_1085, %get3A_1086, %get3A_1087] {strides = array<i32>} : memref<2x64x768xf32, #tpu.memory_space<vmem>>, vector<1x1x16xf32>,
        %get3A_1089 = vector.shape_cast %get3A_1088 : vector<1x1x16xf32> to vector<16xf32>
        %add3A_1090 = arith.addf %scan3A_1036, %get3A_1089 : vector<16xf32>
        %get3A_1091 = arith.constant 0 : i32
        %get3A_1092 = arith.index_cast %get3A_1091 : i32 to index
        %get3A_1093 = arith.index_cast %scan3A_1029 : i32 to index
        %get3A_1094 = arith.constant 496 : index
        %get3A_1095 = tpu.vector_load %arg4[%get3A_1092, %get3A_1093, %get3A_1094] {strides = array<i32>} : memref<2x64x768xf32, #tpu.memory_space<vmem>>, vector<1x1x16xf32>,
        %get3A_1096 = vector.shape_cast %get3A_1095 : vector<1x1x16xf32> to vector<16xf32>
        %add3A_1097 = arith.addf %scan3A_1037, %get3A_1096 : vector<16xf32>
        %get3A_1098 = arith.constant 0 : i32
        %get3A_1099 = arith.index_cast %get3A_1098 : i32 to index
        %get3A_1100 = arith.index_cast %scan3A_1029 : i32 to index
        %get3A_1101 = arith.constant 512 : index
        %get3A_1102 = tpu.vector_load %arg4[%get3A_1099, %get3A_1100, %get3A_1101] {strides = array<i32>} : memref<2x64x768xf32, #tpu.memory_space<vmem>>, vector<1x1x16xf32>,
        %get3A_1103 = vector.shape_cast %get3A_1102 : vector<1x1x16xf32> to vector<16xf32>
        %add3A_1104 = arith.addf %scan3A_1038, %get3A_1103 : vector<16xf32>
        %get3A_1105 = arith.constant 0 : i32
        %get3A_1106 = arith.index_cast %get3A_1105 : i32 to index
        %get3A_1107 = arith.index_cast %scan3A_1029 : i32 to index
        %get3A_1108 = arith.constant 528 : index
        %get3A_1109 = tpu.vector_load %arg4[%get3A_1106, %get3A_1107, %get3A_1108] {strides = array<i32>} : memref<2x64x768xf32, #tpu.memory_space<vmem>>, vector<1x1x16xf32>,
        %get3A_1110 = vector.shape_cast %get3A_1109 : vector<1x1x16xf32> to vector<16xf32>
        %add3A_1111 = arith.addf %scan3A_1039, %get3A_1110 : vector<16xf32>
        %get3A_1112 = arith.constant 0 : i32
        %get3A_1113 = arith.index_cast %get3A_1112 : i32 to index
        %get3A_1114 = arith.index_cast %scan3A_1029 : i32 to index
        %get3A_1115 = arith.constant 544 : index
        %get3A_1116 = tpu.vector_load %arg4[%get3A_1113, %get3A_1114, %get3A_1115] {strides = array<i32>} : memref<2x64x768xf32, #tpu.memory_space<vmem>>, vector<1x1x16xf32>,
        %get3A_1117 = vector.shape_cast %get3A_1116 : vector<1x1x16xf32> to vector<16xf32>
        %add3A_1118 = arith.addf %scan3A_1040, %get3A_1117 : vector<16xf32>
        %get3A_1119 = arith.constant 0 : i32
        %get3A_1120 = arith.index_cast %get3A_1119 : i32 to index
        %get3A_1121 = arith.index_cast %scan3A_1029 : i32 to index
        %get3A_1122 = arith.constant 560 : index
        %get3A_1123 = tpu.vector_load %arg4[%get3A_1120, %get3A_1121, %get3A_1122] {strides = array<i32>} : memref<2x64x768xf32, #tpu.memory_space<vmem>>, vector<1x1x16xf32>,
        %get3A_1124 = vector.shape_cast %get3A_1123 : vector<1x1x16xf32> to vector<16xf32>
        %add3A_1125 = arith.addf %scan3A_1041, %get3A_1124 : vector<16xf32>
        scf.yield %add3A_1048, %add3A_1055, %add3A_1062, %add3A_1069, %add3A_1076, %add3A_1083, %add3A_1090, %add3A_1097, %add3A_1104, %add3A_1111, %add3A_1118, %add3A_1125 : vector<16xf32>, vector<16xf32>, vector<16xf32>, vector<16xf32>, vector<16xf32>, vector<16xf32>, vector<16xf32>, vector<16xf32>, vector<16xf32>, vector<16xf32>, vector<16xf32>, vector<16xf32>
      }
      %scan3A_503 = arith.constant 64 : i32
      %swap3A_504 = arith.constant 384 : index
      %swap3A_505 = tpu.vector_load %arg5[%swap3A_504] {strides = array<i32>} : memref<768xf32, #tpu.memory_space<vmem>>, vector<16xf32>,
      %swap3A_506 = vector.shape_cast %swap3A_505 : vector<16xf32> to vector<16xf32>
      %swap3A_507 = vector.shape_cast %scan3A_502#0 : vector<16xf32> to vector<16xf32>
      tpu.vector_store %arg5[%swap3A_504], %swap3A_507 {strides = array<i32>} : memref<768xf32, #tpu.memory_space<vmem>>, vector<16xf32>,
      %swap3A_508 = arith.constant 400 : index
      %swap3A_509 = tpu.vector_load %arg5[%swap3A_508] {strides = array<i32>} : memref<768xf32, #tpu.memory_space<vmem>>, vector<16xf32>,
      %swap3A_510 = vector.shape_cast %swap3A_509 : vector<16xf32> to vector<16xf32>
      %swap3A_511 = vector.shape_cast %scan3A_502#1 : vector<16xf32> to vector<16xf32>
      tpu.vector_store %arg5[%swap3A_508], %swap3A_511 {strides = array<i32>} : memref<768xf32, #tpu.memory_space<vmem>>, vector<16xf32>,
      %swap3A_512 = arith.constant 416 : index
      %swap3A_513 = tpu.vector_load %arg5[%swap3A_512] {strides = array<i32>} : memref<768xf32, #tpu.memory_space<vmem>>, vector<16xf32>,
      %swap3A_514 = vector.shape_cast %swap3A_513 : vector<16xf32> to vector<16xf32>
      %swap3A_515 = vector.shape_cast %scan3A_502#2 : vector<16xf32> to vector<16xf32>
      tpu.vector_store %arg5[%swap3A_512], %swap3A_515 {strides = array<i32>} : memref<768xf32, #tpu.memory_space<vmem>>, vector<16xf32>,
      %swap3A_516 = arith.constant 432 : index
      %swap3A_517 = tpu.vector_load %arg5[%swap3A_516] {strides = array<i32>} : memref<768xf32, #tpu.memory_space<vmem>>, vector<16xf32>,
      %swap3A_518 = vector.shape_cast %swap3A_517 : vector<16xf32> to vector<16xf32>
      %swap3A_519 = vector.shape_cast %scan3A_502#3 : vector<16xf32> to vector<16xf32>
      tpu.vector_store %arg5[%swap3A_516], %swap3A_519 {strides = array<i32>} : memref<768xf32, #tpu.memory_space<vmem>>, vector<16xf32>,
      %swap3A_520 = arith.constant 448 : index
      %swap3A_521 = tpu.vector_load %arg5[%swap3A_520] {strides = array<i32>} : memref<768xf32, #tpu.memory_space<vmem>>, vector<16xf32>,
      %swap3A_522 = vector.shape_cast %swap3A_521 : vector<16xf32> to vector<16xf32>
      %swap3A_523 = vector.shape_cast %scan3A_502#4 : vector<16xf32> to vector<16xf32>
      tpu.vector_store %arg5[%swap3A_520], %swap3A_523 {strides = array<i32>} : memref<768xf32, #tpu.memory_space<vmem>>, vector<16xf32>,
      %swap3A_524 = arith.constant 464 : index
      %swap3A_525 = tpu.vector_load %arg5[%swap3A_524] {strides = array<i32>} : memref<768xf32, #tpu.memory_space<vmem>>, vector<16xf32>,
      %swap3A_526 = vector.shape_cast %swap3A_525 : vector<16xf32> to vector<16xf32>
      %swap3A_527 = vector.shape_cast %scan3A_502#5 : vector<16xf32> to vector<16xf32>
      tpu.vector_store %arg5[%swap3A_524], %swap3A_527 {strides = array<i32>} : memref<768xf32, #tpu.memory_space<vmem>>, vector<16xf32>,
      %swap3A_528 = arith.constant 480 : index
      %swap3A_529 = tpu.vector_load %arg5[%swap3A_528] {strides = array<i32>} : memref<768xf32, #tpu.memory_space<vmem>>, vector<16xf32>,
      %swap3A_530 = vector.shape_cast %swap3A_529 : vector<16xf32> to vector<16xf32>
      %swap3A_531 = vector.shape_cast %scan3A_502#6 : vector<16xf32> to vector<16xf32>
      tpu.vector_store %arg5[%swap3A_528], %swap3A_531 {strides = array<i32>} : memref<768xf32, #tpu.memory_space<vmem>>, vector<16xf32>,
      %swap3A_532 = arith.constant 496 : index
      %swap3A_533 = tpu.vector_load %arg5[%swap3A_532] {strides = array<i32>} : memref<768xf32, #tpu.memory_space<vmem>>, vector<16xf32>,
      %swap3A_534 = vector.shape_cast %swap3A_533 : vector<16xf32> to vector<16xf32>
      %swap3A_535 = vector.shape_cast %scan3A_502#7 : vector<16xf32> to vector<16xf32>
      tpu.vector_store %arg5[%swap3A_532], %swap3A_535 {strides = array<i32>} : memref<768xf32, #tpu.memory_space<vmem>>, vector<16xf32>,
      %swap3A_536 = arith.constant 512 : index
      %swap3A_537 = tpu.vector_load %arg5[%swap3A_536] {strides = array<i32>} : memref<768xf32, #tpu.memory_space<vmem>>, vector<16xf32>,
      %swap3A_538 = vector.shape_cast %swap3A_537 : vector<16xf32> to vector<16xf32>
      %swap3A_539 = vector.shape_cast %scan3A_502#8 : vector<16xf32> to vector<16xf32>
      tpu.vector_store %arg5[%swap3A_536], %swap3A_539 {strides = array<i32>} : memref<768xf32, #tpu.memory_space<vmem>>, vector<16xf32>,
      %swap3A_540 = arith.constant 528 : index
      %swap3A_541 = tpu.vector_load %arg5[%swap3A_540] {strides = array<i32>} : memref<768xf32, #tpu.memory_space<vmem>>, vector<16xf32>,
      %swap3A_542 = vector.shape_cast %swap3A_541 : vector<16xf32> to vector<16xf32>
      %swap3A_543 = vector.shape_cast %scan3A_502#9 : vector<16xf32> to vector<16xf32>
      tpu.vector_store %arg5[%swap3A_540], %swap3A_543 {strides = array<i32>} : memref<768xf32, #tpu.memory_space<vmem>>, vector<16xf32>,
      %swap3A_544 = arith.constant 544 : index
      %swap3A_545 = tpu.vector_load %arg5[%swap3A_544] {strides = array<i32>} : memref<768xf32, #tpu.memory_space<vmem>>, vector<16xf32>,
      %swap3A_546 = vector.shape_cast %swap3A_545 : vector<16xf32> to vector<16xf32>
      %swap3A_547 = vector.shape_cast %scan3A_502#10 : vector<16xf32> to vector<16xf32>
      tpu.vector_store %arg5[%swap3A_544], %swap3A_547 {strides = array<i32>} : memref<768xf32, #tpu.memory_space<vmem>>, vector<16xf32>,
      %swap3A_548 = arith.constant 560 : index
      %swap3A_549 = tpu.vector_load %arg5[%swap3A_548] {strides = array<i32>} : memref<768xf32, #tpu.memory_space<vmem>>, vector<16xf32>,
      %swap3A_550 = vector.shape_cast %swap3A_549 : vector<16xf32> to vector<16xf32>
      %swap3A_551 = vector.shape_cast %scan3A_502#11 : vector<16xf32> to vector<16xf32>
      tpu.vector_store %arg5[%swap3A_548], %swap3A_551 {strides = array<i32>} : memref<768xf32, #tpu.memory_space<vmem>>, vector<16xf32>,
      %get3A_552 = arith.constant 576 : index
      %get3A_553 = tpu.vector_load %arg5[%get3A_552] {strides = array<i32>} : memref<768xf32, #tpu.memory_space<vmem>>, vector<16xf32>,
      %get3A_554 = vector.shape_cast %get3A_553 : vector<16xf32> to vector<16xf32>
      %get3A_555 = arith.constant 592 : index
      %get3A_556 = tpu.vector_load %arg5[%get3A_555] {strides = array<i32>} : memref<768xf32, #tpu.memory_space<vmem>>, vector<16xf32>,
      %get3A_557 = vector.shape_cast %get3A_556 : vector<16xf32> to vector<16xf32>
      %get3A_558 = arith.constant 608 : index
      %get3A_559 = tpu.vector_load %arg5[%get3A_558] {strides = array<i32>} : memref<768xf32, #tpu.memory_space<vmem>>, vector<16xf32>,
      %get3A_560 = vector.shape_cast %get3A_559 : vector<16xf32> to vector<16xf32>
      %get3A_561 = arith.constant 624 : index
      %get3A_562 = tpu.vector_load %arg5[%get3A_561] {strides = array<i32>} : memref<768xf32, #tpu.memory_space<vmem>>, vector<16xf32>,
      %get3A_563 = vector.shape_cast %get3A_562 : vector<16xf32> to vector<16xf32>
      %get3A_564 = arith.constant 640 : index
      %get3A_565 = tpu.vector_load %arg5[%get3A_564] {strides = array<i32>} : memref<768xf32, #tpu.memory_space<vmem>>, vector<16xf32>,
      %get3A_566 = vector.shape_cast %get3A_565 : vector<16xf32> to vector<16xf32>
      %get3A_567 = arith.constant 656 : index
      %get3A_568 = tpu.vector_load %arg5[%get3A_567] {strides = array<i32>} : memref<768xf32, #tpu.memory_space<vmem>>, vector<16xf32>,
      %get3A_569 = vector.shape_cast %get3A_568 : vector<16xf32> to vector<16xf32>
      %get3A_570 = arith.constant 672 : index
      %get3A_571 = tpu.vector_load %arg5[%get3A_570] {strides = array<i32>} : memref<768xf32, #tpu.memory_space<vmem>>, vector<16xf32>,
      %get3A_572 = vector.shape_cast %get3A_571 : vector<16xf32> to vector<16xf32>
      %get3A_573 = arith.constant 688 : index
      %get3A_574 = tpu.vector_load %arg5[%get3A_573] {strides = array<i32>} : memref<768xf32, #tpu.memory_space<vmem>>, vector<16xf32>,
      %get3A_575 = vector.shape_cast %get3A_574 : vector<16xf32> to vector<16xf32>
      %get3A_576 = arith.constant 704 : index
      %get3A_577 = tpu.vector_load %arg5[%get3A_576] {strides = array<i32>} : memref<768xf32, #tpu.memory_space<vmem>>, vector<16xf32>,
      %get3A_578 = vector.shape_cast %get3A_577 : vector<16xf32> to vector<16xf32>
      %get3A_579 = arith.constant 720 : index
      %get3A_580 = tpu.vector_load %arg5[%get3A_579] {strides = array<i32>} : memref<768xf32, #tpu.memory_space<vmem>>, vector<16xf32>,
      %get3A_581 = vector.shape_cast %get3A_580 : vector<16xf32> to vector<16xf32>
      %get3A_582 = arith.constant 736 : index
      %get3A_583 = tpu.vector_load %arg5[%get3A_582] {strides = array<i32>} : memref<768xf32, #tpu.memory_space<vmem>>, vector<16xf32>,
      %get3A_584 = vector.shape_cast %get3A_583 : vector<16xf32> to vector<16xf32>
      %get3A_585 = arith.constant 752 : index
      %get3A_586 = tpu.vector_load %arg5[%get3A_585] {strides = array<i32>} : memref<768xf32, #tpu.memory_space<vmem>>, vector<16xf32>,
      %get3A_587 = vector.shape_cast %get3A_586 : vector<16xf32> to vector<16xf32>
      %scan3A_588 = arith.constant 0 : i32
      %scan3A_589 = arith.constant 64 : i32
      %scan3A_590 = arith.addi %scan3A_588, %scan3A_589 : i32
      %scan3A_591 = arith.constant 1 : i32
      %scan3A_592:12 = scf.for %scan3A_1029 = %scan3A_588 to %scan3A_590 step %scan3A_591 iter_args(%scan3A_1030 = %get3A_554, %scan3A_1031 = %get3A_557, %scan3A_1032 = %get3A_560, %scan3A_1033 = %get3A_563, %scan3A_1034 = %get3A_566, %scan3A_1035 = %get3A_569, %scan3A_1036 = %get3A_572, %scan3A_1037 = %get3A_575, %scan3A_1038 = %get3A_578, %scan3A_1039 = %get3A_581, %scan3A_1040 = %get3A_584, %scan3A_1041 = %get3A_587) -> (vector<16xf32>, vector<16xf32>, vector<16xf32>, vector<16xf32>, vector<16xf32>, vector<16xf32>, vector<16xf32>, vector<16xf32>, vector<16xf32>, vector<16xf32>, vector<16xf32>, vector<16xf32>)  : i32 {
        %get3A_1042 = arith.constant 0 : i32
        %get3A_1043 = arith.index_cast %get3A_1042 : i32 to index
        %get3A_1044 = arith.index_cast %scan3A_1029 : i32 to index
        %get3A_1045 = arith.constant 576 : index
        %get3A_1046 = tpu.vector_load %arg4[%get3A_1043, %get3A_1044, %get3A_1045] {strides = array<i32>} : memref<2x64x768xf32, #tpu.memory_space<vmem>>, vector<1x1x16xf32>,
        %get3A_1047 = vector.shape_cast %get3A_1046 : vector<1x1x16xf32> to vector<16xf32>
        %add3A_1048 = arith.addf %scan3A_1030, %get3A_1047 : vector<16xf32>
        %get3A_1049 = arith.constant 0 : i32
        %get3A_1050 = arith.index_cast %get3A_1049 : i32 to index
        %get3A_1051 = arith.index_cast %scan3A_1029 : i32 to index
        %get3A_1052 = arith.constant 592 : index
        %get3A_1053 = tpu.vector_load %arg4[%get3A_1050, %get3A_1051, %get3A_1052] {strides = array<i32>} : memref<2x64x768xf32, #tpu.memory_space<vmem>>, vector<1x1x16xf32>,
        %get3A_1054 = vector.shape_cast %get3A_1053 : vector<1x1x16xf32> to vector<16xf32>
        %add3A_1055 = arith.addf %scan3A_1031, %get3A_1054 : vector<16xf32>
        %get3A_1056 = arith.constant 0 : i32
        %get3A_1057 = arith.index_cast %get3A_1056 : i32 to index
        %get3A_1058 = arith.index_cast %scan3A_1029 : i32 to index
        %get3A_1059 = arith.constant 608 : index
        %get3A_1060 = tpu.vector_load %arg4[%get3A_1057, %get3A_1058, %get3A_1059] {strides = array<i32>} : memref<2x64x768xf32, #tpu.memory_space<vmem>>, vector<1x1x16xf32>,
        %get3A_1061 = vector.shape_cast %get3A_1060 : vector<1x1x16xf32> to vector<16xf32>
        %add3A_1062 = arith.addf %scan3A_1032, %get3A_1061 : vector<16xf32>
        %get3A_1063 = arith.constant 0 : i32
        %get3A_1064 = arith.index_cast %get3A_1063 : i32 to index
        %get3A_1065 = arith.index_cast %scan3A_1029 : i32 to index
        %get3A_1066 = arith.constant 624 : index
        %get3A_1067 = tpu.vector_load %arg4[%get3A_1064, %get3A_1065, %get3A_1066] {strides = array<i32>} : memref<2x64x768xf32, #tpu.memory_space<vmem>>, vector<1x1x16xf32>,
        %get3A_1068 = vector.shape_cast %get3A_1067 : vector<1x1x16xf32> to vector<16xf32>
        %add3A_1069 = arith.addf %scan3A_1033, %get3A_1068 : vector<16xf32>
        %get3A_1070 = arith.constant 0 : i32
        %get3A_1071 = arith.index_cast %get3A_1070 : i32 to index
        %get3A_1072 = arith.index_cast %scan3A_1029 : i32 to index
        %get3A_1073 = arith.constant 640 : index
        %get3A_1074 = tpu.vector_load %arg4[%get3A_1071, %get3A_1072, %get3A_1073] {strides = array<i32>} : memref<2x64x768xf32, #tpu.memory_space<vmem>>, vector<1x1x16xf32>,
        %get3A_1075 = vector.shape_cast %get3A_1074 : vector<1x1x16xf32> to vector<16xf32>
        %add3A_1076 = arith.addf %scan3A_1034, %get3A_1075 : vector<16xf32>
        %get3A_1077 = arith.constant 0 : i32
        %get3A_1078 = arith.index_cast %get3A_1077 : i32 to index
        %get3A_1079 = arith.index_cast %scan3A_1029 : i32 to index
        %get3A_1080 = arith.constant 656 : index
        %get3A_1081 = tpu.vector_load %arg4[%get3A_1078, %get3A_1079, %get3A_1080] {strides = array<i32>} : memref<2x64x768xf32, #tpu.memory_space<vmem>>, vector<1x1x16xf32>,
        %get3A_1082 = vector.shape_cast %get3A_1081 : vector<1x1x16xf32> to vector<16xf32>
        %add3A_1083 = arith.addf %scan3A_1035, %get3A_1082 : vector<16xf32>
        %get3A_1084 = arith.constant 0 : i32
        %get3A_1085 = arith.index_cast %get3A_1084 : i32 to index
        %get3A_1086 = arith.index_cast %scan3A_1029 : i32 to index
        %get3A_1087 = arith.constant 672 : index
        %get3A_1088 = tpu.vector_load %arg4[%get3A_1085, %get3A_1086, %get3A_1087] {strides = array<i32>} : memref<2x64x768xf32, #tpu.memory_space<vmem>>, vector<1x1x16xf32>,
        %get3A_1089 = vector.shape_cast %get3A_1088 : vector<1x1x16xf32> to vector<16xf32>
        %add3A_1090 = arith.addf %scan3A_1036, %get3A_1089 : vector<16xf32>
        %get3A_1091 = arith.constant 0 : i32
        %get3A_1092 = arith.index_cast %get3A_1091 : i32 to index
        %get3A_1093 = arith.index_cast %scan3A_1029 : i32 to index
        %get3A_1094 = arith.constant 688 : index
        %get3A_1095 = tpu.vector_load %arg4[%get3A_1092, %get3A_1093, %get3A_1094] {strides = array<i32>} : memref<2x64x768xf32, #tpu.memory_space<vmem>>, vector<1x1x16xf32>,
        %get3A_1096 = vector.shape_cast %get3A_1095 : vector<1x1x16xf32> to vector<16xf32>
        %add3A_1097 = arith.addf %scan3A_1037, %get3A_1096 : vector<16xf32>
        %get3A_1098 = arith.constant 0 : i32
        %get3A_1099 = arith.index_cast %get3A_1098 : i32 to index
        %get3A_1100 = arith.index_cast %scan3A_1029 : i32 to index
        %get3A_1101 = arith.constant 704 : index
        %get3A_1102 = tpu.vector_load %arg4[%get3A_1099, %get3A_1100, %get3A_1101] {strides = array<i32>} : memref<2x64x768xf32, #tpu.memory_space<vmem>>, vector<1x1x16xf32>,
        %get3A_1103 = vector.shape_cast %get3A_1102 : vector<1x1x16xf32> to vector<16xf32>
        %add3A_1104 = arith.addf %scan3A_1038, %get3A_1103 : vector<16xf32>
        %get3A_1105 = arith.constant 0 : i32
        %get3A_1106 = arith.index_cast %get3A_1105 : i32 to index
        %get3A_1107 = arith.index_cast %scan3A_1029 : i32 to index
        %get3A_1108 = arith.constant 720 : index
        %get3A_1109 = tpu.vector_load %arg4[%get3A_1106, %get3A_1107, %get3A_1108] {strides = array<i32>} : memref<2x64x768xf32, #tpu.memory_space<vmem>>, vector<1x1x16xf32>,
        %get3A_1110 = vector.shape_cast %get3A_1109 : vector<1x1x16xf32> to vector<16xf32>
        %add3A_1111 = arith.addf %scan3A_1039, %get3A_1110 : vector<16xf32>
        %get3A_1112 = arith.constant 0 : i32
        %get3A_1113 = arith.index_cast %get3A_1112 : i32 to index
        %get3A_1114 = arith.index_cast %scan3A_1029 : i32 to index
        %get3A_1115 = arith.constant 736 : index
        %get3A_1116 = tpu.vector_load %arg4[%get3A_1113, %get3A_1114, %get3A_1115] {strides = array<i32>} : memref<2x64x768xf32, #tpu.memory_space<vmem>>, vector<1x1x16xf32>,
        %get3A_1117 = vector.shape_cast %get3A_1116 : vector<1x1x16xf32> to vector<16xf32>
        %add3A_1118 = arith.addf %scan3A_1040, %get3A_1117 : vector<16xf32>
        %get3A_1119 = arith.constant 0 : i32
        %get3A_1120 = arith.index_cast %get3A_1119 : i32 to index
        %get3A_1121 = arith.index_cast %scan3A_1029 : i32 to index
        %get3A_1122 = arith.constant 752 : index
        %get3A_1123 = tpu.vector_load %arg4[%get3A_1120, %get3A_1121, %get3A_1122] {strides = array<i32>} : memref<2x64x768xf32, #tpu.memory_space<vmem>>, vector<1x1x16xf32>,
        %get3A_1124 = vector.shape_cast %get3A_1123 : vector<1x1x16xf32> to vector<16xf32>
        %add3A_1125 = arith.addf %scan3A_1041, %get3A_1124 : vector<16xf32>
        scf.yield %add3A_1048, %add3A_1055, %add3A_1062, %add3A_1069, %add3A_1076, %add3A_1083, %add3A_1090, %add3A_1097, %add3A_1104, %add3A_1111, %add3A_1118, %add3A_1125 : vector<16xf32>, vector<16xf32>, vector<16xf32>, vector<16xf32>, vector<16xf32>, vector<16xf32>, vector<16xf32>, vector<16xf32>, vector<16xf32>, vector<16xf32>, vector<16xf32>, vector<16xf32>
      }
      %scan3A_593 = arith.constant 64 : i32
      %swap3A_594 = arith.constant 576 : index
      %swap3A_595 = tpu.vector_load %arg5[%swap3A_594] {strides = array<i32>} : memref<768xf32, #tpu.memory_space<vmem>>, vector<16xf32>,
      %swap3A_596 = vector.shape_cast %swap3A_595 : vector<16xf32> to vector<16xf32>
      %swap3A_597 = vector.shape_cast %scan3A_592#0 : vector<16xf32> to vector<16xf32>
      tpu.vector_store %arg5[%swap3A_594], %swap3A_597 {strides = array<i32>} : memref<768xf32, #tpu.memory_space<vmem>>, vector<16xf32>,
      %swap3A_598 = arith.constant 592 : index
      %swap3A_599 = tpu.vector_load %arg5[%swap3A_598] {strides = array<i32>} : memref<768xf32, #tpu.memory_space<vmem>>, vector<16xf32>,
      %swap3A_600 = vector.shape_cast %swap3A_599 : vector<16xf32> to vector<16xf32>
      %swap3A_601 = vector.shape_cast %scan3A_592#1 : vector<16xf32> to vector<16xf32>
      tpu.vector_store %arg5[%swap3A_598], %swap3A_601 {strides = array<i32>} : memref<768xf32, #tpu.memory_space<vmem>>, vector<16xf32>,
      %swap3A_602 = arith.constant 608 : index
      %swap3A_603 = tpu.vector_load %arg5[%swap3A_602] {strides = array<i32>} : memref<768xf32, #tpu.memory_space<vmem>>, vector<16xf32>,
      %swap3A_604 = vector.shape_cast %swap3A_603 : vector<16xf32> to vector<16xf32>
      %swap3A_605 = vector.shape_cast %scan3A_592#2 : vector<16xf32> to vector<16xf32>
      tpu.vector_store %arg5[%swap3A_602], %swap3A_605 {strides = array<i32>} : memref<768xf32, #tpu.memory_space<vmem>>, vector<16xf32>,
      %swap3A_606 = arith.constant 624 : index
      %swap3A_607 = tpu.vector_load %arg5[%swap3A_606] {strides = array<i32>} : memref<768xf32, #tpu.memory_space<vmem>>, vector<16xf32>,
      %swap3A_608 = vector.shape_cast %swap3A_607 : vector<16xf32> to vector<16xf32>
      %swap3A_609 = vector.shape_cast %scan3A_592#3 : vector<16xf32> to vector<16xf32>
      tpu.vector_store %arg5[%swap3A_606], %swap3A_609 {strides = array<i32>} : memref<768xf32, #tpu.memory_space<vmem>>, vector<16xf32>,
      %swap3A_610 = arith.constant 640 : index
      %swap3A_611 = tpu.vector_load %arg5[%swap3A_610] {strides = array<i32>} : memref<768xf32, #tpu.memory_space<vmem>>, vector<16xf32>,
      %swap3A_612 = vector.shape_cast %swap3A_611 : vector<16xf32> to vector<16xf32>
      %swap3A_613 = vector.shape_cast %scan3A_592#4 : vector<16xf32> to vector<16xf32>
      tpu.vector_store %arg5[%swap3A_610], %swap3A_613 {strides = array<i32>} : memref<768xf32, #tpu.memory_space<vmem>>, vector<16xf32>,
      %swap3A_614 = arith.constant 656 : index
      %swap3A_615 = tpu.vector_load %arg5[%swap3A_614] {strides = array<i32>} : memref<768xf32, #tpu.memory_space<vmem>>, vector<16xf32>,
      %swap3A_616 = vector.shape_cast %swap3A_615 : vector<16xf32> to vector<16xf32>
      %swap3A_617 = vector.shape_cast %scan3A_592#5 : vector<16xf32> to vector<16xf32>
      tpu.vector_store %arg5[%swap3A_614], %swap3A_617 {strides = array<i32>} : memref<768xf32, #tpu.memory_space<vmem>>, vector<16xf32>,
      %swap3A_618 = arith.constant 672 : index
      %swap3A_619 = tpu.vector_load %arg5[%swap3A_618] {strides = array<i32>} : memref<768xf32, #tpu.memory_space<vmem>>, vector<16xf32>,
      %swap3A_620 = vector.shape_cast %swap3A_619 : vector<16xf32> to vector<16xf32>
      %swap3A_621 = vector.shape_cast %scan3A_592#6 : vector<16xf32> to vector<16xf32>
      tpu.vector_store %arg5[%swap3A_618], %swap3A_621 {strides = array<i32>} : memref<768xf32, #tpu.memory_space<vmem>>, vector<16xf32>,
      %swap3A_622 = arith.constant 688 : index
      %swap3A_623 = tpu.vector_load %arg5[%swap3A_622] {strides = array<i32>} : memref<768xf32, #tpu.memory_space<vmem>>, vector<16xf32>,
      %swap3A_624 = vector.shape_cast %swap3A_623 : vector<16xf32> to vector<16xf32>
      %swap3A_625 = vector.shape_cast %scan3A_592#7 : vector<16xf32> to vector<16xf32>
      tpu.vector_store %arg5[%swap3A_622], %swap3A_625 {strides = array<i32>} : memref<768xf32, #tpu.memory_space<vmem>>, vector<16xf32>,
      %swap3A_626 = arith.constant 704 : index
      %swap3A_627 = tpu.vector_load %arg5[%swap3A_626] {strides = array<i32>} : memref<768xf32, #tpu.memory_space<vmem>>, vector<16xf32>,
      %swap3A_628 = vector.shape_cast %swap3A_627 : vector<16xf32> to vector<16xf32>
      %swap3A_629 = vector.shape_cast %scan3A_592#8 : vector<16xf32> to vector<16xf32>
      tpu.vector_store %arg5[%swap3A_626], %swap3A_629 {strides = array<i32>} : memref<768xf32, #tpu.memory_space<vmem>>, vector<16xf32>,
      %swap3A_630 = arith.constant 720 : index
      %swap3A_631 = tpu.vector_load %arg5[%swap3A_630] {strides = array<i32>} : memref<768xf32, #tpu.memory_space<vmem>>, vector<16xf32>,
      %swap3A_632 = vector.shape_cast %swap3A_631 : vector<16xf32> to vector<16xf32>
      %swap3A_633 = vector.shape_cast %scan3A_592#9 : vector<16xf32> to vector<16xf32>
      tpu.vector_store %arg5[%swap3A_630], %swap3A_633 {strides = array<i32>} : memref<768xf32, #tpu.memory_space<vmem>>, vector<16xf32>,
      %swap3A_634 = arith.constant 736 : index
      %swap3A_635 = tpu.vector_load %arg5[%swap3A_634] {strides = array<i32>} : memref<768xf32, #tpu.memory_space<vmem>>, vector<16xf32>,
      %swap3A_636 = vector.shape_cast %swap3A_635 : vector<16xf32> to vector<16xf32>
      %swap3A_637 = vector.shape_cast %scan3A_592#10 : vector<16xf32> to vector<16xf32>
      tpu.vector_store %arg5[%swap3A_634], %swap3A_637 {strides = array<i32>} : memref<768xf32, #tpu.memory_space<vmem>>, vector<16xf32>,
      %swap3A_638 = arith.constant 752 : index
      %swap3A_639 = tpu.vector_load %arg5[%swap3A_638] {strides = array<i32>} : memref<768xf32, #tpu.memory_space<vmem>>, vector<16xf32>,
      %swap3A_640 = vector.shape_cast %swap3A_639 : vector<16xf32> to vector<16xf32>
      %swap3A_641 = vector.shape_cast %scan3A_592#11 : vector<16xf32> to vector<16xf32>
      tpu.vector_store %arg5[%swap3A_638], %swap3A_641 {strides = array<i32>} : memref<768xf32, #tpu.memory_space<vmem>>, vector<16xf32>,
      %lt3A_642 = arith.constant 1 : i32
      %lt3A_643 = arith.cmpi slt, %scan3A_264, %lt3A_642 : i32
      %convert_element_type3A = arith.extui %lt3A_643 : i1 to i32
      %cond3A = arith.constant 0 : i32
      %cond3A_644 = arith.cmpi ne, %convert_element_type3A, %cond3A : i32
      scf.if %cond3A_644 {
        %add3A_1029 = arith.constant 2 : i32
        %add3A_1030 = arith.addi %add3A_268, %add3A_1029 : i32
        %mul3A_1031 = arith.constant 64 : i32
        %mul3A_1032 = arith.muli %add3A_1030, %mul3A_1031 : i32
        %add3A_1033 = arith.addi %add3A_37, %mul3A_1032 : i32
        %dma_start3A_1034 = arith.constant 0 : i32
        %dma_start3A_1035 = arith.constant 0 : i32
        %dma_start3A_1036 = arith.constant 0 : i32
        %dma_start3A_1037 = tpu.memref_slice %arg4[%dma_start3A_1034, %dma_start3A_1035, %dma_start3A_1036] : memref<2x64x768xf32, #tpu.memory_space<vmem>> -> memref<1x64x768xf32, #tpu.memory_space<vmem>>
        %dma_start3A_1038 = tpu.memref_squeeze %dma_start3A_1037 : memref<1x64x768xf32, #tpu.memory_space<vmem>> -> memref<64x768xf32, #tpu.memory_space<vmem>>
        %dma_start3A_1039 = arith.constant 0 : i32
        %dma_start3A_1040 = tpu.memref_slice %arg2[%add3A_1033, %dma_start3A_1039] : memref<32768x768xf32, #tpu.memory_space<hbm>> -> memref<64x768xf32, #tpu.memory_space<hbm>>
        %dma_start3A_1041 = arith.constant 0 : i32
        %dma_start3A_1042 = arith.constant 0 : i32
        %dma_start3A_1043 = tpu.memref_slice %arg4[%dma_start3A_1034, %dma_start3A_1041, %dma_start3A_1042] : memref<2x64x768xf32, #tpu.memory_space<vmem>> -> memref<1x64x768xf32, #tpu.memory_space<vmem>>
        %dma_start3A_1044 = tpu.memref_squeeze %dma_start3A_1043 : memref<1x64x768xf32, #tpu.memory_space<vmem>> -> memref<64x768xf32, #tpu.memory_space<vmem>>
        %dma_start3A_1045 = arith.constant 0 : i32
        %dma_start3A_1046 = tpu.memref_slice %arg2[%add3A_1033, %dma_start3A_1045] : memref<32768x768xf32, #tpu.memory_space<hbm>> -> memref<64x768xf32, #tpu.memory_space<hbm>>
        tpu.enqueue_dma source(%dma_start3A_1046 : memref<64x768xf32, #tpu.memory_space<hbm>>) target(%dma_start3A_1044 : memref<64x768xf32, #tpu.memory_space<vmem>>) target_semaphore(%arg6 : memref<!tpu.dma_semaphore, #tpu.memory_space<semaphore_mem>>)
      } else {
      }
      %mul3A_645 = arith.constant 2 : i32
      %mul3A_646 = arith.muli %scan3A_264, %mul3A_645 : i32
      %add3A_647 = arith.constant 1 : i32
      %add3A_648 = arith.addi %mul3A_646, %add3A_647 : i32
      %dma_wait3A_649 = arith.constant 1 : i32
      %dma_wait3A_650 = arith.constant 0 : i32
      %dma_wait3A_651 = arith.constant 0 : i32
      %dma_wait3A_652 = tpu.memref_slice %arg4[%dma_wait3A_649, %dma_wait3A_650, %dma_wait3A_651] : memref<2x64x768xf32, #tpu.memory_space<vmem>> -> memref<1x64x768xf32, #tpu.memory_space<vmem>>
      %dma_wait3A_653 = tpu.memref_squeeze %dma_wait3A_652 : memref<1x64x768xf32, #tpu.memory_space<vmem>> -> memref<64x768xf32, #tpu.memory_space<vmem>>
      %dma_wait3A_654 = arith.constant 0 : i32
      %dma_wait3A_655 = arith.constant 0 : i32
      %dma_wait3A_656 = tpu.memref_slice %arg2[%dma_wait3A_654, %dma_wait3A_655] : memref<32768x768xf32, #tpu.memory_space<hbm>> -> memref<64x768xf32, #tpu.memory_space<hbm>>
      %dma_wait3A_657 = arith.constant 0 : i32
      %dma_wait3A_658 = arith.constant 0 : i32
      %dma_wait3A_659 = tpu.memref_slice %arg4[%dma_wait3A_649, %dma_wait3A_657, %dma_wait3A_658] : memref<2x64x768xf32, #tpu.memory_space<vmem>> -> memref<1x64x768xf32, #tpu.memory_space<vmem>>
      %dma_wait3A_660 = tpu.memref_squeeze %dma_wait3A_659 : memref<1x64x768xf32, #tpu.memory_space<vmem>> -> memref<64x768xf32, #tpu.memory_space<vmem>>
      %dma_wait3A_661 = arith.constant 0 : i32
      %dma_wait3A_662 = arith.constant 0 : i32
      %dma_wait3A_663 = tpu.memref_slice %arg2[%dma_wait3A_661, %dma_wait3A_662] : memref<32768x768xf32, #tpu.memory_space<hbm>> -> memref<64x768xf32, #tpu.memory_space<hbm>>
      tpu.wait_dma2 semaphore(%arg7 : memref<!tpu.dma_semaphore, #tpu.memory_space<semaphore_mem>>) src(%dma_wait3A_663 : memref<64x768xf32, #tpu.memory_space<hbm>>) dst(%dma_wait3A_660 : memref<64x768xf32, #tpu.memory_space<vmem>>)
      %get3A_664 = arith.constant 0 : index
      %get3A_665 = tpu.vector_load %arg5[%get3A_664] {strides = array<i32>} : memref<768xf32, #tpu.memory_space<vmem>>, vector<16xf32>,
      %get3A_666 = vector.shape_cast %get3A_665 : vector<16xf32> to vector<16xf32>
      %get3A_667 = arith.constant 16 : index
      %get3A_668 = tpu.vector_load %arg5[%get3A_667] {strides = array<i32>} : memref<768xf32, #tpu.memory_space<vmem>>, vector<16xf32>,
      %get3A_669 = vector.shape_cast %get3A_668 : vector<16xf32> to vector<16xf32>
      %get3A_670 = arith.constant 32 : index
      %get3A_671 = tpu.vector_load %arg5[%get3A_670] {strides = array<i32>} : memref<768xf32, #tpu.memory_space<vmem>>, vector<16xf32>,
      %get3A_672 = vector.shape_cast %get3A_671 : vector<16xf32> to vector<16xf32>
      %get3A_673 = arith.constant 48 : index
      %get3A_674 = tpu.vector_load %arg5[%get3A_673] {strides = array<i32>} : memref<768xf32, #tpu.memory_space<vmem>>, vector<16xf32>,
      %get3A_675 = vector.shape_cast %get3A_674 : vector<16xf32> to vector<16xf32>
      %get3A_676 = arith.constant 64 : index
      %get3A_677 = tpu.vector_load %arg5[%get3A_676] {strides = array<i32>} : memref<768xf32, #tpu.memory_space<vmem>>, vector<16xf32>,
      %get3A_678 = vector.shape_cast %get3A_677 : vector<16xf32> to vector<16xf32>
      %get3A_679 = arith.constant 80 : index
      %get3A_680 = tpu.vector_load %arg5[%get3A_679] {strides = array<i32>} : memref<768xf32, #tpu.memory_space<vmem>>, vector<16xf32>,
      %get3A_681 = vector.shape_cast %get3A_680 : vector<16xf32> to vector<16xf32>
      %get3A_682 = arith.constant 96 : index
      %get3A_683 = tpu.vector_load %arg5[%get3A_682] {strides = array<i32>} : memref<768xf32, #tpu.memory_space<vmem>>, vector<16xf32>,
      %get3A_684 = vector.shape_cast %get3A_683 : vector<16xf32> to vector<16xf32>
      %get3A_685 = arith.constant 112 : index
      %get3A_686 = tpu.vector_load %arg5[%get3A_685] {strides = array<i32>} : memref<768xf32, #tpu.memory_space<vmem>>, vector<16xf32>,
      %get3A_687 = vector.shape_cast %get3A_686 : vector<16xf32> to vector<16xf32>
      %get3A_688 = arith.constant 128 : index
      %get3A_689 = tpu.vector_load %arg5[%get3A_688] {strides = array<i32>} : memref<768xf32, #tpu.memory_space<vmem>>, vector<16xf32>,
      %get3A_690 = vector.shape_cast %get3A_689 : vector<16xf32> to vector<16xf32>
      %get3A_691 = arith.constant 144 : index
      %get3A_692 = tpu.vector_load %arg5[%get3A_691] {strides = array<i32>} : memref<768xf32, #tpu.memory_space<vmem>>, vector<16xf32>,
      %get3A_693 = vector.shape_cast %get3A_692 : vector<16xf32> to vector<16xf32>
      %get3A_694 = arith.constant 160 : index
      %get3A_695 = tpu.vector_load %arg5[%get3A_694] {strides = array<i32>} : memref<768xf32, #tpu.memory_space<vmem>>, vector<16xf32>,
      %get3A_696 = vector.shape_cast %get3A_695 : vector<16xf32> to vector<16xf32>
      %get3A_697 = arith.constant 176 : index
      %get3A_698 = tpu.vector_load %arg5[%get3A_697] {strides = array<i32>} : memref<768xf32, #tpu.memory_space<vmem>>, vector<16xf32>,
      %get3A_699 = vector.shape_cast %get3A_698 : vector<16xf32> to vector<16xf32>
      %scan3A_700 = arith.constant 0 : i32
      %scan3A_701 = arith.constant 64 : i32
      %scan3A_702 = arith.addi %scan3A_700, %scan3A_701 : i32
      %scan3A_703 = arith.constant 1 : i32
      %scan3A_704:12 = scf.for %scan3A_1029 = %scan3A_700 to %scan3A_702 step %scan3A_703 iter_args(%scan3A_1030 = %get3A_666, %scan3A_1031 = %get3A_669, %scan3A_1032 = %get3A_672, %scan3A_1033 = %get3A_675, %scan3A_1034 = %get3A_678, %scan3A_1035 = %get3A_681, %scan3A_1036 = %get3A_684, %scan3A_1037 = %get3A_687, %scan3A_1038 = %get3A_690, %scan3A_1039 = %get3A_693, %scan3A_1040 = %get3A_696, %scan3A_1041 = %get3A_699) -> (vector<16xf32>, vector<16xf32>, vector<16xf32>, vector<16xf32>, vector<16xf32>, vector<16xf32>, vector<16xf32>, vector<16xf32>, vector<16xf32>, vector<16xf32>, vector<16xf32>, vector<16xf32>)  : i32 {
        %get3A_1042 = arith.constant 1 : i32
        %get3A_1043 = arith.index_cast %get3A_1042 : i32 to index
        %get3A_1044 = arith.index_cast %scan3A_1029 : i32 to index
        %get3A_1045 = arith.constant 0 : index
        %get3A_1046 = tpu.vector_load %arg4[%get3A_1043, %get3A_1044, %get3A_1045] {strides = array<i32>} : memref<2x64x768xf32, #tpu.memory_space<vmem>>, vector<1x1x16xf32>,
        %get3A_1047 = vector.shape_cast %get3A_1046 : vector<1x1x16xf32> to vector<16xf32>
        %add3A_1048 = arith.addf %scan3A_1030, %get3A_1047 : vector<16xf32>
        %get3A_1049 = arith.constant 1 : i32
        %get3A_1050 = arith.index_cast %get3A_1049 : i32 to index
        %get3A_1051 = arith.index_cast %scan3A_1029 : i32 to index
        %get3A_1052 = arith.constant 16 : index
        %get3A_1053 = tpu.vector_load %arg4[%get3A_1050, %get3A_1051, %get3A_1052] {strides = array<i32>} : memref<2x64x768xf32, #tpu.memory_space<vmem>>, vector<1x1x16xf32>,
        %get3A_1054 = vector.shape_cast %get3A_1053 : vector<1x1x16xf32> to vector<16xf32>
        %add3A_1055 = arith.addf %scan3A_1031, %get3A_1054 : vector<16xf32>
        %get3A_1056 = arith.constant 1 : i32
        %get3A_1057 = arith.index_cast %get3A_1056 : i32 to index
        %get3A_1058 = arith.index_cast %scan3A_1029 : i32 to index
        %get3A_1059 = arith.constant 32 : index
        %get3A_1060 = tpu.vector_load %arg4[%get3A_1057, %get3A_1058, %get3A_1059] {strides = array<i32>} : memref<2x64x768xf32, #tpu.memory_space<vmem>>, vector<1x1x16xf32>,
        %get3A_1061 = vector.shape_cast %get3A_1060 : vector<1x1x16xf32> to vector<16xf32>
        %add3A_1062 = arith.addf %scan3A_1032, %get3A_1061 : vector<16xf32>
        %get3A_1063 = arith.constant 1 : i32
        %get3A_1064 = arith.index_cast %get3A_1063 : i32 to index
        %get3A_1065 = arith.index_cast %scan3A_1029 : i32 to index
        %get3A_1066 = arith.constant 48 : index
        %get3A_1067 = tpu.vector_load %arg4[%get3A_1064, %get3A_1065, %get3A_1066] {strides = array<i32>} : memref<2x64x768xf32, #tpu.memory_space<vmem>>, vector<1x1x16xf32>,
        %get3A_1068 = vector.shape_cast %get3A_1067 : vector<1x1x16xf32> to vector<16xf32>
        %add3A_1069 = arith.addf %scan3A_1033, %get3A_1068 : vector<16xf32>
        %get3A_1070 = arith.constant 1 : i32
        %get3A_1071 = arith.index_cast %get3A_1070 : i32 to index
        %get3A_1072 = arith.index_cast %scan3A_1029 : i32 to index
        %get3A_1073 = arith.constant 64 : index
        %get3A_1074 = tpu.vector_load %arg4[%get3A_1071, %get3A_1072, %get3A_1073] {strides = array<i32>} : memref<2x64x768xf32, #tpu.memory_space<vmem>>, vector<1x1x16xf32>,
        %get3A_1075 = vector.shape_cast %get3A_1074 : vector<1x1x16xf32> to vector<16xf32>
        %add3A_1076 = arith.addf %scan3A_1034, %get3A_1075 : vector<16xf32>
        %get3A_1077 = arith.constant 1 : i32
        %get3A_1078 = arith.index_cast %get3A_1077 : i32 to index
        %get3A_1079 = arith.index_cast %scan3A_1029 : i32 to index
        %get3A_1080 = arith.constant 80 : index
        %get3A_1081 = tpu.vector_load %arg4[%get3A_1078, %get3A_1079, %get3A_1080] {strides = array<i32>} : memref<2x64x768xf32, #tpu.memory_space<vmem>>, vector<1x1x16xf32>,
        %get3A_1082 = vector.shape_cast %get3A_1081 : vector<1x1x16xf32> to vector<16xf32>
        %add3A_1083 = arith.addf %scan3A_1035, %get3A_1082 : vector<16xf32>
        %get3A_1084 = arith.constant 1 : i32
        %get3A_1085 = arith.index_cast %get3A_1084 : i32 to index
        %get3A_1086 = arith.index_cast %scan3A_1029 : i32 to index
        %get3A_1087 = arith.constant 96 : index
        %get3A_1088 = tpu.vector_load %arg4[%get3A_1085, %get3A_1086, %get3A_1087] {strides = array<i32>} : memref<2x64x768xf32, #tpu.memory_space<vmem>>, vector<1x1x16xf32>,
        %get3A_1089 = vector.shape_cast %get3A_1088 : vector<1x1x16xf32> to vector<16xf32>
        %add3A_1090 = arith.addf %scan3A_1036, %get3A_1089 : vector<16xf32>
        %get3A_1091 = arith.constant 1 : i32
        %get3A_1092 = arith.index_cast %get3A_1091 : i32 to index
        %get3A_1093 = arith.index_cast %scan3A_1029 : i32 to index
        %get3A_1094 = arith.constant 112 : index
        %get3A_1095 = tpu.vector_load %arg4[%get3A_1092, %get3A_1093, %get3A_1094] {strides = array<i32>} : memref<2x64x768xf32, #tpu.memory_space<vmem>>, vector<1x1x16xf32>,
        %get3A_1096 = vector.shape_cast %get3A_1095 : vector<1x1x16xf32> to vector<16xf32>
        %add3A_1097 = arith.addf %scan3A_1037, %get3A_1096 : vector<16xf32>
        %get3A_1098 = arith.constant 1 : i32
        %get3A_1099 = arith.index_cast %get3A_1098 : i32 to index
        %get3A_1100 = arith.index_cast %scan3A_1029 : i32 to index
        %get3A_1101 = arith.constant 128 : index
        %get3A_1102 = tpu.vector_load %arg4[%get3A_1099, %get3A_1100, %get3A_1101] {strides = array<i32>} : memref<2x64x768xf32, #tpu.memory_space<vmem>>, vector<1x1x16xf32>,
        %get3A_1103 = vector.shape_cast %get3A_1102 : vector<1x1x16xf32> to vector<16xf32>
        %add3A_1104 = arith.addf %scan3A_1038, %get3A_1103 : vector<16xf32>
        %get3A_1105 = arith.constant 1 : i32
        %get3A_1106 = arith.index_cast %get3A_1105 : i32 to index
        %get3A_1107 = arith.index_cast %scan3A_1029 : i32 to index
        %get3A_1108 = arith.constant 144 : index
        %get3A_1109 = tpu.vector_load %arg4[%get3A_1106, %get3A_1107, %get3A_1108] {strides = array<i32>} : memref<2x64x768xf32, #tpu.memory_space<vmem>>, vector<1x1x16xf32>,
        %get3A_1110 = vector.shape_cast %get3A_1109 : vector<1x1x16xf32> to vector<16xf32>
        %add3A_1111 = arith.addf %scan3A_1039, %get3A_1110 : vector<16xf32>
        %get3A_1112 = arith.constant 1 : i32
        %get3A_1113 = arith.index_cast %get3A_1112 : i32 to index
        %get3A_1114 = arith.index_cast %scan3A_1029 : i32 to index
        %get3A_1115 = arith.constant 160 : index
        %get3A_1116 = tpu.vector_load %arg4[%get3A_1113, %get3A_1114, %get3A_1115] {strides = array<i32>} : memref<2x64x768xf32, #tpu.memory_space<vmem>>, vector<1x1x16xf32>,
        %get3A_1117 = vector.shape_cast %get3A_1116 : vector<1x1x16xf32> to vector<16xf32>
        %add3A_1118 = arith.addf %scan3A_1040, %get3A_1117 : vector<16xf32>
        %get3A_1119 = arith.constant 1 : i32
        %get3A_1120 = arith.index_cast %get3A_1119 : i32 to index
        %get3A_1121 = arith.index_cast %scan3A_1029 : i32 to index
        %get3A_1122 = arith.constant 176 : index
        %get3A_1123 = tpu.vector_load %arg4[%get3A_1120, %get3A_1121, %get3A_1122] {strides = array<i32>} : memref<2x64x768xf32, #tpu.memory_space<vmem>>, vector<1x1x16xf32>,
        %get3A_1124 = vector.shape_cast %get3A_1123 : vector<1x1x16xf32> to vector<16xf32>
        %add3A_1125 = arith.addf %scan3A_1041, %get3A_1124 : vector<16xf32>
        scf.yield %add3A_1048, %add3A_1055, %add3A_1062, %add3A_1069, %add3A_1076, %add3A_1083, %add3A_1090, %add3A_1097, %add3A_1104, %add3A_1111, %add3A_1118, %add3A_1125 : vector<16xf32>, vector<16xf32>, vector<16xf32>, vector<16xf32>, vector<16xf32>, vector<16xf32>, vector<16xf32>, vector<16xf32>, vector<16xf32>, vector<16xf32>, vector<16xf32>, vector<16xf32>
      }
      %scan3A_705 = arith.constant 64 : i32
      %swap3A_706 = arith.constant 0 : index
      %swap3A_707 = tpu.vector_load %arg5[%swap3A_706] {strides = array<i32>} : memref<768xf32, #tpu.memory_space<vmem>>, vector<16xf32>,
      %swap3A_708 = vector.shape_cast %swap3A_707 : vector<16xf32> to vector<16xf32>
      %swap3A_709 = vector.shape_cast %scan3A_704#0 : vector<16xf32> to vector<16xf32>
      tpu.vector_store %arg5[%swap3A_706], %swap3A_709 {strides = array<i32>} : memref<768xf32, #tpu.memory_space<vmem>>, vector<16xf32>,
      %swap3A_710 = arith.constant 16 : index
      %swap3A_711 = tpu.vector_load %arg5[%swap3A_710] {strides = array<i32>} : memref<768xf32, #tpu.memory_space<vmem>>, vector<16xf32>,
      %swap3A_712 = vector.shape_cast %swap3A_711 : vector<16xf32> to vector<16xf32>
      %swap3A_713 = vector.shape_cast %scan3A_704#1 : vector<16xf32> to vector<16xf32>
      tpu.vector_store %arg5[%swap3A_710], %swap3A_713 {strides = array<i32>} : memref<768xf32, #tpu.memory_space<vmem>>, vector<16xf32>,
      %swap3A_714 = arith.constant 32 : index
      %swap3A_715 = tpu.vector_load %arg5[%swap3A_714] {strides = array<i32>} : memref<768xf32, #tpu.memory_space<vmem>>, vector<16xf32>,
      %swap3A_716 = vector.shape_cast %swap3A_715 : vector<16xf32> to vector<16xf32>
      %swap3A_717 = vector.shape_cast %scan3A_704#2 : vector<16xf32> to vector<16xf32>
      tpu.vector_store %arg5[%swap3A_714], %swap3A_717 {strides = array<i32>} : memref<768xf32, #tpu.memory_space<vmem>>, vector<16xf32>,
      %swap3A_718 = arith.constant 48 : index
      %swap3A_719 = tpu.vector_load %arg5[%swap3A_718] {strides = array<i32>} : memref<768xf32, #tpu.memory_space<vmem>>, vector<16xf32>,
      %swap3A_720 = vector.shape_cast %swap3A_719 : vector<16xf32> to vector<16xf32>
      %swap3A_721 = vector.shape_cast %scan3A_704#3 : vector<16xf32> to vector<16xf32>
      tpu.vector_store %arg5[%swap3A_718], %swap3A_721 {strides = array<i32>} : memref<768xf32, #tpu.memory_space<vmem>>, vector<16xf32>,
      %swap3A_722 = arith.constant 64 : index
      %swap3A_723 = tpu.vector_load %arg5[%swap3A_722] {strides = array<i32>} : memref<768xf32, #tpu.memory_space<vmem>>, vector<16xf32>,
      %swap3A_724 = vector.shape_cast %swap3A_723 : vector<16xf32> to vector<16xf32>
      %swap3A_725 = vector.shape_cast %scan3A_704#4 : vector<16xf32> to vector<16xf32>
      tpu.vector_store %arg5[%swap3A_722], %swap3A_725 {strides = array<i32>} : memref<768xf32, #tpu.memory_space<vmem>>, vector<16xf32>,
      %swap3A_726 = arith.constant 80 : index
      %swap3A_727 = tpu.vector_load %arg5[%swap3A_726] {strides = array<i32>} : memref<768xf32, #tpu.memory_space<vmem>>, vector<16xf32>,
      %swap3A_728 = vector.shape_cast %swap3A_727 : vector<16xf32> to vector<16xf32>
      %swap3A_729 = vector.shape_cast %scan3A_704#5 : vector<16xf32> to vector<16xf32>
      tpu.vector_store %arg5[%swap3A_726], %swap3A_729 {strides = array<i32>} : memref<768xf32, #tpu.memory_space<vmem>>, vector<16xf32>,
      %swap3A_730 = arith.constant 96 : index
      %swap3A_731 = tpu.vector_load %arg5[%swap3A_730] {strides = array<i32>} : memref<768xf32, #tpu.memory_space<vmem>>, vector<16xf32>,
      %swap3A_732 = vector.shape_cast %swap3A_731 : vector<16xf32> to vector<16xf32>
      %swap3A_733 = vector.shape_cast %scan3A_704#6 : vector<16xf32> to vector<16xf32>
      tpu.vector_store %arg5[%swap3A_730], %swap3A_733 {strides = array<i32>} : memref<768xf32, #tpu.memory_space<vmem>>, vector<16xf32>,
      %swap3A_734 = arith.constant 112 : index
      %swap3A_735 = tpu.vector_load %arg5[%swap3A_734] {strides = array<i32>} : memref<768xf32, #tpu.memory_space<vmem>>, vector<16xf32>,
      %swap3A_736 = vector.shape_cast %swap3A_735 : vector<16xf32> to vector<16xf32>
      %swap3A_737 = vector.shape_cast %scan3A_704#7 : vector<16xf32> to vector<16xf32>
      tpu.vector_store %arg5[%swap3A_734], %swap3A_737 {strides = array<i32>} : memref<768xf32, #tpu.memory_space<vmem>>, vector<16xf32>,
      %swap3A_738 = arith.constant 128 : index
      %swap3A_739 = tpu.vector_load %arg5[%swap3A_738] {strides = array<i32>} : memref<768xf32, #tpu.memory_space<vmem>>, vector<16xf32>,
      %swap3A_740 = vector.shape_cast %swap3A_739 : vector<16xf32> to vector<16xf32>
      %swap3A_741 = vector.shape_cast %scan3A_704#8 : vector<16xf32> to vector<16xf32>
      tpu.vector_store %arg5[%swap3A_738], %swap3A_741 {strides = array<i32>} : memref<768xf32, #tpu.memory_space<vmem>>, vector<16xf32>,
      %swap3A_742 = arith.constant 144 : index
      %swap3A_743 = tpu.vector_load %arg5[%swap3A_742] {strides = array<i32>} : memref<768xf32, #tpu.memory_space<vmem>>, vector<16xf32>,
      %swap3A_744 = vector.shape_cast %swap3A_743 : vector<16xf32> to vector<16xf32>
      %swap3A_745 = vector.shape_cast %scan3A_704#9 : vector<16xf32> to vector<16xf32>
      tpu.vector_store %arg5[%swap3A_742], %swap3A_745 {strides = array<i32>} : memref<768xf32, #tpu.memory_space<vmem>>, vector<16xf32>,
      %swap3A_746 = arith.constant 160 : index
      %swap3A_747 = tpu.vector_load %arg5[%swap3A_746] {strides = array<i32>} : memref<768xf32, #tpu.memory_space<vmem>>, vector<16xf32>,
      %swap3A_748 = vector.shape_cast %swap3A_747 : vector<16xf32> to vector<16xf32>
      %swap3A_749 = vector.shape_cast %scan3A_704#10 : vector<16xf32> to vector<16xf32>
      tpu.vector_store %arg5[%swap3A_746], %swap3A_749 {strides = array<i32>} : memref<768xf32, #tpu.memory_space<vmem>>, vector<16xf32>,
      %swap3A_750 = arith.constant 176 : index
      %swap3A_751 = tpu.vector_load %arg5[%swap3A_750] {strides = array<i32>} : memref<768xf32, #tpu.memory_space<vmem>>, vector<16xf32>,
      %swap3A_752 = vector.shape_cast %swap3A_751 : vector<16xf32> to vector<16xf32>
      %swap3A_753 = vector.shape_cast %scan3A_704#11 : vector<16xf32> to vector<16xf32>
      tpu.vector_store %arg5[%swap3A_750], %swap3A_753 {strides = array<i32>} : memref<768xf32, #tpu.memory_space<vmem>>, vector<16xf32>,
      %get3A_754 = arith.constant 192 : index
      %get3A_755 = tpu.vector_load %arg5[%get3A_754] {strides = array<i32>} : memref<768xf32, #tpu.memory_space<vmem>>, vector<16xf32>,
      %get3A_756 = vector.shape_cast %get3A_755 : vector<16xf32> to vector<16xf32>
      %get3A_757 = arith.constant 208 : index
      %get3A_758 = tpu.vector_load %arg5[%get3A_757] {strides = array<i32>} : memref<768xf32, #tpu.memory_space<vmem>>, vector<16xf32>,
      %get3A_759 = vector.shape_cast %get3A_758 : vector<16xf32> to vector<16xf32>
      %get3A_760 = arith.constant 224 : index
      %get3A_761 = tpu.vector_load %arg5[%get3A_760] {strides = array<i32>} : memref<768xf32, #tpu.memory_space<vmem>>, vector<16xf32>,
      %get3A_762 = vector.shape_cast %get3A_761 : vector<16xf32> to vector<16xf32>
      %get3A_763 = arith.constant 240 : index
      %get3A_764 = tpu.vector_load %arg5[%get3A_763] {strides = array<i32>} : memref<768xf32, #tpu.memory_space<vmem>>, vector<16xf32>,
      %get3A_765 = vector.shape_cast %get3A_764 : vector<16xf32> to vector<16xf32>
      %get3A_766 = arith.constant 256 : index
      %get3A_767 = tpu.vector_load %arg5[%get3A_766] {strides = array<i32>} : memref<768xf32, #tpu.memory_space<vmem>>, vector<16xf32>,
      %get3A_768 = vector.shape_cast %get3A_767 : vector<16xf32> to vector<16xf32>
      %get3A_769 = arith.constant 272 : index
      %get3A_770 = tpu.vector_load %arg5[%get3A_769] {strides = array<i32>} : memref<768xf32, #tpu.memory_space<vmem>>, vector<16xf32>,
      %get3A_771 = vector.shape_cast %get3A_770 : vector<16xf32> to vector<16xf32>
      %get3A_772 = arith.constant 288 : index
      %get3A_773 = tpu.vector_load %arg5[%get3A_772] {strides = array<i32>} : memref<768xf32, #tpu.memory_space<vmem>>, vector<16xf32>,
      %get3A_774 = vector.shape_cast %get3A_773 : vector<16xf32> to vector<16xf32>
      %get3A_775 = arith.constant 304 : index
      %get3A_776 = tpu.vector_load %arg5[%get3A_775] {strides = array<i32>} : memref<768xf32, #tpu.memory_space<vmem>>, vector<16xf32>,
      %get3A_777 = vector.shape_cast %get3A_776 : vector<16xf32> to vector<16xf32>
      %get3A_778 = arith.constant 320 : index
      %get3A_779 = tpu.vector_load %arg5[%get3A_778] {strides = array<i32>} : memref<768xf32, #tpu.memory_space<vmem>>, vector<16xf32>,
      %get3A_780 = vector.shape_cast %get3A_779 : vector<16xf32> to vector<16xf32>
      %get3A_781 = arith.constant 336 : index
      %get3A_782 = tpu.vector_load %arg5[%get3A_781] {strides = array<i32>} : memref<768xf32, #tpu.memory_space<vmem>>, vector<16xf32>,
      %get3A_783 = vector.shape_cast %get3A_782 : vector<16xf32> to vector<16xf32>
      %get3A_784 = arith.constant 352 : index
      %get3A_785 = tpu.vector_load %arg5[%get3A_784] {strides = array<i32>} : memref<768xf32, #tpu.memory_space<vmem>>, vector<16xf32>,
      %get3A_786 = vector.shape_cast %get3A_785 : vector<16xf32> to vector<16xf32>
      %get3A_787 = arith.constant 368 : index
      %get3A_788 = tpu.vector_load %arg5[%get3A_787] {strides = array<i32>} : memref<768xf32, #tpu.memory_space<vmem>>, vector<16xf32>,
      %get3A_789 = vector.shape_cast %get3A_788 : vector<16xf32> to vector<16xf32>
      %scan3A_790 = arith.constant 0 : i32
      %scan3A_791 = arith.constant 64 : i32
      %scan3A_792 = arith.addi %scan3A_790, %scan3A_791 : i32
      %scan3A_793 = arith.constant 1 : i32
      %scan3A_794:12 = scf.for %scan3A_1029 = %scan3A_790 to %scan3A_792 step %scan3A_793 iter_args(%scan3A_1030 = %get3A_756, %scan3A_1031 = %get3A_759, %scan3A_1032 = %get3A_762, %scan3A_1033 = %get3A_765, %scan3A_1034 = %get3A_768, %scan3A_1035 = %get3A_771, %scan3A_1036 = %get3A_774, %scan3A_1037 = %get3A_777, %scan3A_1038 = %get3A_780, %scan3A_1039 = %get3A_783, %scan3A_1040 = %get3A_786, %scan3A_1041 = %get3A_789) -> (vector<16xf32>, vector<16xf32>, vector<16xf32>, vector<16xf32>, vector<16xf32>, vector<16xf32>, vector<16xf32>, vector<16xf32>, vector<16xf32>, vector<16xf32>, vector<16xf32>, vector<16xf32>)  : i32 {
        %get3A_1042 = arith.constant 1 : i32
        %get3A_1043 = arith.index_cast %get3A_1042 : i32 to index
        %get3A_1044 = arith.index_cast %scan3A_1029 : i32 to index
        %get3A_1045 = arith.constant 192 : index
        %get3A_1046 = tpu.vector_load %arg4[%get3A_1043, %get3A_1044, %get3A_1045] {strides = array<i32>} : memref<2x64x768xf32, #tpu.memory_space<vmem>>, vector<1x1x16xf32>,
        %get3A_1047 = vector.shape_cast %get3A_1046 : vector<1x1x16xf32> to vector<16xf32>
        %add3A_1048 = arith.addf %scan3A_1030, %get3A_1047 : vector<16xf32>
        %get3A_1049 = arith.constant 1 : i32
        %get3A_1050 = arith.index_cast %get3A_1049 : i32 to index
        %get3A_1051 = arith.index_cast %scan3A_1029 : i32 to index
        %get3A_1052 = arith.constant 208 : index
        %get3A_1053 = tpu.vector_load %arg4[%get3A_1050, %get3A_1051, %get3A_1052] {strides = array<i32>} : memref<2x64x768xf32, #tpu.memory_space<vmem>>, vector<1x1x16xf32>,
        %get3A_1054 = vector.shape_cast %get3A_1053 : vector<1x1x16xf32> to vector<16xf32>
        %add3A_1055 = arith.addf %scan3A_1031, %get3A_1054 : vector<16xf32>
        %get3A_1056 = arith.constant 1 : i32
        %get3A_1057 = arith.index_cast %get3A_1056 : i32 to index
        %get3A_1058 = arith.index_cast %scan3A_1029 : i32 to index
        %get3A_1059 = arith.constant 224 : index
        %get3A_1060 = tpu.vector_load %arg4[%get3A_1057, %get3A_1058, %get3A_1059] {strides = array<i32>} : memref<2x64x768xf32, #tpu.memory_space<vmem>>, vector<1x1x16xf32>,
        %get3A_1061 = vector.shape_cast %get3A_1060 : vector<1x1x16xf32> to vector<16xf32>
        %add3A_1062 = arith.addf %scan3A_1032, %get3A_1061 : vector<16xf32>
        %get3A_1063 = arith.constant 1 : i32
        %get3A_1064 = arith.index_cast %get3A_1063 : i32 to index
        %get3A_1065 = arith.index_cast %scan3A_1029 : i32 to index
        %get3A_1066 = arith.constant 240 : index
        %get3A_1067 = tpu.vector_load %arg4[%get3A_1064, %get3A_1065, %get3A_1066] {strides = array<i32>} : memref<2x64x768xf32, #tpu.memory_space<vmem>>, vector<1x1x16xf32>,
        %get3A_1068 = vector.shape_cast %get3A_1067 : vector<1x1x16xf32> to vector<16xf32>
        %add3A_1069 = arith.addf %scan3A_1033, %get3A_1068 : vector<16xf32>
        %get3A_1070 = arith.constant 1 : i32
        %get3A_1071 = arith.index_cast %get3A_1070 : i32 to index
        %get3A_1072 = arith.index_cast %scan3A_1029 : i32 to index
        %get3A_1073 = arith.constant 256 : index
        %get3A_1074 = tpu.vector_load %arg4[%get3A_1071, %get3A_1072, %get3A_1073] {strides = array<i32>} : memref<2x64x768xf32, #tpu.memory_space<vmem>>, vector<1x1x16xf32>,
        %get3A_1075 = vector.shape_cast %get3A_1074 : vector<1x1x16xf32> to vector<16xf32>
        %add3A_1076 = arith.addf %scan3A_1034, %get3A_1075 : vector<16xf32>
        %get3A_1077 = arith.constant 1 : i32
        %get3A_1078 = arith.index_cast %get3A_1077 : i32 to index
        %get3A_1079 = arith.index_cast %scan3A_1029 : i32 to index
        %get3A_1080 = arith.constant 272 : index
        %get3A_1081 = tpu.vector_load %arg4[%get3A_1078, %get3A_1079, %get3A_1080] {strides = array<i32>} : memref<2x64x768xf32, #tpu.memory_space<vmem>>, vector<1x1x16xf32>,
        %get3A_1082 = vector.shape_cast %get3A_1081 : vector<1x1x16xf32> to vector<16xf32>
        %add3A_1083 = arith.addf %scan3A_1035, %get3A_1082 : vector<16xf32>
        %get3A_1084 = arith.constant 1 : i32
        %get3A_1085 = arith.index_cast %get3A_1084 : i32 to index
        %get3A_1086 = arith.index_cast %scan3A_1029 : i32 to index
        %get3A_1087 = arith.constant 288 : index
        %get3A_1088 = tpu.vector_load %arg4[%get3A_1085, %get3A_1086, %get3A_1087] {strides = array<i32>} : memref<2x64x768xf32, #tpu.memory_space<vmem>>, vector<1x1x16xf32>,
        %get3A_1089 = vector.shape_cast %get3A_1088 : vector<1x1x16xf32> to vector<16xf32>
        %add3A_1090 = arith.addf %scan3A_1036, %get3A_1089 : vector<16xf32>
        %get3A_1091 = arith.constant 1 : i32
        %get3A_1092 = arith.index_cast %get3A_1091 : i32 to index
        %get3A_1093 = arith.index_cast %scan3A_1029 : i32 to index
        %get3A_1094 = arith.constant 304 : index
        %get3A_1095 = tpu.vector_load %arg4[%get3A_1092, %get3A_1093, %get3A_1094] {strides = array<i32>} : memref<2x64x768xf32, #tpu.memory_space<vmem>>, vector<1x1x16xf32>,
        %get3A_1096 = vector.shape_cast %get3A_1095 : vector<1x1x16xf32> to vector<16xf32>
        %add3A_1097 = arith.addf %scan3A_1037, %get3A_1096 : vector<16xf32>
        %get3A_1098 = arith.constant 1 : i32
        %get3A_1099 = arith.index_cast %get3A_1098 : i32 to index
        %get3A_1100 = arith.index_cast %scan3A_1029 : i32 to index
        %get3A_1101 = arith.constant 320 : index
        %get3A_1102 = tpu.vector_load %arg4[%get3A_1099, %get3A_1100, %get3A_1101] {strides = array<i32>} : memref<2x64x768xf32, #tpu.memory_space<vmem>>, vector<1x1x16xf32>,
        %get3A_1103 = vector.shape_cast %get3A_1102 : vector<1x1x16xf32> to vector<16xf32>
        %add3A_1104 = arith.addf %scan3A_1038, %get3A_1103 : vector<16xf32>
        %get3A_1105 = arith.constant 1 : i32
        %get3A_1106 = arith.index_cast %get3A_1105 : i32 to index
        %get3A_1107 = arith.index_cast %scan3A_1029 : i32 to index
        %get3A_1108 = arith.constant 336 : index
        %get3A_1109 = tpu.vector_load %arg4[%get3A_1106, %get3A_1107, %get3A_1108] {strides = array<i32>} : memref<2x64x768xf32, #tpu.memory_space<vmem>>, vector<1x1x16xf32>,
        %get3A_1110 = vector.shape_cast %get3A_1109 : vector<1x1x16xf32> to vector<16xf32>
        %add3A_1111 = arith.addf %scan3A_1039, %get3A_1110 : vector<16xf32>
        %get3A_1112 = arith.constant 1 : i32
        %get3A_1113 = arith.index_cast %get3A_1112 : i32 to index
        %get3A_1114 = arith.index_cast %scan3A_1029 : i32 to index
        %get3A_1115 = arith.constant 352 : index
        %get3A_1116 = tpu.vector_load %arg4[%get3A_1113, %get3A_1114, %get3A_1115] {strides = array<i32>} : memref<2x64x768xf32, #tpu.memory_space<vmem>>, vector<1x1x16xf32>,
        %get3A_1117 = vector.shape_cast %get3A_1116 : vector<1x1x16xf32> to vector<16xf32>
        %add3A_1118 = arith.addf %scan3A_1040, %get3A_1117 : vector<16xf32>
        %get3A_1119 = arith.constant 1 : i32
        %get3A_1120 = arith.index_cast %get3A_1119 : i32 to index
        %get3A_1121 = arith.index_cast %scan3A_1029 : i32 to index
        %get3A_1122 = arith.constant 368 : index
        %get3A_1123 = tpu.vector_load %arg4[%get3A_1120, %get3A_1121, %get3A_1122] {strides = array<i32>} : memref<2x64x768xf32, #tpu.memory_space<vmem>>, vector<1x1x16xf32>,
        %get3A_1124 = vector.shape_cast %get3A_1123 : vector<1x1x16xf32> to vector<16xf32>
        %add3A_1125 = arith.addf %scan3A_1041, %get3A_1124 : vector<16xf32>
        scf.yield %add3A_1048, %add3A_1055, %add3A_1062, %add3A_1069, %add3A_1076, %add3A_1083, %add3A_1090, %add3A_1097, %add3A_1104, %add3A_1111, %add3A_1118, %add3A_1125 : vector<16xf32>, vector<16xf32>, vector<16xf32>, vector<16xf32>, vector<16xf32>, vector<16xf32>, vector<16xf32>, vector<16xf32>, vector<16xf32>, vector<16xf32>, vector<16xf32>, vector<16xf32>
      }
      %scan3A_795 = arith.constant 64 : i32
      %swap3A_796 = arith.constant 192 : index
      %swap3A_797 = tpu.vector_load %arg5[%swap3A_796] {strides = array<i32>} : memref<768xf32, #tpu.memory_space<vmem>>, vector<16xf32>,
      %swap3A_798 = vector.shape_cast %swap3A_797 : vector<16xf32> to vector<16xf32>
      %swap3A_799 = vector.shape_cast %scan3A_794#0 : vector<16xf32> to vector<16xf32>
      tpu.vector_store %arg5[%swap3A_796], %swap3A_799 {strides = array<i32>} : memref<768xf32, #tpu.memory_space<vmem>>, vector<16xf32>,
      %swap3A_800 = arith.constant 208 : index
      %swap3A_801 = tpu.vector_load %arg5[%swap3A_800] {strides = array<i32>} : memref<768xf32, #tpu.memory_space<vmem>>, vector<16xf32>,
      %swap3A_802 = vector.shape_cast %swap3A_801 : vector<16xf32> to vector<16xf32>
      %swap3A_803 = vector.shape_cast %scan3A_794#1 : vector<16xf32> to vector<16xf32>
      tpu.vector_store %arg5[%swap3A_800], %swap3A_803 {strides = array<i32>} : memref<768xf32, #tpu.memory_space<vmem>>, vector<16xf32>,
      %swap3A_804 = arith.constant 224 : index
      %swap3A_805 = tpu.vector_load %arg5[%swap3A_804] {strides = array<i32>} : memref<768xf32, #tpu.memory_space<vmem>>, vector<16xf32>,
      %swap3A_806 = vector.shape_cast %swap3A_805 : vector<16xf32> to vector<16xf32>
      %swap3A_807 = vector.shape_cast %scan3A_794#2 : vector<16xf32> to vector<16xf32>
      tpu.vector_store %arg5[%swap3A_804], %swap3A_807 {strides = array<i32>} : memref<768xf32, #tpu.memory_space<vmem>>, vector<16xf32>,
      %swap3A_808 = arith.constant 240 : index
      %swap3A_809 = tpu.vector_load %arg5[%swap3A_808] {strides = array<i32>} : memref<768xf32, #tpu.memory_space<vmem>>, vector<16xf32>,
      %swap3A_810 = vector.shape_cast %swap3A_809 : vector<16xf32> to vector<16xf32>
      %swap3A_811 = vector.shape_cast %scan3A_794#3 : vector<16xf32> to vector<16xf32>
      tpu.vector_store %arg5[%swap3A_808], %swap3A_811 {strides = array<i32>} : memref<768xf32, #tpu.memory_space<vmem>>, vector<16xf32>,
      %swap3A_812 = arith.constant 256 : index
      %swap3A_813 = tpu.vector_load %arg5[%swap3A_812] {strides = array<i32>} : memref<768xf32, #tpu.memory_space<vmem>>, vector<16xf32>,
      %swap3A_814 = vector.shape_cast %swap3A_813 : vector<16xf32> to vector<16xf32>
      %swap3A_815 = vector.shape_cast %scan3A_794#4 : vector<16xf32> to vector<16xf32>
      tpu.vector_store %arg5[%swap3A_812], %swap3A_815 {strides = array<i32>} : memref<768xf32, #tpu.memory_space<vmem>>, vector<16xf32>,
      %swap3A_816 = arith.constant 272 : index
      %swap3A_817 = tpu.vector_load %arg5[%swap3A_816] {strides = array<i32>} : memref<768xf32, #tpu.memory_space<vmem>>, vector<16xf32>,
      %swap3A_818 = vector.shape_cast %swap3A_817 : vector<16xf32> to vector<16xf32>
      %swap3A_819 = vector.shape_cast %scan3A_794#5 : vector<16xf32> to vector<16xf32>
      tpu.vector_store %arg5[%swap3A_816], %swap3A_819 {strides = array<i32>} : memref<768xf32, #tpu.memory_space<vmem>>, vector<16xf32>,
      %swap3A_820 = arith.constant 288 : index
      %swap3A_821 = tpu.vector_load %arg5[%swap3A_820] {strides = array<i32>} : memref<768xf32, #tpu.memory_space<vmem>>, vector<16xf32>,
      %swap3A_822 = vector.shape_cast %swap3A_821 : vector<16xf32> to vector<16xf32>
      %swap3A_823 = vector.shape_cast %scan3A_794#6 : vector<16xf32> to vector<16xf32>
      tpu.vector_store %arg5[%swap3A_820], %swap3A_823 {strides = array<i32>} : memref<768xf32, #tpu.memory_space<vmem>>, vector<16xf32>,
      %swap3A_824 = arith.constant 304 : index
      %swap3A_825 = tpu.vector_load %arg5[%swap3A_824] {strides = array<i32>} : memref<768xf32, #tpu.memory_space<vmem>>, vector<16xf32>,
      %swap3A_826 = vector.shape_cast %swap3A_825 : vector<16xf32> to vector<16xf32>
      %swap3A_827 = vector.shape_cast %scan3A_794#7 : vector<16xf32> to vector<16xf32>
      tpu.vector_store %arg5[%swap3A_824], %swap3A_827 {strides = array<i32>} : memref<768xf32, #tpu.memory_space<vmem>>, vector<16xf32>,
      %swap3A_828 = arith.constant 320 : index
      %swap3A_829 = tpu.vector_load %arg5[%swap3A_828] {strides = array<i32>} : memref<768xf32, #tpu.memory_space<vmem>>, vector<16xf32>,
      %swap3A_830 = vector.shape_cast %swap3A_829 : vector<16xf32> to vector<16xf32>
      %swap3A_831 = vector.shape_cast %scan3A_794#8 : vector<16xf32> to vector<16xf32>
      tpu.vector_store %arg5[%swap3A_828], %swap3A_831 {strides = array<i32>} : memref<768xf32, #tpu.memory_space<vmem>>, vector<16xf32>,
      %swap3A_832 = arith.constant 336 : index
      %swap3A_833 = tpu.vector_load %arg5[%swap3A_832] {strides = array<i32>} : memref<768xf32, #tpu.memory_space<vmem>>, vector<16xf32>,
      %swap3A_834 = vector.shape_cast %swap3A_833 : vector<16xf32> to vector<16xf32>
      %swap3A_835 = vector.shape_cast %scan3A_794#9 : vector<16xf32> to vector<16xf32>
      tpu.vector_store %arg5[%swap3A_832], %swap3A_835 {strides = array<i32>} : memref<768xf32, #tpu.memory_space<vmem>>, vector<16xf32>,
      %swap3A_836 = arith.constant 352 : index
      %swap3A_837 = tpu.vector_load %arg5[%swap3A_836] {strides = array<i32>} : memref<768xf32, #tpu.memory_space<vmem>>, vector<16xf32>,
      %swap3A_838 = vector.shape_cast %swap3A_837 : vector<16xf32> to vector<16xf32>
      %swap3A_839 = vector.shape_cast %scan3A_794#10 : vector<16xf32> to vector<16xf32>
      tpu.vector_store %arg5[%swap3A_836], %swap3A_839 {strides = array<i32>} : memref<768xf32, #tpu.memory_space<vmem>>, vector<16xf32>,
      %swap3A_840 = arith.constant 368 : index
      %swap3A_841 = tpu.vector_load %arg5[%swap3A_840] {strides = array<i32>} : memref<768xf32, #tpu.memory_space<vmem>>, vector<16xf32>,
      %swap3A_842 = vector.shape_cast %swap3A_841 : vector<16xf32> to vector<16xf32>
      %swap3A_843 = vector.shape_cast %scan3A_794#11 : vector<16xf32> to vector<16xf32>
      tpu.vector_store %arg5[%swap3A_840], %swap3A_843 {strides = array<i32>} : memref<768xf32, #tpu.memory_space<vmem>>, vector<16xf32>,
      %get3A_844 = arith.constant 384 : index
      %get3A_845 = tpu.vector_load %arg5[%get3A_844] {strides = array<i32>} : memref<768xf32, #tpu.memory_space<vmem>>, vector<16xf32>,
      %get3A_846 = vector.shape_cast %get3A_845 : vector<16xf32> to vector<16xf32>
      %get3A_847 = arith.constant 400 : index
      %get3A_848 = tpu.vector_load %arg5[%get3A_847] {strides = array<i32>} : memref<768xf32, #tpu.memory_space<vmem>>, vector<16xf32>,
      %get3A_849 = vector.shape_cast %get3A_848 : vector<16xf32> to vector<16xf32>
      %get3A_850 = arith.constant 416 : index
      %get3A_851 = tpu.vector_load %arg5[%get3A_850] {strides = array<i32>} : memref<768xf32, #tpu.memory_space<vmem>>, vector<16xf32>,
      %get3A_852 = vector.shape_cast %get3A_851 : vector<16xf32> to vector<16xf32>
      %get3A_853 = arith.constant 432 : index
      %get3A_854 = tpu.vector_load %arg5[%get3A_853] {strides = array<i32>} : memref<768xf32, #tpu.memory_space<vmem>>, vector<16xf32>,
      %get3A_855 = vector.shape_cast %get3A_854 : vector<16xf32> to vector<16xf32>
      %get3A_856 = arith.constant 448 : index
      %get3A_857 = tpu.vector_load %arg5[%get3A_856] {strides = array<i32>} : memref<768xf32, #tpu.memory_space<vmem>>, vector<16xf32>,
      %get3A_858 = vector.shape_cast %get3A_857 : vector<16xf32> to vector<16xf32>
      %get3A_859 = arith.constant 464 : index
      %get3A_860 = tpu.vector_load %arg5[%get3A_859] {strides = array<i32>} : memref<768xf32, #tpu.memory_space<vmem>>, vector<16xf32>,
      %get3A_861 = vector.shape_cast %get3A_860 : vector<16xf32> to vector<16xf32>
      %get3A_862 = arith.constant 480 : index
      %get3A_863 = tpu.vector_load %arg5[%get3A_862] {strides = array<i32>} : memref<768xf32, #tpu.memory_space<vmem>>, vector<16xf32>,
      %get3A_864 = vector.shape_cast %get3A_863 : vector<16xf32> to vector<16xf32>
      %get3A_865 = arith.constant 496 : index
      %get3A_866 = tpu.vector_load %arg5[%get3A_865] {strides = array<i32>} : memref<768xf32, #tpu.memory_space<vmem>>, vector<16xf32>,
      %get3A_867 = vector.shape_cast %get3A_866 : vector<16xf32> to vector<16xf32>
      %get3A_868 = arith.constant 512 : index
      %get3A_869 = tpu.vector_load %arg5[%get3A_868] {strides = array<i32>} : memref<768xf32, #tpu.memory_space<vmem>>, vector<16xf32>,
      %get3A_870 = vector.shape_cast %get3A_869 : vector<16xf32> to vector<16xf32>
      %get3A_871 = arith.constant 528 : index
      %get3A_872 = tpu.vector_load %arg5[%get3A_871] {strides = array<i32>} : memref<768xf32, #tpu.memory_space<vmem>>, vector<16xf32>,
      %get3A_873 = vector.shape_cast %get3A_872 : vector<16xf32> to vector<16xf32>
      %get3A_874 = arith.constant 544 : index
      %get3A_875 = tpu.vector_load %arg5[%get3A_874] {strides = array<i32>} : memref<768xf32, #tpu.memory_space<vmem>>, vector<16xf32>,
      %get3A_876 = vector.shape_cast %get3A_875 : vector<16xf32> to vector<16xf32>
      %get3A_877 = arith.constant 560 : index
      %get3A_878 = tpu.vector_load %arg5[%get3A_877] {strides = array<i32>} : memref<768xf32, #tpu.memory_space<vmem>>, vector<16xf32>,
      %get3A_879 = vector.shape_cast %get3A_878 : vector<16xf32> to vector<16xf32>
      %scan3A_880 = arith.constant 0 : i32
      %scan3A_881 = arith.constant 64 : i32
      %scan3A_882 = arith.addi %scan3A_880, %scan3A_881 : i32
      %scan3A_883 = arith.constant 1 : i32
      %scan3A_884:12 = scf.for %scan3A_1029 = %scan3A_880 to %scan3A_882 step %scan3A_883 iter_args(%scan3A_1030 = %get3A_846, %scan3A_1031 = %get3A_849, %scan3A_1032 = %get3A_852, %scan3A_1033 = %get3A_855, %scan3A_1034 = %get3A_858, %scan3A_1035 = %get3A_861, %scan3A_1036 = %get3A_864, %scan3A_1037 = %get3A_867, %scan3A_1038 = %get3A_870, %scan3A_1039 = %get3A_873, %scan3A_1040 = %get3A_876, %scan3A_1041 = %get3A_879) -> (vector<16xf32>, vector<16xf32>, vector<16xf32>, vector<16xf32>, vector<16xf32>, vector<16xf32>, vector<16xf32>, vector<16xf32>, vector<16xf32>, vector<16xf32>, vector<16xf32>, vector<16xf32>)  : i32 {
        %get3A_1042 = arith.constant 1 : i32
        %get3A_1043 = arith.index_cast %get3A_1042 : i32 to index
        %get3A_1044 = arith.index_cast %scan3A_1029 : i32 to index
        %get3A_1045 = arith.constant 384 : index
        %get3A_1046 = tpu.vector_load %arg4[%get3A_1043, %get3A_1044, %get3A_1045] {strides = array<i32>} : memref<2x64x768xf32, #tpu.memory_space<vmem>>, vector<1x1x16xf32>,
        %get3A_1047 = vector.shape_cast %get3A_1046 : vector<1x1x16xf32> to vector<16xf32>
        %add3A_1048 = arith.addf %scan3A_1030, %get3A_1047 : vector<16xf32>
        %get3A_1049 = arith.constant 1 : i32
        %get3A_1050 = arith.index_cast %get3A_1049 : i32 to index
        %get3A_1051 = arith.index_cast %scan3A_1029 : i32 to index
        %get3A_1052 = arith.constant 400 : index
        %get3A_1053 = tpu.vector_load %arg4[%get3A_1050, %get3A_1051, %get3A_1052] {strides = array<i32>} : memref<2x64x768xf32, #tpu.memory_space<vmem>>, vector<1x1x16xf32>,
        %get3A_1054 = vector.shape_cast %get3A_1053 : vector<1x1x16xf32> to vector<16xf32>
        %add3A_1055 = arith.addf %scan3A_1031, %get3A_1054 : vector<16xf32>
        %get3A_1056 = arith.constant 1 : i32
        %get3A_1057 = arith.index_cast %get3A_1056 : i32 to index
        %get3A_1058 = arith.index_cast %scan3A_1029 : i32 to index
        %get3A_1059 = arith.constant 416 : index
        %get3A_1060 = tpu.vector_load %arg4[%get3A_1057, %get3A_1058, %get3A_1059] {strides = array<i32>} : memref<2x64x768xf32, #tpu.memory_space<vmem>>, vector<1x1x16xf32>,
        %get3A_1061 = vector.shape_cast %get3A_1060 : vector<1x1x16xf32> to vector<16xf32>
        %add3A_1062 = arith.addf %scan3A_1032, %get3A_1061 : vector<16xf32>
        %get3A_1063 = arith.constant 1 : i32
        %get3A_1064 = arith.index_cast %get3A_1063 : i32 to index
        %get3A_1065 = arith.index_cast %scan3A_1029 : i32 to index
        %get3A_1066 = arith.constant 432 : index
        %get3A_1067 = tpu.vector_load %arg4[%get3A_1064, %get3A_1065, %get3A_1066] {strides = array<i32>} : memref<2x64x768xf32, #tpu.memory_space<vmem>>, vector<1x1x16xf32>,
        %get3A_1068 = vector.shape_cast %get3A_1067 : vector<1x1x16xf32> to vector<16xf32>
        %add3A_1069 = arith.addf %scan3A_1033, %get3A_1068 : vector<16xf32>
        %get3A_1070 = arith.constant 1 : i32
        %get3A_1071 = arith.index_cast %get3A_1070 : i32 to index
        %get3A_1072 = arith.index_cast %scan3A_1029 : i32 to index
        %get3A_1073 = arith.constant 448 : index
        %get3A_1074 = tpu.vector_load %arg4[%get3A_1071, %get3A_1072, %get3A_1073] {strides = array<i32>} : memref<2x64x768xf32, #tpu.memory_space<vmem>>, vector<1x1x16xf32>,
        %get3A_1075 = vector.shape_cast %get3A_1074 : vector<1x1x16xf32> to vector<16xf32>
        %add3A_1076 = arith.addf %scan3A_1034, %get3A_1075 : vector<16xf32>
        %get3A_1077 = arith.constant 1 : i32
        %get3A_1078 = arith.index_cast %get3A_1077 : i32 to index
        %get3A_1079 = arith.index_cast %scan3A_1029 : i32 to index
        %get3A_1080 = arith.constant 464 : index
        %get3A_1081 = tpu.vector_load %arg4[%get3A_1078, %get3A_1079, %get3A_1080] {strides = array<i32>} : memref<2x64x768xf32, #tpu.memory_space<vmem>>, vector<1x1x16xf32>,
        %get3A_1082 = vector.shape_cast %get3A_1081 : vector<1x1x16xf32> to vector<16xf32>
        %add3A_1083 = arith.addf %scan3A_1035, %get3A_1082 : vector<16xf32>
        %get3A_1084 = arith.constant 1 : i32
        %get3A_1085 = arith.index_cast %get3A_1084 : i32 to index
        %get3A_1086 = arith.index_cast %scan3A_1029 : i32 to index
        %get3A_1087 = arith.constant 480 : index
        %get3A_1088 = tpu.vector_load %arg4[%get3A_1085, %get3A_1086, %get3A_1087] {strides = array<i32>} : memref<2x64x768xf32, #tpu.memory_space<vmem>>, vector<1x1x16xf32>,
        %get3A_1089 = vector.shape_cast %get3A_1088 : vector<1x1x16xf32> to vector<16xf32>
        %add3A_1090 = arith.addf %scan3A_1036, %get3A_1089 : vector<16xf32>
        %get3A_1091 = arith.constant 1 : i32
        %get3A_1092 = arith.index_cast %get3A_1091 : i32 to index
        %get3A_1093 = arith.index_cast %scan3A_1029 : i32 to index
        %get3A_1094 = arith.constant 496 : index
        %get3A_1095 = tpu.vector_load %arg4[%get3A_1092, %get3A_1093, %get3A_1094] {strides = array<i32>} : memref<2x64x768xf32, #tpu.memory_space<vmem>>, vector<1x1x16xf32>,
        %get3A_1096 = vector.shape_cast %get3A_1095 : vector<1x1x16xf32> to vector<16xf32>
        %add3A_1097 = arith.addf %scan3A_1037, %get3A_1096 : vector<16xf32>
        %get3A_1098 = arith.constant 1 : i32
        %get3A_1099 = arith.index_cast %get3A_1098 : i32 to index
        %get3A_1100 = arith.index_cast %scan3A_1029 : i32 to index
        %get3A_1101 = arith.constant 512 : index
        %get3A_1102 = tpu.vector_load %arg4[%get3A_1099, %get3A_1100, %get3A_1101] {strides = array<i32>} : memref<2x64x768xf32, #tpu.memory_space<vmem>>, vector<1x1x16xf32>,
        %get3A_1103 = vector.shape_cast %get3A_1102 : vector<1x1x16xf32> to vector<16xf32>
        %add3A_1104 = arith.addf %scan3A_1038, %get3A_1103 : vector<16xf32>
        %get3A_1105 = arith.constant 1 : i32
        %get3A_1106 = arith.index_cast %get3A_1105 : i32 to index
        %get3A_1107 = arith.index_cast %scan3A_1029 : i32 to index
        %get3A_1108 = arith.constant 528 : index
        %get3A_1109 = tpu.vector_load %arg4[%get3A_1106, %get3A_1107, %get3A_1108] {strides = array<i32>} : memref<2x64x768xf32, #tpu.memory_space<vmem>>, vector<1x1x16xf32>,
        %get3A_1110 = vector.shape_cast %get3A_1109 : vector<1x1x16xf32> to vector<16xf32>
        %add3A_1111 = arith.addf %scan3A_1039, %get3A_1110 : vector<16xf32>
        %get3A_1112 = arith.constant 1 : i32
        %get3A_1113 = arith.index_cast %get3A_1112 : i32 to index
        %get3A_1114 = arith.index_cast %scan3A_1029 : i32 to index
        %get3A_1115 = arith.constant 544 : index
        %get3A_1116 = tpu.vector_load %arg4[%get3A_1113, %get3A_1114, %get3A_1115] {strides = array<i32>} : memref<2x64x768xf32, #tpu.memory_space<vmem>>, vector<1x1x16xf32>,
        %get3A_1117 = vector.shape_cast %get3A_1116 : vector<1x1x16xf32> to vector<16xf32>
        %add3A_1118 = arith.addf %scan3A_1040, %get3A_1117 : vector<16xf32>
        %get3A_1119 = arith.constant 1 : i32
        %get3A_1120 = arith.index_cast %get3A_1119 : i32 to index
        %get3A_1121 = arith.index_cast %scan3A_1029 : i32 to index
        %get3A_1122 = arith.constant 560 : index
        %get3A_1123 = tpu.vector_load %arg4[%get3A_1120, %get3A_1121, %get3A_1122] {strides = array<i32>} : memref<2x64x768xf32, #tpu.memory_space<vmem>>, vector<1x1x16xf32>,
        %get3A_1124 = vector.shape_cast %get3A_1123 : vector<1x1x16xf32> to vector<16xf32>
        %add3A_1125 = arith.addf %scan3A_1041, %get3A_1124 : vector<16xf32>
        scf.yield %add3A_1048, %add3A_1055, %add3A_1062, %add3A_1069, %add3A_1076, %add3A_1083, %add3A_1090, %add3A_1097, %add3A_1104, %add3A_1111, %add3A_1118, %add3A_1125 : vector<16xf32>, vector<16xf32>, vector<16xf32>, vector<16xf32>, vector<16xf32>, vector<16xf32>, vector<16xf32>, vector<16xf32>, vector<16xf32>, vector<16xf32>, vector<16xf32>, vector<16xf32>
      }
      %scan3A_885 = arith.constant 64 : i32
      %swap3A_886 = arith.constant 384 : index
      %swap3A_887 = tpu.vector_load %arg5[%swap3A_886] {strides = array<i32>} : memref<768xf32, #tpu.memory_space<vmem>>, vector<16xf32>,
      %swap3A_888 = vector.shape_cast %swap3A_887 : vector<16xf32> to vector<16xf32>
      %swap3A_889 = vector.shape_cast %scan3A_884#0 : vector<16xf32> to vector<16xf32>
      tpu.vector_store %arg5[%swap3A_886], %swap3A_889 {strides = array<i32>} : memref<768xf32, #tpu.memory_space<vmem>>, vector<16xf32>,
      %swap3A_890 = arith.constant 400 : index
      %swap3A_891 = tpu.vector_load %arg5[%swap3A_890] {strides = array<i32>} : memref<768xf32, #tpu.memory_space<vmem>>, vector<16xf32>,
      %swap3A_892 = vector.shape_cast %swap3A_891 : vector<16xf32> to vector<16xf32>
      %swap3A_893 = vector.shape_cast %scan3A_884#1 : vector<16xf32> to vector<16xf32>
      tpu.vector_store %arg5[%swap3A_890], %swap3A_893 {strides = array<i32>} : memref<768xf32, #tpu.memory_space<vmem>>, vector<16xf32>,
      %swap3A_894 = arith.constant 416 : index
      %swap3A_895 = tpu.vector_load %arg5[%swap3A_894] {strides = array<i32>} : memref<768xf32, #tpu.memory_space<vmem>>, vector<16xf32>,
      %swap3A_896 = vector.shape_cast %swap3A_895 : vector<16xf32> to vector<16xf32>
      %swap3A_897 = vector.shape_cast %scan3A_884#2 : vector<16xf32> to vector<16xf32>
      tpu.vector_store %arg5[%swap3A_894], %swap3A_897 {strides = array<i32>} : memref<768xf32, #tpu.memory_space<vmem>>, vector<16xf32>,
      %swap3A_898 = arith.constant 432 : index
      %swap3A_899 = tpu.vector_load %arg5[%swap3A_898] {strides = array<i32>} : memref<768xf32, #tpu.memory_space<vmem>>, vector<16xf32>,
      %swap3A_900 = vector.shape_cast %swap3A_899 : vector<16xf32> to vector<16xf32>
      %swap3A_901 = vector.shape_cast %scan3A_884#3 : vector<16xf32> to vector<16xf32>
      tpu.vector_store %arg5[%swap3A_898], %swap3A_901 {strides = array<i32>} : memref<768xf32, #tpu.memory_space<vmem>>, vector<16xf32>,
      %swap3A_902 = arith.constant 448 : index
      %swap3A_903 = tpu.vector_load %arg5[%swap3A_902] {strides = array<i32>} : memref<768xf32, #tpu.memory_space<vmem>>, vector<16xf32>,
      %swap3A_904 = vector.shape_cast %swap3A_903 : vector<16xf32> to vector<16xf32>
      %swap3A_905 = vector.shape_cast %scan3A_884#4 : vector<16xf32> to vector<16xf32>
      tpu.vector_store %arg5[%swap3A_902], %swap3A_905 {strides = array<i32>} : memref<768xf32, #tpu.memory_space<vmem>>, vector<16xf32>,
      %swap3A_906 = arith.constant 464 : index
      %swap3A_907 = tpu.vector_load %arg5[%swap3A_906] {strides = array<i32>} : memref<768xf32, #tpu.memory_space<vmem>>, vector<16xf32>,
      %swap3A_908 = vector.shape_cast %swap3A_907 : vector<16xf32> to vector<16xf32>
      %swap3A_909 = vector.shape_cast %scan3A_884#5 : vector<16xf32> to vector<16xf32>
      tpu.vector_store %arg5[%swap3A_906], %swap3A_909 {strides = array<i32>} : memref<768xf32, #tpu.memory_space<vmem>>, vector<16xf32>,
      %swap3A_910 = arith.constant 480 : index
      %swap3A_911 = tpu.vector_load %arg5[%swap3A_910] {strides = array<i32>} : memref<768xf32, #tpu.memory_space<vmem>>, vector<16xf32>,
      %swap3A_912 = vector.shape_cast %swap3A_911 : vector<16xf32> to vector<16xf32>
      %swap3A_913 = vector.shape_cast %scan3A_884#6 : vector<16xf32> to vector<16xf32>
      tpu.vector_store %arg5[%swap3A_910], %swap3A_913 {strides = array<i32>} : memref<768xf32, #tpu.memory_space<vmem>>, vector<16xf32>,
      %swap3A_914 = arith.constant 496 : index
      %swap3A_915 = tpu.vector_load %arg5[%swap3A_914] {strides = array<i32>} : memref<768xf32, #tpu.memory_space<vmem>>, vector<16xf32>,
      %swap3A_916 = vector.shape_cast %swap3A_915 : vector<16xf32> to vector<16xf32>
      %swap3A_917 = vector.shape_cast %scan3A_884#7 : vector<16xf32> to vector<16xf32>
      tpu.vector_store %arg5[%swap3A_914], %swap3A_917 {strides = array<i32>} : memref<768xf32, #tpu.memory_space<vmem>>, vector<16xf32>,
      %swap3A_918 = arith.constant 512 : index
      %swap3A_919 = tpu.vector_load %arg5[%swap3A_918] {strides = array<i32>} : memref<768xf32, #tpu.memory_space<vmem>>, vector<16xf32>,
      %swap3A_920 = vector.shape_cast %swap3A_919 : vector<16xf32> to vector<16xf32>
      %swap3A_921 = vector.shape_cast %scan3A_884#8 : vector<16xf32> to vector<16xf32>
      tpu.vector_store %arg5[%swap3A_918], %swap3A_921 {strides = array<i32>} : memref<768xf32, #tpu.memory_space<vmem>>, vector<16xf32>,
      %swap3A_922 = arith.constant 528 : index
      %swap3A_923 = tpu.vector_load %arg5[%swap3A_922] {strides = array<i32>} : memref<768xf32, #tpu.memory_space<vmem>>, vector<16xf32>,
      %swap3A_924 = vector.shape_cast %swap3A_923 : vector<16xf32> to vector<16xf32>
      %swap3A_925 = vector.shape_cast %scan3A_884#9 : vector<16xf32> to vector<16xf32>
      tpu.vector_store %arg5[%swap3A_922], %swap3A_925 {strides = array<i32>} : memref<768xf32, #tpu.memory_space<vmem>>, vector<16xf32>,
      %swap3A_926 = arith.constant 544 : index
      %swap3A_927 = tpu.vector_load %arg5[%swap3A_926] {strides = array<i32>} : memref<768xf32, #tpu.memory_space<vmem>>, vector<16xf32>,
      %swap3A_928 = vector.shape_cast %swap3A_927 : vector<16xf32> to vector<16xf32>
      %swap3A_929 = vector.shape_cast %scan3A_884#10 : vector<16xf32> to vector<16xf32>
      tpu.vector_store %arg5[%swap3A_926], %swap3A_929 {strides = array<i32>} : memref<768xf32, #tpu.memory_space<vmem>>, vector<16xf32>,
      %swap3A_930 = arith.constant 560 : index
      %swap3A_931 = tpu.vector_load %arg5[%swap3A_930] {strides = array<i32>} : memref<768xf32, #tpu.memory_space<vmem>>, vector<16xf32>,
      %swap3A_932 = vector.shape_cast %swap3A_931 : vector<16xf32> to vector<16xf32>
      %swap3A_933 = vector.shape_cast %scan3A_884#11 : vector<16xf32> to vector<16xf32>
      tpu.vector_store %arg5[%swap3A_930], %swap3A_933 {strides = array<i32>} : memref<768xf32, #tpu.memory_space<vmem>>, vector<16xf32>,
      %get3A_934 = arith.constant 576 : index
      %get3A_935 = tpu.vector_load %arg5[%get3A_934] {strides = array<i32>} : memref<768xf32, #tpu.memory_space<vmem>>, vector<16xf32>,
      %get3A_936 = vector.shape_cast %get3A_935 : vector<16xf32> to vector<16xf32>
      %get3A_937 = arith.constant 592 : index
      %get3A_938 = tpu.vector_load %arg5[%get3A_937] {strides = array<i32>} : memref<768xf32, #tpu.memory_space<vmem>>, vector<16xf32>,
      %get3A_939 = vector.shape_cast %get3A_938 : vector<16xf32> to vector<16xf32>
      %get3A_940 = arith.constant 608 : index
      %get3A_941 = tpu.vector_load %arg5[%get3A_940] {strides = array<i32>} : memref<768xf32, #tpu.memory_space<vmem>>, vector<16xf32>,
      %get3A_942 = vector.shape_cast %get3A_941 : vector<16xf32> to vector<16xf32>
      %get3A_943 = arith.constant 624 : index
      %get3A_944 = tpu.vector_load %arg5[%get3A_943] {strides = array<i32>} : memref<768xf32, #tpu.memory_space<vmem>>, vector<16xf32>,
      %get3A_945 = vector.shape_cast %get3A_944 : vector<16xf32> to vector<16xf32>
      %get3A_946 = arith.constant 640 : index
      %get3A_947 = tpu.vector_load %arg5[%get3A_946] {strides = array<i32>} : memref<768xf32, #tpu.memory_space<vmem>>, vector<16xf32>,
      %get3A_948 = vector.shape_cast %get3A_947 : vector<16xf32> to vector<16xf32>
      %get3A_949 = arith.constant 656 : index
      %get3A_950 = tpu.vector_load %arg5[%get3A_949] {strides = array<i32>} : memref<768xf32, #tpu.memory_space<vmem>>, vector<16xf32>,
      %get3A_951 = vector.shape_cast %get3A_950 : vector<16xf32> to vector<16xf32>
      %get3A_952 = arith.constant 672 : index
      %get3A_953 = tpu.vector_load %arg5[%get3A_952] {strides = array<i32>} : memref<768xf32, #tpu.memory_space<vmem>>, vector<16xf32>,
      %get3A_954 = vector.shape_cast %get3A_953 : vector<16xf32> to vector<16xf32>
      %get3A_955 = arith.constant 688 : index
      %get3A_956 = tpu.vector_load %arg5[%get3A_955] {strides = array<i32>} : memref<768xf32, #tpu.memory_space<vmem>>, vector<16xf32>,
      %get3A_957 = vector.shape_cast %get3A_956 : vector<16xf32> to vector<16xf32>
      %get3A_958 = arith.constant 704 : index
      %get3A_959 = tpu.vector_load %arg5[%get3A_958] {strides = array<i32>} : memref<768xf32, #tpu.memory_space<vmem>>, vector<16xf32>,
      %get3A_960 = vector.shape_cast %get3A_959 : vector<16xf32> to vector<16xf32>
      %get3A_961 = arith.constant 720 : index
      %get3A_962 = tpu.vector_load %arg5[%get3A_961] {strides = array<i32>} : memref<768xf32, #tpu.memory_space<vmem>>, vector<16xf32>,
      %get3A_963 = vector.shape_cast %get3A_962 : vector<16xf32> to vector<16xf32>
      %get3A_964 = arith.constant 736 : index
      %get3A_965 = tpu.vector_load %arg5[%get3A_964] {strides = array<i32>} : memref<768xf32, #tpu.memory_space<vmem>>, vector<16xf32>,
      %get3A_966 = vector.shape_cast %get3A_965 : vector<16xf32> to vector<16xf32>
      %get3A_967 = arith.constant 752 : index
      %get3A_968 = tpu.vector_load %arg5[%get3A_967] {strides = array<i32>} : memref<768xf32, #tpu.memory_space<vmem>>, vector<16xf32>,
      %get3A_969 = vector.shape_cast %get3A_968 : vector<16xf32> to vector<16xf32>
      %scan3A_970 = arith.constant 0 : i32
      %scan3A_971 = arith.constant 64 : i32
      %scan3A_972 = arith.addi %scan3A_970, %scan3A_971 : i32
      %scan3A_973 = arith.constant 1 : i32
      %scan3A_974:12 = scf.for %scan3A_1029 = %scan3A_970 to %scan3A_972 step %scan3A_973 iter_args(%scan3A_1030 = %get3A_936, %scan3A_1031 = %get3A_939, %scan3A_1032 = %get3A_942, %scan3A_1033 = %get3A_945, %scan3A_1034 = %get3A_948, %scan3A_1035 = %get3A_951, %scan3A_1036 = %get3A_954, %scan3A_1037 = %get3A_957, %scan3A_1038 = %get3A_960, %scan3A_1039 = %get3A_963, %scan3A_1040 = %get3A_966, %scan3A_1041 = %get3A_969) -> (vector<16xf32>, vector<16xf32>, vector<16xf32>, vector<16xf32>, vector<16xf32>, vector<16xf32>, vector<16xf32>, vector<16xf32>, vector<16xf32>, vector<16xf32>, vector<16xf32>, vector<16xf32>)  : i32 {
        %get3A_1042 = arith.constant 1 : i32
        %get3A_1043 = arith.index_cast %get3A_1042 : i32 to index
        %get3A_1044 = arith.index_cast %scan3A_1029 : i32 to index
        %get3A_1045 = arith.constant 576 : index
        %get3A_1046 = tpu.vector_load %arg4[%get3A_1043, %get3A_1044, %get3A_1045] {strides = array<i32>} : memref<2x64x768xf32, #tpu.memory_space<vmem>>, vector<1x1x16xf32>,
        %get3A_1047 = vector.shape_cast %get3A_1046 : vector<1x1x16xf32> to vector<16xf32>
        %add3A_1048 = arith.addf %scan3A_1030, %get3A_1047 : vector<16xf32>
        %get3A_1049 = arith.constant 1 : i32
        %get3A_1050 = arith.index_cast %get3A_1049 : i32 to index
        %get3A_1051 = arith.index_cast %scan3A_1029 : i32 to index
        %get3A_1052 = arith.constant 592 : index
        %get3A_1053 = tpu.vector_load %arg4[%get3A_1050, %get3A_1051, %get3A_1052] {strides = array<i32>} : memref<2x64x768xf32, #tpu.memory_space<vmem>>, vector<1x1x16xf32>,
        %get3A_1054 = vector.shape_cast %get3A_1053 : vector<1x1x16xf32> to vector<16xf32>
        %add3A_1055 = arith.addf %scan3A_1031, %get3A_1054 : vector<16xf32>
        %get3A_1056 = arith.constant 1 : i32
        %get3A_1057 = arith.index_cast %get3A_1056 : i32 to index
        %get3A_1058 = arith.index_cast %scan3A_1029 : i32 to index
        %get3A_1059 = arith.constant 608 : index
        %get3A_1060 = tpu.vector_load %arg4[%get3A_1057, %get3A_1058, %get3A_1059] {strides = array<i32>} : memref<2x64x768xf32, #tpu.memory_space<vmem>>, vector<1x1x16xf32>,
        %get3A_1061 = vector.shape_cast %get3A_1060 : vector<1x1x16xf32> to vector<16xf32>
        %add3A_1062 = arith.addf %scan3A_1032, %get3A_1061 : vector<16xf32>
        %get3A_1063 = arith.constant 1 : i32
        %get3A_1064 = arith.index_cast %get3A_1063 : i32 to index
        %get3A_1065 = arith.index_cast %scan3A_1029 : i32 to index
        %get3A_1066 = arith.constant 624 : index
        %get3A_1067 = tpu.vector_load %arg4[%get3A_1064, %get3A_1065, %get3A_1066] {strides = array<i32>} : memref<2x64x768xf32, #tpu.memory_space<vmem>>, vector<1x1x16xf32>,
        %get3A_1068 = vector.shape_cast %get3A_1067 : vector<1x1x16xf32> to vector<16xf32>
        %add3A_1069 = arith.addf %scan3A_1033, %get3A_1068 : vector<16xf32>
        %get3A_1070 = arith.constant 1 : i32
        %get3A_1071 = arith.index_cast %get3A_1070 : i32 to index
        %get3A_1072 = arith.index_cast %scan3A_1029 : i32 to index
        %get3A_1073 = arith.constant 640 : index
        %get3A_1074 = tpu.vector_load %arg4[%get3A_1071, %get3A_1072, %get3A_1073] {strides = array<i32>} : memref<2x64x768xf32, #tpu.memory_space<vmem>>, vector<1x1x16xf32>,
        %get3A_1075 = vector.shape_cast %get3A_1074 : vector<1x1x16xf32> to vector<16xf32>
        %add3A_1076 = arith.addf %scan3A_1034, %get3A_1075 : vector<16xf32>
        %get3A_1077 = arith.constant 1 : i32
        %get3A_1078 = arith.index_cast %get3A_1077 : i32 to index
        %get3A_1079 = arith.index_cast %scan3A_1029 : i32 to index
        %get3A_1080 = arith.constant 656 : index
        %get3A_1081 = tpu.vector_load %arg4[%get3A_1078, %get3A_1079, %get3A_1080] {strides = array<i32>} : memref<2x64x768xf32, #tpu.memory_space<vmem>>, vector<1x1x16xf32>,
        %get3A_1082 = vector.shape_cast %get3A_1081 : vector<1x1x16xf32> to vector<16xf32>
        %add3A_1083 = arith.addf %scan3A_1035, %get3A_1082 : vector<16xf32>
        %get3A_1084 = arith.constant 1 : i32
        %get3A_1085 = arith.index_cast %get3A_1084 : i32 to index
        %get3A_1086 = arith.index_cast %scan3A_1029 : i32 to index
        %get3A_1087 = arith.constant 672 : index
        %get3A_1088 = tpu.vector_load %arg4[%get3A_1085, %get3A_1086, %get3A_1087] {strides = array<i32>} : memref<2x64x768xf32, #tpu.memory_space<vmem>>, vector<1x1x16xf32>,
        %get3A_1089 = vector.shape_cast %get3A_1088 : vector<1x1x16xf32> to vector<16xf32>
        %add3A_1090 = arith.addf %scan3A_1036, %get3A_1089 : vector<16xf32>
        %get3A_1091 = arith.constant 1 : i32
        %get3A_1092 = arith.index_cast %get3A_1091 : i32 to index
        %get3A_1093 = arith.index_cast %scan3A_1029 : i32 to index
        %get3A_1094 = arith.constant 688 : index
        %get3A_1095 = tpu.vector_load %arg4[%get3A_1092, %get3A_1093, %get3A_1094] {strides = array<i32>} : memref<2x64x768xf32, #tpu.memory_space<vmem>>, vector<1x1x16xf32>,
        %get3A_1096 = vector.shape_cast %get3A_1095 : vector<1x1x16xf32> to vector<16xf32>
        %add3A_1097 = arith.addf %scan3A_1037, %get3A_1096 : vector<16xf32>
        %get3A_1098 = arith.constant 1 : i32
        %get3A_1099 = arith.index_cast %get3A_1098 : i32 to index
        %get3A_1100 = arith.index_cast %scan3A_1029 : i32 to index
        %get3A_1101 = arith.constant 704 : index
        %get3A_1102 = tpu.vector_load %arg4[%get3A_1099, %get3A_1100, %get3A_1101] {strides = array<i32>} : memref<2x64x768xf32, #tpu.memory_space<vmem>>, vector<1x1x16xf32>,
        %get3A_1103 = vector.shape_cast %get3A_1102 : vector<1x1x16xf32> to vector<16xf32>
        %add3A_1104 = arith.addf %scan3A_1038, %get3A_1103 : vector<16xf32>
        %get3A_1105 = arith.constant 1 : i32
        %get3A_1106 = arith.index_cast %get3A_1105 : i32 to index
        %get3A_1107 = arith.index_cast %scan3A_1029 : i32 to index
        %get3A_1108 = arith.constant 720 : index
        %get3A_1109 = tpu.vector_load %arg4[%get3A_1106, %get3A_1107, %get3A_1108] {strides = array<i32>} : memref<2x64x768xf32, #tpu.memory_space<vmem>>, vector<1x1x16xf32>,
        %get3A_1110 = vector.shape_cast %get3A_1109 : vector<1x1x16xf32> to vector<16xf32>
        %add3A_1111 = arith.addf %scan3A_1039, %get3A_1110 : vector<16xf32>
        %get3A_1112 = arith.constant 1 : i32
        %get3A_1113 = arith.index_cast %get3A_1112 : i32 to index
        %get3A_1114 = arith.index_cast %scan3A_1029 : i32 to index
        %get3A_1115 = arith.constant 736 : index
        %get3A_1116 = tpu.vector_load %arg4[%get3A_1113, %get3A_1114, %get3A_1115] {strides = array<i32>} : memref<2x64x768xf32, #tpu.memory_space<vmem>>, vector<1x1x16xf32>,
        %get3A_1117 = vector.shape_cast %get3A_1116 : vector<1x1x16xf32> to vector<16xf32>
        %add3A_1118 = arith.addf %scan3A_1040, %get3A_1117 : vector<16xf32>
        %get3A_1119 = arith.constant 1 : i32
        %get3A_1120 = arith.index_cast %get3A_1119 : i32 to index
        %get3A_1121 = arith.index_cast %scan3A_1029 : i32 to index
        %get3A_1122 = arith.constant 752 : index
        %get3A_1123 = tpu.vector_load %arg4[%get3A_1120, %get3A_1121, %get3A_1122] {strides = array<i32>} : memref<2x64x768xf32, #tpu.memory_space<vmem>>, vector<1x1x16xf32>,
        %get3A_1124 = vector.shape_cast %get3A_1123 : vector<1x1x16xf32> to vector<16xf32>
        %add3A_1125 = arith.addf %scan3A_1041, %get3A_1124 : vector<16xf32>
        scf.yield %add3A_1048, %add3A_1055, %add3A_1062, %add3A_1069, %add3A_1076, %add3A_1083, %add3A_1090, %add3A_1097, %add3A_1104, %add3A_1111, %add3A_1118, %add3A_1125 : vector<16xf32>, vector<16xf32>, vector<16xf32>, vector<16xf32>, vector<16xf32>, vector<16xf32>, vector<16xf32>, vector<16xf32>, vector<16xf32>, vector<16xf32>, vector<16xf32>, vector<16xf32>
      }
      %scan3A_975 = arith.constant 64 : i32
      %swap3A_976 = arith.constant 576 : index
      %swap3A_977 = tpu.vector_load %arg5[%swap3A_976] {strides = array<i32>} : memref<768xf32, #tpu.memory_space<vmem>>, vector<16xf32>,
      %swap3A_978 = vector.shape_cast %swap3A_977 : vector<16xf32> to vector<16xf32>
      %swap3A_979 = vector.shape_cast %scan3A_974#0 : vector<16xf32> to vector<16xf32>
      tpu.vector_store %arg5[%swap3A_976], %swap3A_979 {strides = array<i32>} : memref<768xf32, #tpu.memory_space<vmem>>, vector<16xf32>,
      %swap3A_980 = arith.constant 592 : index
      %swap3A_981 = tpu.vector_load %arg5[%swap3A_980] {strides = array<i32>} : memref<768xf32, #tpu.memory_space<vmem>>, vector<16xf32>,
      %swap3A_982 = vector.shape_cast %swap3A_981 : vector<16xf32> to vector<16xf32>
      %swap3A_983 = vector.shape_cast %scan3A_974#1 : vector<16xf32> to vector<16xf32>
      tpu.vector_store %arg5[%swap3A_980], %swap3A_983 {strides = array<i32>} : memref<768xf32, #tpu.memory_space<vmem>>, vector<16xf32>,
      %swap3A_984 = arith.constant 608 : index
      %swap3A_985 = tpu.vector_load %arg5[%swap3A_984] {strides = array<i32>} : memref<768xf32, #tpu.memory_space<vmem>>, vector<16xf32>,
      %swap3A_986 = vector.shape_cast %swap3A_985 : vector<16xf32> to vector<16xf32>
      %swap3A_987 = vector.shape_cast %scan3A_974#2 : vector<16xf32> to vector<16xf32>
      tpu.vector_store %arg5[%swap3A_984], %swap3A_987 {strides = array<i32>} : memref<768xf32, #tpu.memory_space<vmem>>, vector<16xf32>,
      %swap3A_988 = arith.constant 624 : index
      %swap3A_989 = tpu.vector_load %arg5[%swap3A_988] {strides = array<i32>} : memref<768xf32, #tpu.memory_space<vmem>>, vector<16xf32>,
      %swap3A_990 = vector.shape_cast %swap3A_989 : vector<16xf32> to vector<16xf32>
      %swap3A_991 = vector.shape_cast %scan3A_974#3 : vector<16xf32> to vector<16xf32>
      tpu.vector_store %arg5[%swap3A_988], %swap3A_991 {strides = array<i32>} : memref<768xf32, #tpu.memory_space<vmem>>, vector<16xf32>,
      %swap3A_992 = arith.constant 640 : index
      %swap3A_993 = tpu.vector_load %arg5[%swap3A_992] {strides = array<i32>} : memref<768xf32, #tpu.memory_space<vmem>>, vector<16xf32>,
      %swap3A_994 = vector.shape_cast %swap3A_993 : vector<16xf32> to vector<16xf32>
      %swap3A_995 = vector.shape_cast %scan3A_974#4 : vector<16xf32> to vector<16xf32>
      tpu.vector_store %arg5[%swap3A_992], %swap3A_995 {strides = array<i32>} : memref<768xf32, #tpu.memory_space<vmem>>, vector<16xf32>,
      %swap3A_996 = arith.constant 656 : index
      %swap3A_997 = tpu.vector_load %arg5[%swap3A_996] {strides = array<i32>} : memref<768xf32, #tpu.memory_space<vmem>>, vector<16xf32>,
      %swap3A_998 = vector.shape_cast %swap3A_997 : vector<16xf32> to vector<16xf32>
      %swap3A_999 = vector.shape_cast %scan3A_974#5 : vector<16xf32> to vector<16xf32>
      tpu.vector_store %arg5[%swap3A_996], %swap3A_999 {strides = array<i32>} : memref<768xf32, #tpu.memory_space<vmem>>, vector<16xf32>,
      %swap3A_1000 = arith.constant 672 : index
      %swap3A_1001 = tpu.vector_load %arg5[%swap3A_1000] {strides = array<i32>} : memref<768xf32, #tpu.memory_space<vmem>>, vector<16xf32>,
      %swap3A_1002 = vector.shape_cast %swap3A_1001 : vector<16xf32> to vector<16xf32>
      %swap3A_1003 = vector.shape_cast %scan3A_974#6 : vector<16xf32> to vector<16xf32>
      tpu.vector_store %arg5[%swap3A_1000], %swap3A_1003 {strides = array<i32>} : memref<768xf32, #tpu.memory_space<vmem>>, vector<16xf32>,
      %swap3A_1004 = arith.constant 688 : index
      %swap3A_1005 = tpu.vector_load %arg5[%swap3A_1004] {strides = array<i32>} : memref<768xf32, #tpu.memory_space<vmem>>, vector<16xf32>,
      %swap3A_1006 = vector.shape_cast %swap3A_1005 : vector<16xf32> to vector<16xf32>
      %swap3A_1007 = vector.shape_cast %scan3A_974#7 : vector<16xf32> to vector<16xf32>
      tpu.vector_store %arg5[%swap3A_1004], %swap3A_1007 {strides = array<i32>} : memref<768xf32, #tpu.memory_space<vmem>>, vector<16xf32>,
      %swap3A_1008 = arith.constant 704 : index
      %swap3A_1009 = tpu.vector_load %arg5[%swap3A_1008] {strides = array<i32>} : memref<768xf32, #tpu.memory_space<vmem>>, vector<16xf32>,
      %swap3A_1010 = vector.shape_cast %swap3A_1009 : vector<16xf32> to vector<16xf32>
      %swap3A_1011 = vector.shape_cast %scan3A_974#8 : vector<16xf32> to vector<16xf32>
      tpu.vector_store %arg5[%swap3A_1008], %swap3A_1011 {strides = array<i32>} : memref<768xf32, #tpu.memory_space<vmem>>, vector<16xf32>,
      %swap3A_1012 = arith.constant 720 : index
      %swap3A_1013 = tpu.vector_load %arg5[%swap3A_1012] {strides = array<i32>} : memref<768xf32, #tpu.memory_space<vmem>>, vector<16xf32>,
      %swap3A_1014 = vector.shape_cast %swap3A_1013 : vector<16xf32> to vector<16xf32>
      %swap3A_1015 = vector.shape_cast %scan3A_974#9 : vector<16xf32> to vector<16xf32>
      tpu.vector_store %arg5[%swap3A_1012], %swap3A_1015 {strides = array<i32>} : memref<768xf32, #tpu.memory_space<vmem>>, vector<16xf32>,
      %swap3A_1016 = arith.constant 736 : index
      %swap3A_1017 = tpu.vector_load %arg5[%swap3A_1016] {strides = array<i32>} : memref<768xf32, #tpu.memory_space<vmem>>, vector<16xf32>,
      %swap3A_1018 = vector.shape_cast %swap3A_1017 : vector<16xf32> to vector<16xf32>
      %swap3A_1019 = vector.shape_cast %scan3A_974#10 : vector<16xf32> to vector<16xf32>
      tpu.vector_store %arg5[%swap3A_1016], %swap3A_1019 {strides = array<i32>} : memref<768xf32, #tpu.memory_space<vmem>>, vector<16xf32>,
      %swap3A_1020 = arith.constant 752 : index
      %swap3A_1021 = tpu.vector_load %arg5[%swap3A_1020] {strides = array<i32>} : memref<768xf32, #tpu.memory_space<vmem>>, vector<16xf32>,
      %swap3A_1022 = vector.shape_cast %swap3A_1021 : vector<16xf32> to vector<16xf32>
      %swap3A_1023 = vector.shape_cast %scan3A_974#11 : vector<16xf32> to vector<16xf32>
      tpu.vector_store %arg5[%swap3A_1020], %swap3A_1023 {strides = array<i32>} : memref<768xf32, #tpu.memory_space<vmem>>, vector<16xf32>,
      %lt3A_1024 = arith.constant 1 : i32
      %lt3A_1025 = arith.cmpi slt, %scan3A_264, %lt3A_1024 : i32
      %convert_element_type3A_1026 = arith.extui %lt3A_1025 : i1 to i32
      %cond3A_1027 = arith.constant 0 : i32
      %cond3A_1028 = arith.cmpi ne, %convert_element_type3A_1026, %cond3A_1027 : i32
      scf.if %cond3A_1028 {
        %add3A_1029 = arith.constant 2 : i32
        %add3A_1030 = arith.addi %add3A_648, %add3A_1029 : i32
        %mul3A_1031 = arith.constant 64 : i32
        %mul3A_1032 = arith.muli %add3A_1030, %mul3A_1031 : i32
        %add3A_1033 = arith.addi %add3A_37, %mul3A_1032 : i32
        %dma_start3A_1034 = arith.constant 1 : i32
        %dma_start3A_1035 = arith.constant 0 : i32
        %dma_start3A_1036 = arith.constant 0 : i32
        %dma_start3A_1037 = tpu.memref_slice %arg4[%dma_start3A_1034, %dma_start3A_1035, %dma_start3A_1036] : memref<2x64x768xf32, #tpu.memory_space<vmem>> -> memref<1x64x768xf32, #tpu.memory_space<vmem>>
        %dma_start3A_1038 = tpu.memref_squeeze %dma_start3A_1037 : memref<1x64x768xf32, #tpu.memory_space<vmem>> -> memref<64x768xf32, #tpu.memory_space<vmem>>
        %dma_start3A_1039 = arith.constant 0 : i32
        %dma_start3A_1040 = tpu.memref_slice %arg2[%add3A_1033, %dma_start3A_1039] : memref<32768x768xf32, #tpu.memory_space<hbm>> -> memref<64x768xf32, #tpu.memory_space<hbm>>
        %dma_start3A_1041 = arith.constant 0 : i32
        %dma_start3A_1042 = arith.constant 0 : i32
        %dma_start3A_1043 = tpu.memref_slice %arg4[%dma_start3A_1034, %dma_start3A_1041, %dma_start3A_1042] : memref<2x64x768xf32, #tpu.memory_space<vmem>> -> memref<1x64x768xf32, #tpu.memory_space<vmem>>
        %dma_start3A_1044 = tpu.memref_squeeze %dma_start3A_1043 : memref<1x64x768xf32, #tpu.memory_space<vmem>> -> memref<64x768xf32, #tpu.memory_space<vmem>>
        %dma_start3A_1045 = arith.constant 0 : i32
        %dma_start3A_1046 = tpu.memref_slice %arg2[%add3A_1033, %dma_start3A_1045] : memref<32768x768xf32, #tpu.memory_space<hbm>> -> memref<64x768xf32, #tpu.memory_space<hbm>>
        tpu.enqueue_dma source(%dma_start3A_1046 : memref<64x768xf32, #tpu.memory_space<hbm>>) target(%dma_start3A_1044 : memref<64x768xf32, #tpu.memory_space<vmem>>) target_semaphore(%arg7 : memref<!tpu.dma_semaphore, #tpu.memory_space<semaphore_mem>>)
      } else {
      }
    }
    %scan3A_263 = arith.constant 2 : i32
    "tpu.region"() ({
      %run_scoped3A = tpu.sem_alloc : memref<!tpu.dma_semaphore, #tpu.memory_space<semaphore_mem>>
      %dma_start3A_264 = arith.constant 0 : i32
      %dma_start3A_265 = tpu.memref_slice %arg3[%add3A, %dma_start3A_264] : memref<16x768xf32, #tpu.memory_space<hbm>> -> memref<1x768xf32, #tpu.memory_space<hbm>>
      %dma_start3A_266 = tpu.memref_squeeze %dma_start3A_265 : memref<1x768xf32, #tpu.memory_space<hbm>> -> memref<768xf32, #tpu.memory_space<hbm>>
      %dma_start3A_267 = arith.constant 0 : i32
      %dma_start3A_268 = tpu.memref_slice %arg3[%add3A, %dma_start3A_267] : memref<16x768xf32, #tpu.memory_space<hbm>> -> memref<1x768xf32, #tpu.memory_space<hbm>>
      %dma_start3A_269 = tpu.memref_squeeze %dma_start3A_268 : memref<1x768xf32, #tpu.memory_space<hbm>> -> memref<768xf32, #tpu.memory_space<hbm>>
      tpu.enqueue_dma source(%arg5 : memref<768xf32, #tpu.memory_space<vmem>>) target(%dma_start3A_269 : memref<768xf32, #tpu.memory_space<hbm>>) target_semaphore(%run_scoped3A : memref<!tpu.dma_semaphore, #tpu.memory_space<semaphore_mem>>)
      %dma_wait3A = arith.constant 0 : i32
      %dma_wait3A_270 = tpu.memref_slice %arg3[%add3A, %dma_wait3A] : memref<16x768xf32, #tpu.memory_space<hbm>> -> memref<1x768xf32, #tpu.memory_space<hbm>>
      %dma_wait3A_271 = tpu.memref_squeeze %dma_wait3A_270 : memref<1x768xf32, #tpu.memory_space<hbm>> -> memref<768xf32, #tpu.memory_space<hbm>>
      %dma_wait3A_272 = arith.constant 0 : i32
      %dma_wait3A_273 = tpu.memref_slice %arg3[%add3A, %dma_wait3A_272] : memref<16x768xf32, #tpu.memory_space<hbm>> -> memref<1x768xf32, #tpu.memory_space<hbm>>
      %dma_wait3A_274 = tpu.memref_squeeze %dma_wait3A_273 : memref<1x768xf32, #tpu.memory_space<hbm>> -> memref<768xf32, #tpu.memory_space<hbm>>
      tpu.wait_dma2 semaphore(%run_scoped3A : memref<!tpu.dma_semaphore, #tpu.memory_space<semaphore_mem>>) src(%arg5 : memref<768xf32, #tpu.memory_space<vmem>>) dst(%dma_wait3A_274 : memref<768xf32, #tpu.memory_space<hbm>>)
      tpu.yield
    }) : () -> ()
    return
  }
}

module attributes {stable_mosaic.version = 14 : i64} {
  func.func @tc_reduce(%arg0: i32, %arg1: i32, %arg2: memref<1x1792x768xf32, #tpu.memory_space<vmem>>, %arg3: memref<1x1x768xf32, #tpu.memory_space<vmem>>) attributes {dimension_semantics = [#tpu.dimension_semantics<arbitrary>, #tpu.dimension_semantics<arbitrary>], iteration_bounds = array<i64: 4, 4>, scalar_prefetch = 0 : i64, scratch_operands = 0 : i64, tpu.core_type = #tpu.core_type<tc>, window_params = [{transform_indices = @transform_0, window_bounds = array<i64: 1, 1792, 768>}, {transform_indices = @transform_1, window_bounds = array<i64: 1, 1, 768>}]} {
    %get3A = arith.constant 0 : index
    %get3A_0 = arith.constant 0 : index
    %get3A_1 = arith.constant 0 : index
    %get3A_2 = vector.load %arg2[%get3A, %get3A_0, %get3A_1] : memref<1x1792x768xf32, #tpu.memory_space<vmem>>, vector<1x1792x768xf32>
    %get3A_3 = vector.shape_cast %get3A_2 : vector<1x1792x768xf32> to vector<1792x768xf32>
    %reduce_sum3A = arith.constant dense<0.000000e+00> : vector<768xf32>
    %reduce_sum3A_4 = vector.multi_reduction <add>, %get3A_3, %reduce_sum3A [0] : vector<1792x768xf32> to vector<768xf32>
    %broadcast_in_dim3A = vector.shape_cast %reduce_sum3A_4 : vector<768xf32> to vector<1x768xf32>
    %broadcast_in_dim3A_5 = vector.shape_cast %broadcast_in_dim3A : vector<1x768xf32> to vector<1x1x768xf32>
    %eq3A = arith.constant 0 : i32
    %eq3A_6 = arith.cmpi eq, %arg1, %eq3A : i32
    %convert_element_type3A = arith.extui %eq3A_6 : i1 to i32
    %cond3A = arith.constant 0 : i32
    %cond3A_7 = arith.cmpi ne, %convert_element_type3A, %cond3A : i32
    scf.if %cond3A_7 {
      %swap3A = arith.constant 0 : index
      %swap3A_12 = arith.constant 0 : index
      %swap3A_13 = arith.constant 0 : index
      %swap3A_14 = vector.load %arg3[%swap3A, %swap3A_12, %swap3A_13] : memref<1x1x768xf32, #tpu.memory_space<vmem>>, vector<1x1x768xf32>
      tpu.vector_store %arg3[%swap3A, %swap3A_12, %swap3A_13], %broadcast_in_dim3A_5 {strides = array<i32>} : memref<1x1x768xf32, #tpu.memory_space<vmem>>, vector<1x1x768xf32>,
    } else {
    }
    %gt3A = arith.constant 0 : i32
    %gt3A_8 = arith.cmpi sgt, %arg1, %gt3A : i32
    %convert_element_type3A_9 = arith.extui %gt3A_8 : i1 to i32
    %cond3A_10 = arith.constant 0 : i32
    %cond3A_11 = arith.cmpi ne, %convert_element_type3A_9, %cond3A_10 : i32
    scf.if %cond3A_11 {
      %get3A_12 = arith.constant 0 : index
      %get3A_13 = arith.constant 0 : index
      %get3A_14 = arith.constant 0 : index
      %get3A_15 = vector.load %arg3[%get3A_12, %get3A_13, %get3A_14] : memref<1x1x768xf32, #tpu.memory_space<vmem>>, vector<1x1x768xf32>
      %add3A = arith.addf %get3A_15, %broadcast_in_dim3A_5 : vector<1x1x768xf32>
      %swap3A = arith.constant 0 : index
      %swap3A_16 = arith.constant 0 : index
      %swap3A_17 = arith.constant 0 : index
      %swap3A_18 = vector.load %arg3[%swap3A, %swap3A_16, %swap3A_17] : memref<1x1x768xf32, #tpu.memory_space<vmem>>, vector<1x1x768xf32>
      tpu.vector_store %arg3[%swap3A, %swap3A_16, %swap3A_17], %add3A {strides = array<i32>} : memref<1x1x768xf32, #tpu.memory_space<vmem>>, vector<1x1x768xf32>,
    } else {
    }
    return
  }
  func.func @transform_0(%arg0: i32, %arg1: i32) -> (i32, i32, i32) {
    %c0_i32 = arith.constant 0 : i32
    %c0_i32_0 = arith.constant 0 : i32
    return %arg0, %arg1, %c0_i32 : i32, i32, i32
  }
  func.func @transform_1(%arg0: i32, %arg1: i32) -> (i32, i32, i32) {
    %c0_i32 = arith.constant 0 : i32
    %c0_i32_0 = arith.constant 0 : i32
    %c0_i32_1 = arith.constant 0 : i32
    return %arg0, %c0_i32, %c0_i32_0 : i32, i32, i32
  }
}

module attributes {stable_mosaic.version = 14 : i64} {
  func.func @router_epilogue(%arg0: memref<1xi32, #tpu.memory_space<smem>>, %arg1: memref<16x768xf32, #tpu.memory_space<vmem>>, %arg2: memref<4x1x768xf32, #tpu.memory_space<vmem>>, %arg3: memref<8x768xf32, #tpu.memory_space<vmem>>, %arg4: memref<64x768xf32, #tpu.memory_space<vmem>>, %arg5: memref<1x64xf32, #tpu.memory_space<vmem>>, %arg6: memref<1x1xf32, #tpu.memory_space<vmem>>, %arg7: memref<1x1xi32, #tpu.memory_space<vmem>>) attributes {dimension_semantics = [], scalar_prefetch = 0 : i64, scratch_operands = 0 : i64, tpu.core_type = #tpu.core_type<tc>} {
    %get3A = arith.constant 0 : index
    %get3A_0 = memref.load %arg0[%get3A] : memref<1xi32, #tpu.memory_space<smem>>
    %get3A_1 = arith.constant 0 : index
    %get3A_2 = arith.constant 0 : index
    %get3A_3 = vector.load %arg1[%get3A_1, %get3A_2] : memref<16x768xf32, #tpu.memory_space<vmem>>, vector<16x768xf32>
    %reshape3A = vector.shape_cast %get3A_3 : vector<16x768xf32> to vector<4x4x768xf32>
    %reduce_sum3A = arith.constant dense<0.000000e+00> : vector<4x768xf32>
    %reduce_sum3A_4 = vector.multi_reduction <add>, %reshape3A, %reduce_sum3A [1] : vector<4x4x768xf32> to vector<4x768xf32>
    %get3A_5 = arith.constant 0 : index
    %get3A_6 = arith.constant 0 : index
    %get3A_7 = arith.constant 0 : index
    %get3A_8 = vector.load %arg2[%get3A_5, %get3A_6, %get3A_7] : memref<4x1x768xf32, #tpu.memory_space<vmem>>, vector<4x1x768xf32>
    %get3A_9 = vector.shape_cast %get3A_8 : vector<4x1x768xf32> to vector<4x768xf32>
    %add3A = arith.addf %reduce_sum3A_4, %get3A_9 : vector<4x768xf32>
    %get3A_10 = arith.index_cast %get3A_0 : i32 to index
    %get3A_11 = arith.constant 0 : index
    %get3A_12 = vector.load %arg3[%get3A_10, %get3A_11] : memref<8x768xf32, #tpu.memory_space<vmem>>, vector<1x768xf32>
    %add3A_13 = vector.broadcast %get3A_12 : vector<1x768xf32> to vector<4x768xf32>
    %add3A_14 = arith.addf %add3A, %add3A_13 : vector<4x768xf32>
    %mul3A = arith.constant 1.22055411E-4 : f32
    %mul3A_15 = vector.broadcast %mul3A : f32 to vector<4x768xf32>
    %mul3A_16 = arith.mulf %add3A_14, %mul3A_15 : vector<4x768xf32>
    %get3A_17 = arith.constant 0 : index
    %get3A_18 = arith.constant 0 : index
    %get3A_19 = vector.load %arg4[%get3A_17, %get3A_18] : memref<64x768xf32, #tpu.memory_space<vmem>>, vector<64x768xf32>
    %dot_general3A = arith.constant dense<0.000000e+00> : vector<4x64xf32>
    %dot_general3A_20 = tpu.matmul %mul3A_16, %get3A_19, %dot_general3A {dimension_numbers = #tpu.dot_dimension_numbers<[1], [1], [0], [0], [0, 0, 1, 0], [], []>, transpose_lhs_hint = false} : vector<4x768xf32>, vector<64x768xf32>, vector<4x64xf32> -> vector<4x64xf32>
    %get3A_21 = arith.constant 0 : index
    %get3A_22 = arith.constant 0 : index
    %get3A_23 = vector.load %arg5[%get3A_21, %get3A_22] : memref<1x64xf32, #tpu.memory_space<vmem>>, vector<1x64xf32>
    %add3A_24 = vector.broadcast %get3A_23 : vector<1x64xf32> to vector<4x64xf32>
    %add3A_25 = arith.addf %dot_general3A_20, %add3A_24 : vector<4x64xf32>
    %reduce_max3A = arith.constant dense<0xFF800000> : vector<4xf32>
    %reduce_max3A_26 = vector.multi_reduction <maximumf>, %add3A_25, %reduce_max3A [1] : vector<4x64xf32> to vector<4xf32>
    %broadcast_in_dim3A = vector.shape_cast %reduce_max3A_26 : vector<4xf32> to vector<4x1xf32>
    %sub3A = vector.broadcast %broadcast_in_dim3A : vector<4x1xf32> to vector<4x64xf32>
    %sub3A_27 = arith.subf %add3A_25, %sub3A : vector<4x64xf32>
    %exp3A = math.exp %sub3A_27 : vector<4x64xf32>
    %reduce_sum3A_28 = arith.constant dense<0.000000e+00> : vector<4xf32>
    %reduce_sum3A_29 = vector.multi_reduction <add>, %exp3A, %reduce_sum3A_28 [1] : vector<4x64xf32> to vector<4xf32>
    %broadcast_in_dim3A_30 = vector.shape_cast %reduce_sum3A_29 : vector<4xf32> to vector<4x1xf32>
    %div3A = vector.broadcast %broadcast_in_dim3A_30 : vector<4x1xf32> to vector<4x64xf32>
    %div3A_31 = arith.divf %exp3A, %div3A : vector<4x64xf32>
    %reduce_sum3A_32 = arith.constant dense<0.000000e+00> : vector<64xf32>
    %reduce_sum3A_33 = vector.multi_reduction <add>, %div3A_31, %reduce_sum3A_32 [0] : vector<4x64xf32> to vector<64xf32>
    %broadcast_in_dim3A_34 = vector.shape_cast %reduce_sum3A_33 : vector<64xf32> to vector<1x64xf32>
    %div3A_35 = arith.constant 4.000000e+00 : f32
    %div3A_36 = vector.broadcast %div3A_35 : f32 to vector<1x64xf32>
    %div3A_37 = arith.divf %broadcast_in_dim3A_34, %div3A_36 : vector<1x64xf32>
    %log3A = arith.constant 1.562500e-02 : f32
    %log3A_38 = math.log %log3A : f32
    %add3A_39 = arith.constant 9.99999971E-10 : f32
    %add3A_40 = vector.broadcast %add3A_39 : f32 to vector<1x64xf32>
    %add3A_41 = arith.addf %div3A_37, %add3A_40 : vector<1x64xf32>
    %log3A_42 = math.log %add3A_41 : vector<1x64xf32>
    %sub3A_43 = vector.broadcast %log3A_38 : f32 to vector<1x64xf32>
    %sub3A_44 = arith.subf %sub3A_43, %log3A_42 : vector<1x64xf32>
    %mul3A_45 = arith.constant 1.562500e-02 : f32
    %mul3A_46 = vector.broadcast %mul3A_45 : f32 to vector<1x64xf32>
    %mul3A_47 = arith.mulf %mul3A_46, %sub3A_44 : vector<1x64xf32>
    %reduce_sum3A_48 = vector.shape_cast %mul3A_47 : vector<1x64xf32> to vector<1x1x64xf32>
    %reduce_sum3A_49 = arith.constant dense<0.000000e+00> : vector<1xf32>
    %reduce_sum3A_50 = vector.multi_reduction <add>, %reduce_sum3A_48, %reduce_sum3A_49 [1, 2] : vector<1x1x64xf32> to vector<1xf32>
    %reduce_sum3A_51 = vector.shape_cast %reduce_sum3A_50 : vector<1xf32> to vector<1x1x1xf32>
    %reduce_sum3A_52 = vector.extract %reduce_sum3A_51[0, 0, 0] : f32 from vector<1x1x1xf32>
    %convert_element_type3A = arith.sitofp %get3A_0 : i32 to f32
    %div3A_53 = arith.constant 8.000000e+00 : f32
    %div3A_54 = arith.divf %convert_element_type3A, %div3A_53 : f32
    %mul3A_55 = arith.constant 0.00999999977 : f32
    %mul3A_56 = arith.mulf %mul3A_55, %div3A_54 : f32
    %mul3A_57 = arith.mulf %mul3A_56, %reduce_sum3A_52 : f32
    %reshape3A_58 = vector.broadcast %mul3A_57 : f32 to vector<1x1xf32>
    %swap3A = arith.constant 0 : index
    %swap3A_59 = arith.constant 0 : index
    %swap3A_60 = vector.load %arg6[%swap3A, %swap3A_59] : memref<1x1xf32, #tpu.memory_space<vmem>>, vector<1x1xf32>
    tpu.vector_store %arg6[%swap3A, %swap3A_59], %reshape3A_58 {strides = array<i32>} : memref<1x1xf32, #tpu.memory_space<vmem>>, vector<1x1xf32>,
    %iota3A = tpu.iota {dimensions = array<i32: 1>} : vector<4x64xi32>
    %reduce_max3A_61 = arith.constant dense<0xFF800000> : vector<4xf32>
    %reduce_max3A_62 = vector.multi_reduction <maximumf>, %add3A_25, %reduce_max3A_61 [1] : vector<4x64xf32> to vector<4xf32>
    %broadcast_in_dim3A_63 = vector.shape_cast %reduce_max3A_62 : vector<4xf32> to vector<4x1xf32>
    %eq3A = vector.broadcast %broadcast_in_dim3A_63 : vector<4x1xf32> to vector<4x64xf32>
    %eq3A_64 = arith.cmpf oeq, %add3A_25, %eq3A : vector<4x64xf32>
    %jit3A = arith.constant 64 : i32
    %broadcast_in_dim3A_65 = vector.broadcast %jit3A : i32 to vector<4x64xi32>
    %select_n3A = arith.select %eq3A_64, %iota3A, %broadcast_in_dim3A_65 : vector<4x64xi1>, vector<4x64xi32>
    %reduce_min3A = arith.constant dense<2147483647> : vector<4xi32>
    %reduce_min3A_66 = vector.multi_reduction <minsi>, %select_n3A, %reduce_min3A [1] : vector<4x64xi32> to vector<4xi32>
    %broadcast_in_dim3A_67 = vector.shape_cast %reduce_min3A_66 : vector<4xi32> to vector<4x1xi32>
    %eq3A_68 = vector.broadcast %broadcast_in_dim3A_67 : vector<4x1xi32> to vector<4x64xi32>
    %eq3A_69 = arith.cmpi eq, %eq3A_68, %iota3A : vector<4x64xi32>
    %convert_element_type3A_70 = arith.extui %eq3A_69 : vector<4x64xi1> to vector<4x64xi32>
    %reduce_sum3A_71 = arith.constant dense<0> : vector<64xi32>
    %reduce_sum3A_72 = vector.multi_reduction <add>, %convert_element_type3A_70, %reduce_sum3A_71 [0] : vector<4x64xi32> to vector<64xi32>
    %broadcast_in_dim3A_73 = vector.shape_cast %reduce_sum3A_72 : vector<64xi32> to vector<1x64xi32>
    %reduce_max3A_74 = vector.shape_cast %broadcast_in_dim3A_73 : vector<1x64xi32> to vector<1x1x64xi32>
    %reduce_max3A_75 = arith.constant dense<-2147483648> : vector<1xi32>
    %reduce_max3A_76 = vector.multi_reduction <maxsi>, %reduce_max3A_74, %reduce_max3A_75 [1, 2] : vector<1x1x64xi32> to vector<1xi32>
    %reduce_max3A_77 = vector.shape_cast %reduce_max3A_76 : vector<1xi32> to vector<1x1x1xi32>
    %reduce_max3A_78 = vector.extract %reduce_max3A_77[0, 0, 0] : i32 from vector<1x1x1xi32>
    %eq3A_79 = vector.broadcast %reduce_max3A_78 : i32 to vector<1x64xi32>
    %eq3A_80 = arith.cmpi eq, %broadcast_in_dim3A_73, %eq3A_79 : vector<1x64xi32>
    %iota3A_81 = tpu.iota {dimensions = array<i32: 1>} : vector<1x64xi32>
    %jit3A_82 = arith.constant 64 : i32
    %broadcast_in_dim3A_83 = vector.broadcast %jit3A_82 : i32 to vector<1x64xi32>
    %select_n3A_84 = arith.select %eq3A_80, %iota3A_81, %broadcast_in_dim3A_83 : vector<1x64xi1>, vector<1x64xi32>
    %reduce_min3A_85 = vector.shape_cast %select_n3A_84 : vector<1x64xi32> to vector<1x1x64xi32>
    %reduce_min3A_86 = arith.constant dense<2147483647> : vector<1xi32>
    %reduce_min3A_87 = vector.multi_reduction <minsi>, %reduce_min3A_85, %reduce_min3A_86 [1, 2] : vector<1x1x64xi32> to vector<1xi32>
    %reduce_min3A_88 = vector.shape_cast %reduce_min3A_87 : vector<1xi32> to vector<1x1x1xi32>
    %reduce_min3A_89 = vector.extract %reduce_min3A_88[0, 0, 0] : i32 from vector<1x1x1xi32>
    %reshape3A_90 = vector.broadcast %reduce_min3A_89 : i32 to vector<1x1xi32>
    %swap3A_91 = arith.constant 0 : index
    %swap3A_92 = arith.constant 0 : index
    %swap3A_93 = vector.load %arg7[%swap3A_91, %swap3A_92] : memref<1x1xi32, #tpu.memory_space<vmem>>, vector<1x1xi32>
    tpu.vector_store %arg7[%swap3A_91, %swap3A_92], %reshape3A_90 {strides = array<i32>} : memref<1x1xi32, #tpu.memory_space<vmem>>, vector<1x1xi32>,
    return
  }
}

</mosaic_0001>

<sc_bundles>
// kernel: kernel.3.cloned.1.call-start
scs
__scs_entry_jumppad:
0x0: {  	(pc) =	sbr.rel $0x88, $3  }
0x1: {  	(tag) =	ssettag $0x0;
	lr =	simm.s32 $0x1  }
0x2: {  	[smem:$0x3F9C] =	sst lr;
	_ =	strace $0xD0000000  }
0x3: {  	_ = 	snop  }
0x4: {  	_ = 	snop  }
0x5: {  	_ = 	snop  }
0x6: {  	_ = 	snop  }
0x7: {  	_ = 	snop  }
__scs_overlays_trampoline_lowered:
0x8: {  	[smem:$0x3FAB] =	sst s0  }
0x9: {  	[smem:$0x3FAC] =	sst s1  }
0xa: {  	[smem:$0x3FAD] =	sst s2  }
0xb: {  	[smem:$0x3FAE] =	sst s3  }
0xc: {  	[smem:$0x3FAF] =	sst s4  }
0xd: {  	[smem:$0x3FB0] =	sst s5  }
0xe: {  	[smem:$0x3FB1] =	sst s6  }
0xf: {  	[smem:$0x3FB2] =	sst s7  }
0x10: {  	[smem:$0x3FB3] =	sst s8  }
0x11: {  	[smem:$0x3FB4] =	sst s9;
	s0 =	simm.s32 @!p0 $0x0  }
0x12: {  	s1 =	sld [smem:$0x3F9A];
	s0 =	simm.s32 @p0 $0x1  }
0x13: {  	[smem:$0x3FB5] =	sst s0;
	s0 =	simm.s32 @!p1 $0x0  }
0x14: {  	s2 =	sld [smem:$0x3F99];
	s0 =	simm.s32 @p1 $0x1  }
0x15: {  	[smem:$0x3FB6] =	sst s0;
	s0 =	simm.s32 @!p2 $0x0  }
0x16: {  	s3 =	sld [smem:$0x3FDB];
	s0 =	simm.s32 @p2 $0x1  }
0x17: {  	s4 =	simm.s32 $0x1BF5;
	[smem:$0x3FB8] =	sst s0  }
0x18: {  	s0 =	sld [smem:$0x3F9B];
	_ =	swait.ge [sflag:s4], $0x0  }
0x19: {  	s7 =	sld [smem:$0x3F9C]  }
0x1a: {  	s8 =	sadd.s32 $0xFFFFE003, lr  }
0x1b: {  	s9 =	sadd.s32 $0xFFFFFEF7, lr;
	s5 =	simm.s32 $0xFFFFFFFF;
	p2 =	slt.u32 s8, $0xFFFFF086  }
0x1c: {  	p1 =	slt.u32 s9, $0xF7A;
	s5 =	simm.s32 @!p2 $0x0  }
0x1d: {  	s5 =	simm.s32 @p1 $0x1;
	p0 =	seq.s32 s7, s2  }
0x1e: {  	s7 =	smul.u32 @!p0 $0xF7A, s2;
	p2 =	seq.s32 @!p0 s5, $0x0  }
0x1f: {  	s9 =	smul.u32 $0xF7A, s1;
	s8 =	simm.s32 @!p0 $0x1BF5;
	p2 =	por !p2, p0  }
0x20: {  	[sflag:s8] =	ssyncset.s32 @!p0 $0xFFFFF086;
	s6 =	sadd.s32 @!p0 s3, s7;
	s7 =	simm.s32 @!p0 $0x108  }
0x21: {  	s3 =	sadd.s32 s3, s9;
	s6 =	sadd.s32 @!p0 $0x88, s6;
	s7 =	simm.s32 @p2 $0x1082  }
0x22: {  	[simem:s7], [sflag:s8] =	dma.local @!p0 [hbm:s6], $0xF7A  }
0x23: {  	s9 =	sor.u32 $0xD0000000, s2;
	s6 =	simm.s32 $0x108;
	_ =	swait.ge @!p0 [sflag:s8], $0x0  }
0x24: {  	s3 =	sadd.s32 $0x88, s3;
	s6 =	simm.s32 @!p1 $0x1082;
	[sflag:s4] =	ssyncset.s32 $0xFFFFF086  }
0x25: {  	[simem:s6], [sflag:s4] =	dma.local [hbm:s3], $0xF7A  }
0x26: {  	[smem:$0x3F9C] =	sst s1;
	(tag) =	ssettag s2;
	_ =	strace s9  }
0x27: {  	s1 =	sld [smem:$0x3FAC]  }
0x28: {  	s2 =	sld [smem:$0x3FAD]  }
0x29: {  	s4 =	sld [smem:$0x3FAF]  }
0x2a: {  	p0 =	seq.s32 s5, $0x0;
	s5 =	sld [smem:$0x3FB0]  }
0x2b: {  	s6 =	sld [smem:$0x3FB1]  }
0x2c: {  	s7 =	sld [smem:$0x3FB2]  }
0x2d: {  	s3 =	simm.s32 $0x108;
	s8 =	sld [smem:$0x3FB3]  }
0x2e: {  	s3 =	simm.s32 @!p0 $0x1082;
	s9 =	sld [smem:$0x3FB4]  }
0x2f: {  	lr =	sadd.s32 s0, s3;
	s0 =	sld [smem:$0x3FAB]  }
0x30: {  	s3 =	sld [smem:$0x3FAE]  }
0x31: {  	[smem:$0x3FB7] =	sst s10  }
0x32: {  	s10 =	sld [smem:$0x3FB5];
	_ =	sdelay $0x3  }
0x33: {  	p0 =	seq.s32 s10, $0x1;
	s10 =	sld [smem:$0x3FB7];
	_ =	sdelay $0x3  }
0x34: {  	[smem:$0x3FB7] =	sst s10  }
0x35: {  	s10 =	sld [smem:$0x3FB6];
	_ =	sdelay $0x3  }
0x36: {  	p1 =	seq.s32 s10, $0x1;
	s10 =	sld [smem:$0x3FB7];
	_ =	sdelay $0x3  }
0x37: {  	[smem:$0x3FB7] =	sst s10  }
0x38: {  	s10 =	sld [smem:$0x3FB8]  }
0x39: {  	_ = 	snop;
	(pc) =	sbr.ind lr, $3  }
0x3a: {  	_ = 	snop  }
0x3b: {  	_ = 	snop  }
0x3c: {  	p2 =	seq.s32 s10, $0x1;
	s10 =	sld [smem:$0x3FB7]  }
0x3d: {  	_ =	shalt  }
0x3e: {  	_ =	shalt  }
0x3f: {  	_ =	shalt  }
0x40: {  	_ =	shalt  }
0x41: {  	_ =	shalt  }
0x42: {  	_ =	shalt  }
0x43: {  	_ =	shalt  }
0x44: {  	_ =	shalt  }
0x45: {  	_ =	shalt  }
0x46: {  	_ =	shalt  }
0x47: {  	_ =	shalt  }
0x48: {  	_ =	shalt  }
0x49: {  	_ =	shalt  }
0x4a: {  	_ =	shalt  }
0x4b: {  	_ =	shalt  }
0x4c: {  	_ =	shalt  }
0x4d: {  	_ =	shalt  }
0x4e: {  	_ =	shalt  }
0x4f: {  	_ =	shalt  }
0x50: {  	_ =	shalt  }
0x51: {  	_ =	shalt  }
0x52: {  	_ =	shalt  }
0x53: {  	_ =	shalt  }
0x54: {  	_ =	shalt  }
0x55: {  	_ =	shalt  }
0x56: {  	_ =	shalt  }
0x57: {  	_ =	shalt  }
0x58: {  	_ =	shalt  }
0x59: {  	_ =	shalt  }
0x5a: {  	_ =	shalt  }
0x5b: {  	_ =	shalt  }
0x5c: {  	_ =	shalt  }
0x5d: {  	_ =	shalt  }
0x5e: {  	_ =	shalt  }
0x5f: {  	_ =	shalt  }
0x60: {  	_ =	shalt  }
0x61: {  	_ =	shalt  }
0x62: {  	_ =	shalt  }
0x63: {  	_ =	shalt  }
0x64: {  	_ =	shalt  }
0x65: {  	_ =	shalt  }
0x66: {  	_ =	shalt  }
0x67: {  	_ =	shalt  }
0x68: {  	_ =	shalt  }
0x69: {  	_ =	shalt  }
0x6a: {  	_ =	shalt  }
0x6b: {  	_ =	shalt  }
0x6c: {  	_ =	shalt  }
0x6d: {  	_ =	shalt  }
0x6e: {  	_ =	shalt  }
0x6f: {  	_ =	shalt  }
0x70: {  	_ =	shalt  }
0x71: {  	_ =	shalt  }
0x72: {  	_ =	shalt  }
0x73: {  	_ =	shalt  }
0x74: {  	_ =	shalt  }
0x75: {  	_ =	shalt  }
0x76: {  	_ =	shalt  }
0x77: {  	_ =	shalt  }
0x78: {  	_ =	shalt  }
0x79: {  	_ =	shalt  }
0x7a: {  	_ =	shalt  }
0x7b: {  	_ =	shalt  }
0x7c: {  	_ =	shalt  }
0x7d: {  	_ =	shalt  }
0x7e: {  	_ =	shalt  }
0x7f: {  	_ =	shalt  }
0x80: {  	_ =	shalt  }
0x81: {  	_ =	shalt  }
0x82: {  	_ =	shalt  }
0x83: {  	_ =	shalt  }
0x84: {  	_ =	shalt  }
0x85: {  	_ =	shalt  }
0x86: {  	_ =	shalt  }
0x87: {  	_ =	shalt  }
.Lfunc_end0:
.L_simem_size_0:
called_computation_lowered:
.L_overlay_start_0:
0x88: {  	s0 =	sld [smem:$0x3FD9]  }
0x89: {  	s1 =	sld [smem:$0x3FFE];
	_ =	sdelay $0x3  }
0x8a: {  	s0 =	sadd.s32 s1, s0  }
0x8b: {  	[smem:$0x3FC3] =	sst s0  }
0x8c: {  	_ = 	snop  }
0x8d: {  	s0 =	sld [smem:$0x3FC9];
	(tm) =	ssettm $0x1  }
0x8e: {  	s16 =	sld [smem:$0x3FFB];
	_ =	sdelay $0x3  }
0x8f: {  	_ =	strace s16  }
0x90: {  	s1 =	sld [smem:$0x3FFC];
	_ =	sdelay $0x3  }
0x91: {  	_ =	strace s1  }
0x92: {  	s1 =	sld [smem:$0x3FFD];
	_ =	sdelay $0x3  }
0x93: {  	_ =	strace s1  }
0x94: {  	_ =	strace $0x8FFFFFFF  }
0x95: {  	s17 =	sld [smem:$0x3FDB];
	_ =	sdelay $0x1  }
0x96: {  	s2 =	simm.s32 $_scs_section_size  }
0x97: {  	s3 =	simm.s32 $_size__tile_overlayer_lowered;
	s4 =	simm.s32 $_tile_overlayer_lowered  }
0x98: {  	s20 =	simm.s32 $0x1BFF;
	s19 =	sshll.u32 s4, $0x1;
	s1 =	sadd.s32 s2, s17  }
0x99: {  	s5 =	simm.s32 $0x0;
	s18 =	sshll.u32 s3, $0x1;
	s3 =	sadd.s32 s19, s1  }
0x9a: {  	[timem:s5], [sflag:s20] =	dma.local [hbm:s3], s18  }
0x9b: {  	_ =	swait.ge [sflag:s20], s18  }
0x9c: {  	s2 =	ssub.s32 $0x0, s18;
	[sflag:s20] =	ssyncset.done $0x0  }
0x9d: {  	[sflag:s20] =	ssyncadd.s32 s2;
	_ =	sdelay $0x1  }
0x9e: {  	s21 =	simm.s32 $0x1B8B  }
0x9f: {  	_ =	swait.ge [sflag:s21], $0x1  }
0xa0: {  	[sflag:s21] =	ssyncset.done $0x0  }
0xa1: {  	s23 =	simm.s32 $0x1B8E;
	s22 =	sld [smem:$0x3FFE];
	[sflag:s21] =	ssyncadd.s32 $0xFFFFFFFF  }
0xa2: {  	s24 =	simm.s32 $execute0_lowered;
	[smem:$0x3FD2] =	sst s23  }
0xa3: {  	s3 =	sshll.u32 s24, $0x1;
	_ =	strace $0x80000046;
	[dreg:$0x1] =	wrdreg $0xFFFFFFFF  }
0xa4: {  	s25 =	simm.s32 $_size_execute0_lowered;
	s1 =	sadd.s32 s1, s3;
	[dreg:$0x0] =	wrdreg $0x0  }
0xa5: {  	s3 =	sshll.u32 s25, $0x1;
	[dreg:$0x2] =	wrdreg s1  }
0xa6: {  	[dreg:$0x3] =	wrdreg s3  }
0xa7: {  	[dreg:$0x4] =	wrdreg $0xC0  }
0xa8: {  	_ =	task [dreg:s5], $0x5FFFF  }
0xa9: {  	[dreg:$0x1] =	wrdreg $0xFFFFFFFF  }
0xaa: {  	[dreg:$0x0] =	wrdreg $0x60  }
0xab: {  	[dreg:$0x2] =	wrdreg s0  }
0xac: {  	[dreg:$0x3] =	wrdreg s22  }
0xad: {  	[dreg:$0x4] =	wrdreg $0x9  }
0xae: {  	_ =	task.clear_ibuf [dreg:s5], $0x5FFFF;
	_ =	strace $0x90000046  }
0xaf: {  	s26 =	simm.s32 $0x9;
	_ =	strace $0x80000048  }
0xb0: {  	_ =	swait.ge [sflag:s26], $0x1  }
0xb1: {  	[sflag:s26] =	ssyncadd.s32 $0xFFFFFFFF  }
0xb2: {  	_ =	strace $0x90000048  }
0xb3: {  	_ =	sfence  }
0xb4: {  	s28 =	sld [smem:$0x0];
	_ =	sdelay $0x1  }
0xb5: {  	s29 =	srdreg.scid  }
0xb6: {  	s30 =	sshll.u32 s29, $0xD;
	s31 =	sshrl.u32 s29, $0x2  }
0xb7: {  	s2 =	sand.u32 $0x4000, s30;
	s1 =	sand.u32 $0x1, s29;
	s0 =	sadd.s32 s31, s28  }
0xb8: {  	s1 =	sor.u32 s2, s1;
	s0 =	sshll.u32 s0, $0x11  }
0xb9: {  	s0 =	sor.u32 s0, s1  }
0xba: {  	s0 =	sadd.s32 $0x8F2B, s0  }
0xbb: {  	[sflag:s0] =	ssyncadd.remote.s32 $0x1  }
0xbc: {  	_ =	sfence.sel $0xFFFF  }
0xbd: {  	[dreg:$0x0] =	wrdreg $0xFFFFFFFF;
	(pc) =	sbr.abs _section_cstart, $3  }
0xbe: {  	[dreg:$0x1] =	wrdreg $0xFFFFFFFF  }
0xbf: {  	_ =	task.clear_ibuf [dreg:s5], $0x2FFFF;
	_ =	strace $0x9FFFFFFF  }
0xc0: {  	(tm) =	ssettm $0x7FFFFFFF  }
0xc1: {  	_ =	shalt  }
tec
execute0_lowered:
.L_overlay_start_1:
0x0: {  	(tag) =	ssettag $0x1  }
0x1: {  	s1 =	rddreg [dreg:$0x0]  }
0x2: {  	s4 =	rddreg [dreg:$0x1];
	s2 =	simm.s32 $0x0  }
0x3: {  	v0 =	vimm.f32 $0.0e+00;
	[smem:$0x7FF] =	sst s2  }
0x4: {  	s0 =	rddreg [dreg:$0x2];
	_ =	strace $0x80000047;
	[tilespmem:$0x18000] =	vst v0  }
0x5: {  	[tilespmem:$0x18010] =	vst v0  }
0x6: {  	[tilespmem:$0x18020] =	vst v0  }
0x7: {  	[tilespmem:$0x18030] =	vst v0  }
0x8: {  	[tilespmem:$0x18040] =	vst v0  }
0x9: {  	[tilespmem:$0x18050] =	vst v0  }
0xa: {  	[tilespmem:$0x18060] =	vst v0  }
0xb: {  	[tilespmem:$0x18070] =	vst v0  }
0xc: {  	[tilespmem:$0x18080] =	vst v0  }
0xd: {  	[tilespmem:$0x18090] =	vst v0  }
0xe: {  	[tilespmem:$0x180A0] =	vst v0  }
0xf: {  	[tilespmem:$0x180B0] =	vst v0  }
0x10: {  	[tilespmem:$0x180C0] =	vst v0  }
0x11: {  	[tilespmem:$0x180D0] =	vst v0  }
0x12: {  	[tilespmem:$0x180E0] =	vst v0  }
0x13: {  	[tilespmem:$0x180F0] =	vst v0  }
0x14: {  	[tilespmem:$0x18100] =	vst v0  }
0x15: {  	[tilespmem:$0x18110] =	vst v0  }
0x16: {  	[tilespmem:$0x18120] =	vst v0  }
0x17: {  	[tilespmem:$0x18130] =	vst v0  }
0x18: {  	[tilespmem:$0x18140] =	vst v0  }
0x19: {  	[tilespmem:$0x18150] =	vst v0  }
0x1a: {  	[tilespmem:$0x18160] =	vst v0  }
0x1b: {  	[tilespmem:$0x18170] =	vst v0  }
0x1c: {  	[tilespmem:$0x18180] =	vst v0  }
0x1d: {  	[tilespmem:$0x18190] =	vst v0  }
0x1e: {  	[tilespmem:$0x181A0] =	vst v0  }
0x1f: {  	[tilespmem:$0x181B0] =	vst v0  }
0x20: {  	[tilespmem:$0x181C0] =	vst v0  }
0x21: {  	[tilespmem:$0x181D0] =	vst v0  }
0x22: {  	[tilespmem:$0x181E0] =	vst v0  }
0x23: {  	[tilespmem:$0x181F0] =	vst v0  }
0x24: {  	[tilespmem:$0x18200] =	vst v0  }
0x25: {  	[tilespmem:$0x18210] =	vst v0  }
0x26: {  	[tilespmem:$0x18220] =	vst v0  }
0x27: {  	[tilespmem:$0x18230] =	vst v0  }
0x28: {  	[tilespmem:$0x18240] =	vst v0  }
0x29: {  	[tilespmem:$0x18250] =	vst v0  }
0x2a: {  	s3 =	stileid.u32;
	[tilespmem:$0x18260] =	vst v0  }
0x2b: {  	s5 =	sshll.u32 s3, $0xB;
	s6 =	sshll.u32 s3, $0x8;
	[tilespmem:$0x18270] =	vst v0  }
0x2c: {  	s5 =	sor.u32 s6, s5;
	[tilespmem:$0x18280] =	vst v0  }
0x2d: {  	[tilespmem:$0x18290] =	vst v0;
	s6 =	sand.u32 $0x6300, s5  }
0x2e: {  	[tilespmem:$0x182A0] =	vst v0;
	s5 =	sshrl.u32 s6, $0x3  }
0x2f: {  	[tilespmem:$0x182B0] =	vst v0;
	s7 =	smul.u32 $0x1800, s5  }
0x30: {  	p0 =	por $0x0, $0x0;
	[tilespmem:$0x182C0] =	vst v0;
	s5 =	smul.u32 $0x300, s5  }
0x31: {  	s9 =	simm.s32 $0x2;
	s10 =	simm.s32 $0x0;
	s4 =	sadd.s32 $0xE00, s4;
	[tilespmem:$0x182D0] =	vst v0  }
0x32: {  	[tilespmem:$0x182E0] =	vst v0;
	s6 =	sor.u32 $0x1CC0, s6;
	s7 =	sshrl.u32 s7, $0x3;
	s5 =	sadd.s32 s5, s1  }
0x33: {  	[tilespmem:$0x182F0] =	vst v0;
	s7 =	sadd.s32 s1, s7;
	s8 =	sadd.s32 $0xA8000, s5;
	s5 =	sadd.s32 $0xAB000, s5  }
0x34: {  	[tilespmem:s2], [sflag:$0x1] =	stream.linear.gather [hbm4b:s8+s2], $0xC000, $0x38;
	[tilespmem:$0x18300] =	vst v63  }
0x35: {  	s11 =	sadd.s32 $0xA9800, s7;
	s7 =	simm.s32 $0xC000;
	s8 =	simm.s32 $0x1  }
.LBB2_1:
0x36: {  	[tilespmem:s7], [sflag:$0x2] =	stream.linear.gather [hbm4b:s11+s2], $0xC000, $0x38;
	[tilespmem:$0x18300] =	vst v63  }
0x37: {  	_ =	swait.ge [sflag:s8], $0xC000  }
0x38: {  	[sflag:s8] =	ssyncset.done $0x0  }
0x39: {  	[sflag:s8] =	ssyncadd.s32 $0xFFFF4000  }
0x3a: {  	v10 =	vld [tilespmem:$0x18000]  }
0x3b: {  	v11 =	vld [tilespmem:$0x18010]  }
0x3c: {  	v9 =	vld [tilespmem:$0x18020]  }
0x3d: {  	v8 =	vld [tilespmem:$0x18030]  }
0x3e: {  	v7 =	vld [tilespmem:$0x18040]  }
0x3f: {  	v6 =	vld [tilespmem:$0x18050]  }
0x40: {  	v2 =	vld [tilespmem:$0x18060]  }
0x41: {  	s31 =	simm.s32 $0x0;
	v3 =	vld [tilespmem:$0x18070]  }
0x42: {  	s11 =	smul.u32 $0x6000, s31;
	v5 =	vld [tilespmem:$0x18080]  }
0x43: {  	v4 =	vld [tilespmem:$0x18090]  }
0x44: {  	s12 =	sand.u32 $0x380, s2;
	s11 =	sshra.s32 s11, $0x2;
	v1 =	vld [tilespmem:$0x180A0]  }
0x45: {  	v0 =	vld [tilespmem:$0x180B0];
	s11 =	sor.u32 s12, s11  }
0x46: {  	v12 =	vld [tilespmem:s11+$0x430]  }
0x47: {  	v14 =	vld [tilespmem:s11+$0x0]  }
0x48: {  	v17 =	vld [tilespmem:s11+$0x10]  }
0x49: {  	v16 =	vld [tilespmem:s11+$0x20]  }
0x4a: {  	v15 =	vld [tilespmem:s11+$0x30]  }
0x4b: {  	v13 =	vld [tilespmem:s11+$0x40]  }
0x4c: {  	v0 =	vadd.f32 v12, v0;
	v12 =	vld [tilespmem:s11+$0x50]  }
0x4d: {  	s14 =	simm.s32 $0x0;
	s13 =	simm.s32 $0x2;
	s12 =	simm.s32 $0x0;
	v10 =	vadd.f32 v14, v10;
	v11 =	vadd.f32 v17, v11;
	v14 =	vld [tilespmem:s11+$0x60]  }
.LBB2_2:
0x4e: {  	p1 =	sne.s32 s13, $0x3F;
	s14 =	smul.u32 $0x6000, s14;
	v9 =	vadd.f32 v16, v9;
	v16 =	vld [tilespmem:s11+$0x70]  }
0x4f: {  	s12 =	sadd.s32 $0x80, s12;
	v8 =	vadd.f32 v15, v8;
	v15 =	vld [tilespmem:s11+$0x400]  }
0x50: {  	s15 =	sand.u32 $0x380, s12;
	s14 =	sshra.s32 s14, $0x2;
	v7 =	vadd.f32 v13, v7;
	v13 =	vld [tilespmem:s11+$0x410]  }
0x51: {  	v6 =	vadd.f32 v12, v6;
	v12 =	vld [tilespmem:s11+$0x420];
	s11 =	sor.u32 s15, s14  }
0x52: {  	v17 =	vld [tilespmem:s11+$0x430];
	v2 =	vadd.f32 v14, v2  }
0x53: {  	v14 =	vld [tilespmem:s11+$0x0];
	v3 =	vadd.f32 v16, v3  }
0x54: {  	v18 =	vld [tilespmem:s11+$0x10];
	v5 =	vadd.f32 v15, v5  }
.Ltmp0:
0x55: {  	v16 =	vld [tilespmem:s11+$0x20];
	v4 =	vadd.f32 v13, v4;
	(pc) =	sbr.rel @p1 .LBB2_2-.Ltmp0, $4  }
0x56: {  	v15 =	vld [tilespmem:s11+$0x30];
	v1 =	vadd.f32 v12, v1  }
0x57: {  	v13 =	vld [tilespmem:s11+$0x40];
	v0 =	vadd.f32 v17, v0  }
0x58: {  	v10 =	vadd.f32 v14, v10;
	v12 =	vld [tilespmem:s11+$0x50]  }
0x59: {  	s14 =	sshrl.u32 s13, $0x3;
	s13 =	sadd.s32 $0x1, s13;
	v11 =	vadd.f32 v18, v11;
	v14 =	vld [tilespmem:s11+$0x60]  }
0x5a: {  	s13 =	smul.u32 $0x6000, s14;
	v17 =	vld [tilespmem:s11+$0x70]  }
0x5b: {  	v18 =	vld [tilespmem:s11+$0x400];
	s12 =	sadd.s32 $0x80, s12  }
0x5c: {  	v19 =	vld [tilespmem:s11+$0x410];
	s12 =	sand.u32 $0x380, s12;
	s13 =	sshra.s32 s13, $0x2  }
0x5d: {  	v20 =	vld [tilespmem:s11+$0x420];
	s12 =	sor.u32 s12, s13  }
0x5e: {  	v21 =	vld [tilespmem:s12+$0x430]  }
0x5f: {  	v22 =	vld [tilespmem:s12+$0x0]  }
0x60: {  	v23 =	vld [tilespmem:s12+$0x10]  }
0x61: {  	v24 =	vld [tilespmem:s12+$0x20]  }
0x62: {  	v25 =	vld [tilespmem:s12+$0x30]  }
0x63: {  	v26 =	vld [tilespmem:s12+$0x40]  }
0x64: {  	v27 =	vld [tilespmem:s12+$0x50]  }
0x65: {  	v28 =	vld [tilespmem:s12+$0x60]  }
0x66: {  	v29 =	vld [tilespmem:s12+$0x70]  }
0x67: {  	v9 =	vadd.f32 v16, v9;
	v8 =	vadd.f32 v15, v8;
	v30 =	vld [tilespmem:s12+$0x400]  }
0x68: {  	v7 =	vadd.f32 v13, v7;
	v16 =	vld [tilespmem:s12+$0x410];
	v10 =	vadd.f32 v22, v10  }
0x69: {  	v6 =	vadd.f32 v12, v6;
	v15 =	vld [tilespmem:s12+$0x420];
	v11 =	vadd.f32 v23, v11  }
0x6a: {  	v12 =	vadd.f32 v14, v2;
	v2 =	vld [tilespmem:$0x180E0];
	v9 =	vadd.f32 v24, v9;
	[tilespmem:$0x18000] =	vst v10  }
0x6b: {  	v5 =	vadd.f32 v18, v5;
	v8 =	vadd.f32 v25, v8;
	v10 =	vld [tilespmem:$0x180C0];
	[tilespmem:$0x18010] =	vst v11  }
0x6c: {  	v4 =	vadd.f32 v19, v4;
	v7 =	vadd.f32 v26, v7;
	v11 =	vld [tilespmem:$0x180D0];
	[tilespmem:$0x18020] =	vst v9  }
0x6d: {  	v6 =	vadd.f32 v27, v6;
	v9 =	vadd.f32 v17, v3;
	[tilespmem:$0x18030] =	vst v8;
	v3 =	vld [tilespmem:$0x180F0]  }
0x6e: {  	v1 =	vadd.f32 v20, v1;
	v12 =	vadd.f32 v28, v12;
	[tilespmem:$0x18040] =	vst v7;
	v7 =	vld [tilespmem:$0x18100]  }
0x6f: {  	v5 =	vadd.f32 v30, v5;
	[tilespmem:$0x18050] =	vst v6;
	v8 =	vld [tilespmem:$0x18110]  }
0x70: {  	v1 =	vadd.f32 v15, v1;
	[tilespmem:$0x18060] =	vst v12;
	v6 =	vadd.f32 v16, v4;
	v4 =	vld [tilespmem:$0x18130]  }
0x71: {  	s29 =	simm.s32 $0x0;
	[tilespmem:$0x18080] =	vst v5;
	v5 =	vld [tilespmem:$0x18140]  }
0x72: {  	s30 =	smul.u32 $0x6000, s29;
	v12 =	vadd.f32 v21, v0;
	[tilespmem:$0x180A0] =	vst v1;
	v0 =	vld [tilespmem:$0x18160]  }
0x73: {  	s11 =	simm.s32 $0x0;
	v1 =	vld [tilespmem:$0x18170];
	v13 =	vadd.f32 v29, v9;
	[tilespmem:$0x18090] =	vst v6  }
0x74: {  	s31 =	sand.u32 $0x380, s11;
	s12 =	sshra.s32 s30, $0x2;
	v9 =	vld [tilespmem:$0x18120];
	[tilespmem:$0x180B0] =	vst v12  }
0x75: {  	s12 =	sor.u32 s31, s12;
	v6 =	vld [tilespmem:$0x18150];
	[tilespmem:$0x18070] =	vst v13  }
0x76: {  	v12 =	vld [tilespmem:s12+$0x870]  }
0x77: {  	v14 =	vld [tilespmem:s12+$0x440]  }
0x78: {  	v17 =	vld [tilespmem:s12+$0x450]  }
0x79: {  	v16 =	vld [tilespmem:s12+$0x460]  }
0x7a: {  	v15 =	vld [tilespmem:s12+$0x470]  }
0x7b: {  	v13 =	vld [tilespmem:s12+$0x800]  }
0x7c: {  	v1 =	vadd.f32 v12, v1;
	v12 =	vld [tilespmem:s12+$0x810]  }
0x7d: {  	s14 =	simm.s32 $0x0;
	s13 =	simm.s32 $0x2;
	v10 =	vadd.f32 v14, v10;
	v11 =	vadd.f32 v17, v11;
	v14 =	vld [tilespmem:s12+$0x820]  }
.LBB2_4:
0x7e: {  	p1 =	sne.s32 s13, $0x3F;
	s14 =	smul.u32 $0x6000, s14;
	v2 =	vadd.f32 v16, v2;
	v16 =	vld [tilespmem:s12+$0x830]  }
0x7f: {  	s11 =	sadd.s32 $0x80, s11;
	v3 =	vadd.f32 v15, v3;
	v15 =	vld [tilespmem:s12+$0x840]  }
0x80: {  	s15 =	sand.u32 $0x380, s11;
	s14 =	sshra.s32 s14, $0x2;
	v7 =	vadd.f32 v13, v7;
	v13 =	vld [tilespmem:s12+$0x850]  }
0x81: {  	v8 =	vadd.f32 v12, v8;
	v12 =	vld [tilespmem:s12+$0x860];
	s12 =	sor.u32 s15, s14  }
0x82: {  	v17 =	vld [tilespmem:s12+$0x870];
	v9 =	vadd.f32 v14, v9  }
0x83: {  	v14 =	vld [tilespmem:s12+$0x440];
	v4 =	vadd.f32 v16, v4  }
0x84: {  	v18 =	vld [tilespmem:s12+$0x450];
	v5 =	vadd.f32 v15, v5  }
.Ltmp1:
0x85: {  	v16 =	vld [tilespmem:s12+$0x460];
	v6 =	vadd.f32 v13, v6;
	(pc) =	sbr.rel @p1 .LBB2_4-.Ltmp1, $4  }
0x86: {  	v15 =	vld [tilespmem:s12+$0x470];
	v0 =	vadd.f32 v12, v0  }
0x87: {  	v13 =	vld [tilespmem:s12+$0x800];
	v1 =	vadd.f32 v17, v1  }
0x88: {  	v10 =	vadd.f32 v14, v10;
	v12 =	vld [tilespmem:s12+$0x810]  }
0x89: {  	s14 =	sshrl.u32 s13, $0x3;
	s13 =	sadd.s32 $0x1, s13;
	v11 =	vadd.f32 v18, v11;
	v14 =	vld [tilespmem:s12+$0x820]  }
0x8a: {  	s13 =	smul.u32 $0x6000, s14;
	v17 =	vld [tilespmem:s12+$0x830]  }
0x8b: {  	v18 =	vld [tilespmem:s12+$0x840];
	s11 =	sadd.s32 $0x80, s11  }
0x8c: {  	v19 =	vld [tilespmem:s12+$0x850];
	s11 =	sand.u32 $0x380, s11;
	s13 =	sshra.s32 s13, $0x2  }
0x8d: {  	v20 =	vld [tilespmem:s12+$0x860];
	s11 =	sor.u32 s11, s13  }
0x8e: {  	v21 =	vld [tilespmem:s11+$0x870]  }
0x8f: {  	v22 =	vld [tilespmem:s11+$0x440]  }
0x90: {  	v23 =	vld [tilespmem:s11+$0x450]  }
0x91: {  	v24 =	vld [tilespmem:s11+$0x460]  }
0x92: {  	v25 =	vld [tilespmem:s11+$0x470]  }
0x93: {  	v26 =	vld [tilespmem:s11+$0x800]  }
0x94: {  	v27 =	vld [tilespmem:s11+$0x810]  }
0x95: {  	v28 =	vld [tilespmem:s11+$0x820]  }
0x96: {  	v29 =	vld [tilespmem:s11+$0x830]  }
0x97: {  	v30 =	vld [tilespmem:s11+$0x840]  }
0x98: {  	v2 =	vadd.f32 v16, v2;
	v16 =	vld [tilespmem:s11+$0x850];
	v10 =	vadd.f32 v22, v10  }
0x99: {  	v3 =	vadd.f32 v15, v3;
	v15 =	vld [tilespmem:s11+$0x860];
	v11 =	vadd.f32 v23, v11  }
0x9a: {  	v7 =	vadd.f32 v13, v7;
	v2 =	vadd.f32 v24, v2;
	[tilespmem:$0x180C0] =	vst v10;
	v10 =	vld [tilespmem:$0x18180]  }
0x9b: {  	v8 =	vadd.f32 v12, v8;
	v3 =	vadd.f32 v25, v3;
	[tilespmem:$0x180D0] =	vst v11;
	v11 =	vld [tilespmem:$0x18190]  }
0x9c: {  	v9 =	vadd.f32 v14, v9;
	v7 =	vadd.f32 v26, v7;
	[tilespmem:$0x180E0] =	vst v2;
	v2 =	vld [tilespmem:$0x181A0]  }
0x9d: {  	v4 =	vadd.f32 v17, v4;
	v8 =	vadd.f32 v27, v8;
	[tilespmem:$0x180F0] =	vst v3;
	v3 =	vld [tilespmem:$0x181B0]  }
0x9e: {  	v5 =	vadd.f32 v18, v5;
	v9 =	vadd.f32 v28, v9;
	[tilespmem:$0x18100] =	vst v7;
	v7 =	vld [tilespmem:$0x181C0]  }
0x9f: {  	v6 =	vadd.f32 v19, v6;
	v4 =	vadd.f32 v29, v4;
	[tilespmem:$0x18110] =	vst v8;
	v8 =	vld [tilespmem:$0x181D0]  }
0xa0: {  	v0 =	vadd.f32 v20, v0;
	v5 =	vadd.f32 v30, v5;
	[tilespmem:$0x18120] =	vst v9;
	v9 =	vld [tilespmem:$0x181E0]  }
0xa1: {  	s29 =	simm.s32 $0x0;
	v6 =	vadd.f32 v16, v6;
	[tilespmem:$0x18130] =	vst v4;
	v4 =	vld [tilespmem:$0x181F0]  }
0xa2: {  	s30 =	smul.u32 $0x6000, s29;
	v0 =	vadd.f32 v15, v0;
	[tilespmem:$0x18140] =	vst v5;
	v5 =	vld [tilespmem:$0x18200]  }
0xa3: {  	s11 =	simm.s32 $0x0;
	v1 =	vadd.f32 v21, v1;
	[tilespmem:$0x18150] =	vst v6;
	v6 =	vld [tilespmem:$0x18210]  }
0xa4: {  	s12 =	sshra.s32 s30, $0x2;
	s31 =	sand.u32 $0x380, s11;
	[tilespmem:$0x18160] =	vst v0;
	v0 =	vld [tilespmem:$0x18220]  }
0xa5: {  	s12 =	sor.u32 s31, s12;
	[tilespmem:$0x18170] =	vst v1;
	v1 =	vld [tilespmem:$0x18230]  }
0xa6: {  	v12 =	vld [tilespmem:s12+$0x1030]  }
0xa7: {  	v14 =	vld [tilespmem:s12+$0xC00]  }
0xa8: {  	v17 =	vld [tilespmem:s12+$0xC10]  }
0xa9: {  	v16 =	vld [tilespmem:s12+$0xC20]  }
0xaa: {  	v15 =	vld [tilespmem:s12+$0xC30]  }
0xab: {  	v13 =	vld [tilespmem:s12+$0xC40]  }
0xac: {  	v1 =	vadd.f32 v12, v1;
	v12 =	vld [tilespmem:s12+$0xC50]  }
0xad: {  	s14 =	simm.s32 $0x0;
	s13 =	simm.s32 $0x2;
	v10 =	vadd.f32 v14, v10;
	v11 =	vadd.f32 v17, v11;
	v14 =	vld [tilespmem:s12+$0xC60]  }
.LBB2_6:
0xae: {  	p1 =	sne.s32 s13, $0x3F;
	s14 =	smul.u32 $0x6000, s14;
	v2 =	vadd.f32 v16, v2;
	v16 =	vld [tilespmem:s12+$0xC70]  }
0xaf: {  	s11 =	sadd.s32 $0x80, s11;
	v3 =	vadd.f32 v15, v3;
	v15 =	vld [tilespmem:s12+$0x1000]  }
0xb0: {  	s15 =	sand.u32 $0x380, s11;
	s14 =	sshra.s32 s14, $0x2;
	v7 =	vadd.f32 v13, v7;
	v13 =	vld [tilespmem:s12+$0x1010]  }
0xb1: {  	v8 =	vadd.f32 v12, v8;
	v12 =	vld [tilespmem:s12+$0x1020];
	s12 =	sor.u32 s15, s14  }
0xb2: {  	v17 =	vld [tilespmem:s12+$0x1030];
	v9 =	vadd.f32 v14, v9  }
0xb3: {  	v14 =	vld [tilespmem:s12+$0xC00];
	v4 =	vadd.f32 v16, v4  }
0xb4: {  	v18 =	vld [tilespmem:s12+$0xC10];
	v5 =	vadd.f32 v15, v5  }
.Ltmp2:
0xb5: {  	v16 =	vld [tilespmem:s12+$0xC20];
	v6 =	vadd.f32 v13, v6;
	(pc) =	sbr.rel @p1 .LBB2_6-.Ltmp2, $4  }
0xb6: {  	v15 =	vld [tilespmem:s12+$0xC30];
	v0 =	vadd.f32 v12, v0  }
0xb7: {  	v13 =	vld [tilespmem:s12+$0xC40];
	v1 =	vadd.f32 v17, v1  }
0xb8: {  	v10 =	vadd.f32 v14, v10;
	v12 =	vld [tilespmem:s12+$0xC50]  }
0xb9: {  	s14 =	sshrl.u32 s13, $0x3;
	s13 =	sadd.s32 $0x1, s13;
	v11 =	vadd.f32 v18, v11;
	v14 =	vld [tilespmem:s12+$0xC60]  }
0xba: {  	s13 =	smul.u32 $0x6000, s14;
	v17 =	vld [tilespmem:s12+$0xC70]  }
0xbb: {  	v18 =	vld [tilespmem:s12+$0x1000];
	s11 =	sadd.s32 $0x80, s11  }
0xbc: {  	v19 =	vld [tilespmem:s12+$0x1010];
	s11 =	sand.u32 $0x380, s11;
	s13 =	sshra.s32 s13, $0x2  }
0xbd: {  	v20 =	vld [tilespmem:s12+$0x1020];
	s11 =	sor.u32 s11, s13  }
0xbe: {  	v21 =	vld [tilespmem:s11+$0x1030]  }
0xbf: {  	v22 =	vld [tilespmem:s11+$0xC00]  }
0xc0: {  	v23 =	vld [tilespmem:s11+$0xC10]  }
0xc1: {  	v24 =	vld [tilespmem:s11+$0xC20]  }
0xc2: {  	v25 =	vld [tilespmem:s11+$0xC30]  }
0xc3: {  	v26 =	vld [tilespmem:s11+$0xC40]  }
0xc4: {  	v27 =	vld [tilespmem:s11+$0xC50]  }
0xc5: {  	v28 =	vld [tilespmem:s11+$0xC60]  }
0xc6: {  	v29 =	vld [tilespmem:s11+$0xC70]  }
0xc7: {  	v2 =	vadd.f32 v16, v2;
	v3 =	vadd.f32 v15, v3;
	v30 =	vld [tilespmem:s11+$0x1000]  }
0xc8: {  	v7 =	vadd.f32 v13, v7;
	v16 =	vld [tilespmem:s11+$0x1010];
	v10 =	vadd.f32 v22, v10  }
0xc9: {  	v8 =	vadd.f32 v12, v8;
	v15 =	vld [tilespmem:s11+$0x1020];
	v11 =	vadd.f32 v23, v11  }
0xca: {  	v12 =	vadd.f32 v17, v4;
	v4 =	vld [tilespmem:$0x18280];
	v2 =	vadd.f32 v24, v2;
	[tilespmem:$0x18180] =	vst v10  }
0xcb: {  	v13 =	vadd.f32 v18, v5;
	v5 =	vld [tilespmem:$0x18290];
	v3 =	vadd.f32 v25, v3;
	[tilespmem:$0x18190] =	vst v11  }
0xcc: {  	v9 =	vadd.f32 v14, v9;
	v7 =	vadd.f32 v26, v7;
	v10 =	vld [tilespmem:$0x18240];
	[tilespmem:$0x181A0] =	vst v2  }
0xcd: {  	v8 =	vadd.f32 v27, v8;
	v11 =	vld [tilespmem:$0x18250];
	[tilespmem:$0x181B0] =	vst v3  }
0xce: {  	v9 =	vadd.f32 v28, v9;
	v2 =	vld [tilespmem:$0x18260];
	[tilespmem:$0x181C0] =	vst v7  }
0xcf: {  	v6 =	vadd.f32 v19, v6;
	v3 =	vld [tilespmem:$0x18270];
	v7 =	vadd.f32 v29, v12;
	[tilespmem:$0x181D0] =	vst v8  }
0xd0: {  	v8 =	vadd.f32 v20, v0;
	v12 =	vadd.f32 v30, v13;
	[tilespmem:$0x181E0] =	vst v9;
	v0 =	vld [tilespmem:$0x182A0]  }
0xd1: {  	s29 =	simm.s32 $0x0;
	v9 =	vadd.f32 v16, v6;
	v6 =	vld [tilespmem:$0x182B0];
	[tilespmem:$0x181F0] =	vst v7  }
0xd2: {  	s30 =	smul.u32 $0x6000, s29;
	v8 =	vadd.f32 v15, v8;
	[tilespmem:$0x18200] =	vst v12;
	v7 =	vld [tilespmem:$0x182C0]  }
0xd3: {  	s11 =	simm.s32 $0x0;
	v12 =	vadd.f32 v21, v1;
	[tilespmem:$0x18210] =	vst v9;
	v1 =	vld [tilespmem:$0x182D0]  }
0xd4: {  	s12 =	sshra.s32 s30, $0x2;
	s31 =	sand.u32 $0x380, s11;
	v9 =	vld [tilespmem:$0x182F0];
	[tilespmem:$0x18220] =	vst v8  }
0xd5: {  	s12 =	sor.u32 s31, s12;
	v8 =	vld [tilespmem:$0x182E0];
	[tilespmem:$0x18230] =	vst v12  }
0xd6: {  	v13 =	vld [tilespmem:s12+$0x1470]  }
0xd7: {  	v14 =	vld [tilespmem:s12+$0x1040]  }
0xd8: {  	v17 =	vld [tilespmem:s12+$0x1050]  }
0xd9: {  	v16 =	vld [tilespmem:s12+$0x1060]  }
0xda: {  	v15 =	vld [tilespmem:s12+$0x1070]  }
0xdb: {  	v12 =	vld [tilespmem:s12+$0x1400]  }
0xdc: {  	v9 =	vadd.f32 v13, v9;
	v13 =	vld [tilespmem:s12+$0x1410]  }
0xdd: {  	s14 =	simm.s32 $0x0;
	s13 =	simm.s32 $0x2;
	v10 =	vadd.f32 v14, v10;
	v11 =	vadd.f32 v17, v11;
	v14 =	vld [tilespmem:s12+$0x1420]  }
.LBB2_8:
0xde: {  	p1 =	sne.s32 s13, $0x3F;
	s14 =	smul.u32 $0x6000, s14;
	v2 =	vadd.f32 v16, v2;
	v16 =	vld [tilespmem:s12+$0x1430]  }
0xdf: {  	s11 =	sadd.s32 $0x80, s11;
	v3 =	vadd.f32 v15, v3;
	v15 =	vld [tilespmem:s12+$0x1440]  }
0xe0: {  	s15 =	sand.u32 $0x380, s11;
	s14 =	sshra.s32 s14, $0x2;
	v4 =	vadd.f32 v12, v4;
	v12 =	vld [tilespmem:s12+$0x1450]  }
0xe1: {  	v5 =	vadd.f32 v13, v5;
	v13 =	vld [tilespmem:s12+$0x1460];
	s12 =	sor.u32 s15, s14  }
0xe2: {  	v17 =	vld [tilespmem:s12+$0x1470];
	v0 =	vadd.f32 v14, v0  }
0xe3: {  	v14 =	vld [tilespmem:s12+$0x1040];
	v6 =	vadd.f32 v16, v6  }
0xe4: {  	v18 =	vld [tilespmem:s12+$0x1050];
	v7 =	vadd.f32 v15, v7  }
.Ltmp3:
0xe5: {  	v16 =	vld [tilespmem:s12+$0x1060];
	v1 =	vadd.f32 v12, v1;
	(pc) =	sbr.rel @p1 .LBB2_8-.Ltmp3, $4  }
0xe6: {  	v15 =	vld [tilespmem:s12+$0x1070];
	v8 =	vadd.f32 v13, v8  }
0xe7: {  	v12 =	vld [tilespmem:s12+$0x1400];
	v9 =	vadd.f32 v17, v9  }
0xe8: {  	v10 =	vadd.f32 v14, v10;
	v13 =	vld [tilespmem:s12+$0x1410]  }
0xe9: {  	s14 =	sshrl.u32 s13, $0x3;
	s13 =	sadd.s32 $0x1, s13;
	v11 =	vadd.f32 v18, v11;
	v14 =	vld [tilespmem:s12+$0x1420]  }
0xea: {  	s13 =	smul.u32 $0x6000, s14;
	v17 =	vld [tilespmem:s12+$0x1430]  }
0xeb: {  	v18 =	vld [tilespmem:s12+$0x1440];
	s11 =	sadd.s32 $0x80, s11  }
0xec: {  	v19 =	vld [tilespmem:s12+$0x1450];
	s11 =	sand.u32 $0x380, s11;
	s13 =	sshra.s32 s13, $0x2  }
0xed: {  	v20 =	vld [tilespmem:s12+$0x1460];
	s11 =	sor.u32 s11, s13  }
0xee: {  	v21 =	vld [tilespmem:s11+$0x1470]  }
0xef: {  	v22 =	vld [tilespmem:s11+$0x1040]  }
0xf0: {  	v23 =	vld [tilespmem:s11+$0x1050]  }
0xf1: {  	v24 =	vld [tilespmem:s11+$0x1060]  }
0xf2: {  	v25 =	vld [tilespmem:s11+$0x1070]  }
0xf3: {  	v26 =	vld [tilespmem:s11+$0x1400]  }
0xf4: {  	v27 =	vld [tilespmem:s11+$0x1410]  }
0xf5: {  	v28 =	vld [tilespmem:s11+$0x1420]  }
0xf6: {  	v29 =	vld [tilespmem:s11+$0x1430]  }
0xf7: {  	v2 =	vadd.f32 v16, v2;
	v30 =	vld [tilespmem:s11+$0x1440];
	v10 =	vadd.f32 v22, v10  }
0xf8: {  	v3 =	vadd.f32 v15, v3;
	v16 =	vld [tilespmem:s11+$0x1450];
	v11 =	vadd.f32 v23, v11  }
0xf9: {  	v4 =	vadd.f32 v12, v4;
	v15 =	vld [tilespmem:s11+$0x1460];
	v2 =	vadd.f32 v24, v2;
	[tilespmem:$0x18240] =	vst v10  }
0xfa: {  	v0 =	vadd.f32 v14, v0;
	v3 =	vadd.f32 v25, v3;
	[tilespmem:$0x18250] =	vst v11  }
0xfb: {  	v5 =	vadd.f32 v13, v5;
	v4 =	vadd.f32 v26, v4;
	[tilespmem:$0x18260] =	vst v2  }
0xfc: {  	v1 =	vadd.f32 v19, v1;
	v0 =	vadd.f32 v28, v0;
	[tilespmem:$0x18270] =	vst v3  }
0xfd: {  	v5 =	vadd.f32 v27, v5;
	v2 =	vadd.f32 v17, v6;
	[tilespmem:$0x18280] =	vst v4  }
0xfe: {  	v3 =	vadd.f32 v18, v7;
	[tilespmem:$0x182A0] =	vst v0;
	v0 =	vadd.f32 v16, v1  }
0xff: {  	[tilespmem:$0x18290] =	vst v5;
	v4 =	vadd.f32 v20, v8;
	v2 =	vadd.f32 v29, v2  }
0x100: {  	v3 =	vadd.f32 v30, v3;
	[tilespmem:$0x182D0] =	vst v0  }
0x101: {  	v1 =	vadd.f32 v15, v4;
	[tilespmem:$0x182B0] =	vst v2  }
0x102: {  	[tilespmem:$0x182C0] =	vst v3;
	v2 =	vadd.f32 v21, v9  }
0x103: {  	[tilespmem:$0x182E0] =	vst v1  }
0x104: {  	s11 =	simm.s32 @!p0 $0x0;
	[tilespmem:$0x182F0] =	vst v2  }
0x105: {  	[tilespmem:s11], [sflag:$0x1] =	stream.linear.gather @!p0 [hbm4b:s5+s11], $0xC000, $0x38;
	[tilespmem:$0x18300] =	vst v63  }
0x106: {  	_ =	swait.ge [sflag:s9], $0xC000  }
0x107: {  	[sflag:s9] =	ssyncset.done $0x0  }
0x108: {  	[sflag:s9] =	ssyncadd.s32 $0xFFFF4000  }
0x109: {  	v10 =	vld [tilespmem:$0x18000]  }
0x10a: {  	v11 =	vld [tilespmem:$0x18010]  }
0x10b: {  	v9 =	vld [tilespmem:$0x18020]  }
0x10c: {  	v8 =	vld [tilespmem:$0x18030]  }
0x10d: {  	v7 =	vld [tilespmem:$0x18040]  }
0x10e: {  	v6 =	vld [tilespmem:$0x18050]  }
0x10f: {  	v1 =	vld [tilespmem:$0x18060]  }
0x110: {  	s29 =	simm.s32 $0x0;
	v3 =	vld [tilespmem:$0x18070]  }
0x111: {  	s30 =	smul.u32 $0x6000, s29;
	v5 =	vld [tilespmem:$0x18080]  }
0x112: {  	s11 =	simm.s32 $0x0;
	v4 =	vld [tilespmem:$0x18090]  }
0x113: {  	s12 =	sshra.s32 s30, $0x2;
	s31 =	sand.u32 $0x380, s11;
	v2 =	vld [tilespmem:$0x180A0]  }
0x114: {  	s12 =	sor.u32 s31, s12;
	v0 =	vld [tilespmem:$0x180B0]  }
0x115: {  	v12 =	vld [tilespmem:s12+$0xC430]  }
0x116: {  	v14 =	vld [tilespmem:s12+$0xC000]  }
0x117: {  	v17 =	vld [tilespmem:s12+$0xC010]  }
0x118: {  	v16 =	vld [tilespmem:s12+$0xC020]  }
0x119: {  	v15 =	vld [tilespmem:s12+$0xC030]  }
0x11a: {  	v13 =	vld [tilespmem:s12+$0xC040]  }
0x11b: {  	v0 =	vadd.f32 v12, v0;
	v12 =	vld [tilespmem:s12+$0xC050]  }
0x11c: {  	s14 =	simm.s32 $0x0;
	s13 =	simm.s32 $0x2;
	v10 =	vadd.f32 v14, v10;
	v11 =	vadd.f32 v17, v11;
	v14 =	vld [tilespmem:s12+$0xC060]  }
.LBB2_10:
0x11d: {  	p1 =	sne.s32 s13, $0x3F;
	s14 =	smul.u32 $0x6000, s14;
	v9 =	vadd.f32 v16, v9;
	v16 =	vld [tilespmem:s12+$0xC070]  }
0x11e: {  	s11 =	sadd.s32 $0x80, s11;
	v8 =	vadd.f32 v15, v8;
	v15 =	vld [tilespmem:s12+$0xC400]  }
0x11f: {  	s15 =	sand.u32 $0x380, s11;
	s14 =	sshra.s32 s14, $0x2;
	v7 =	vadd.f32 v13, v7;
	v13 =	vld [tilespmem:s12+$0xC410]  }
0x120: {  	v6 =	vadd.f32 v12, v6;
	v12 =	vld [tilespmem:s12+$0xC420];
	s12 =	sor.u32 s15, s14  }
0x121: {  	v17 =	vld [tilespmem:s12+$0xC430];
	v1 =	vadd.f32 v14, v1  }
0x122: {  	v14 =	vld [tilespmem:s12+$0xC000];
	v3 =	vadd.f32 v16, v3  }
0x123: {  	v18 =	vld [tilespmem:s12+$0xC010];
	v5 =	vadd.f32 v15, v5  }
.Ltmp4:
0x124: {  	v16 =	vld [tilespmem:s12+$0xC020];
	v4 =	vadd.f32 v13, v4;
	(pc) =	sbr.rel @p1 .LBB2_10-.Ltmp4, $4  }
0x125: {  	v15 =	vld [tilespmem:s12+$0xC030];
	v2 =	vadd.f32 v12, v2  }
0x126: {  	v13 =	vld [tilespmem:s12+$0xC040];
	v0 =	vadd.f32 v17, v0  }
0x127: {  	v10 =	vadd.f32 v14, v10;
	v12 =	vld [tilespmem:s12+$0xC050]  }
0x128: {  	s14 =	sshrl.u32 s13, $0x3;
	s13 =	sadd.s32 $0x1, s13;
	v11 =	vadd.f32 v18, v11;
	v14 =	vld [tilespmem:s12+$0xC060]  }
0x129: {  	s13 =	smul.u32 $0x6000, s14;
	v17 =	vld [tilespmem:s12+$0xC070]  }
0x12a: {  	v18 =	vld [tilespmem:s12+$0xC400];
	s11 =	sadd.s32 $0x80, s11  }
0x12b: {  	v19 =	vld [tilespmem:s12+$0xC410];
	s11 =	sand.u32 $0x380, s11;
	s13 =	sshra.s32 s13, $0x2  }
0x12c: {  	v20 =	vld [tilespmem:s12+$0xC420];
	s11 =	sor.u32 s11, s13  }
0x12d: {  	v21 =	vld [tilespmem:s11+$0xC430]  }
0x12e: {  	v22 =	vld [tilespmem:s11+$0xC000]  }
0x12f: {  	v23 =	vld [tilespmem:s11+$0xC010]  }
0x130: {  	v24 =	vld [tilespmem:s11+$0xC020]  }
0x131: {  	v25 =	vld [tilespmem:s11+$0xC030]  }
0x132: {  	v26 =	vld [tilespmem:s11+$0xC040]  }
0x133: {  	v27 =	vld [tilespmem:s11+$0xC050]  }
0x134: {  	v28 =	vld [tilespmem:s11+$0xC060]  }
0x135: {  	v29 =	vld [tilespmem:s11+$0xC070]  }
0x136: {  	v9 =	vadd.f32 v16, v9;
	v8 =	vadd.f32 v15, v8;
	v30 =	vld [tilespmem:s11+$0xC400]  }
0x137: {  	v7 =	vadd.f32 v13, v7;
	v16 =	vld [tilespmem:s11+$0xC410];
	v10 =	vadd.f32 v22, v10  }
0x138: {  	v6 =	vadd.f32 v12, v6;
	v15 =	vld [tilespmem:s11+$0xC420];
	v11 =	vadd.f32 v23, v11  }
0x139: {  	v12 =	vadd.f32 v14, v1;
	v1 =	vld [tilespmem:$0x180E0];
	v9 =	vadd.f32 v24, v9;
	[tilespmem:$0x18000] =	vst v10  }
0x13a: {  	v5 =	vadd.f32 v18, v5;
	v8 =	vadd.f32 v25, v8;
	v10 =	vld [tilespmem:$0x180C0];
	[tilespmem:$0x18010] =	vst v11  }
0x13b: {  	v4 =	vadd.f32 v19, v4;
	v7 =	vadd.f32 v26, v7;
	v11 =	vld [tilespmem:$0x180D0];
	[tilespmem:$0x18020] =	vst v9  }
0x13c: {  	v6 =	vadd.f32 v27, v6;
	v9 =	vadd.f32 v17, v3;
	[tilespmem:$0x18030] =	vst v8;
	v3 =	vld [tilespmem:$0x180F0]  }
0x13d: {  	v2 =	vadd.f32 v20, v2;
	v12 =	vadd.f32 v28, v12;
	[tilespmem:$0x18040] =	vst v7;
	v7 =	vld [tilespmem:$0x18100]  }
0x13e: {  	v5 =	vadd.f32 v30, v5;
	[tilespmem:$0x18050] =	vst v6;
	v8 =	vld [tilespmem:$0x18110]  }
0x13f: {  	v2 =	vadd.f32 v15, v2;
	[tilespmem:$0x18060] =	vst v12;
	v6 =	vadd.f32 v16, v4;
	v4 =	vld [tilespmem:$0x18130]  }
0x140: {  	s29 =	simm.s32 $0x0;
	[tilespmem:$0x18080] =	vst v5;
	v5 =	vld [tilespmem:$0x18140]  }
0x141: {  	s30 =	smul.u32 $0x6000, s29;
	v12 =	vadd.f32 v21, v0;
	[tilespmem:$0x180A0] =	vst v2;
	v0 =	vld [tilespmem:$0x18160]  }
0x142: {  	s11 =	simm.s32 $0x0;
	v2 =	vld [tilespmem:$0x18170];
	v13 =	vadd.f32 v29, v9;
	[tilespmem:$0x18090] =	vst v6  }
0x143: {  	s12 =	sshra.s32 s30, $0x2;
	s31 =	sand.u32 $0x380, s11;
	v9 =	vld [tilespmem:$0x18120];
	[tilespmem:$0x180B0] =	vst v12  }
0x144: {  	s12 =	sor.u32 s31, s12;
	v6 =	vld [tilespmem:$0x18150];
	[tilespmem:$0x18070] =	vst v13  }
0x145: {  	v12 =	vld [tilespmem:s12+$0xC870]  }
0x146: {  	v14 =	vld [tilespmem:s12+$0xC440]  }
0x147: {  	v17 =	vld [tilespmem:s12+$0xC450]  }
0x148: {  	v16 =	vld [tilespmem:s12+$0xC460]  }
0x149: {  	v15 =	vld [tilespmem:s12+$0xC470]  }
0x14a: {  	v13 =	vld [tilespmem:s12+$0xC800]  }
0x14b: {  	v2 =	vadd.f32 v12, v2;
	v12 =	vld [tilespmem:s12+$0xC810]  }
0x14c: {  	s14 =	simm.s32 $0x0;
	s13 =	simm.s32 $0x2;
	v10 =	vadd.f32 v14, v10;
	v11 =	vadd.f32 v17, v11;
	v14 =	vld [tilespmem:s12+$0xC820]  }
.LBB2_12:
0x14d: {  	p1 =	sne.s32 s13, $0x3F;
	s14 =	smul.u32 $0x6000, s14;
	v1 =	vadd.f32 v16, v1;
	v16 =	vld [tilespmem:s12+$0xC830]  }
0x14e: {  	s11 =	sadd.s32 $0x80, s11;
	v3 =	vadd.f32 v15, v3;
	v15 =	vld [tilespmem:s12+$0xC840]  }
0x14f: {  	s15 =	sand.u32 $0x380, s11;
	s14 =	sshra.s32 s14, $0x2;
	v7 =	vadd.f32 v13, v7;
	v13 =	vld [tilespmem:s12+$0xC850]  }
0x150: {  	v8 =	vadd.f32 v12, v8;
	v12 =	vld [tilespmem:s12+$0xC860];
	s12 =	sor.u32 s15, s14  }
0x151: {  	v17 =	vld [tilespmem:s12+$0xC870];
	v9 =	vadd.f32 v14, v9  }
0x152: {  	v14 =	vld [tilespmem:s12+$0xC440];
	v4 =	vadd.f32 v16, v4  }
0x153: {  	v18 =	vld [tilespmem:s12+$0xC450];
	v5 =	vadd.f32 v15, v5  }
.Ltmp5:
0x154: {  	v16 =	vld [tilespmem:s12+$0xC460];
	v6 =	vadd.f32 v13, v6;
	(pc) =	sbr.rel @p1 .LBB2_12-.Ltmp5, $4  }
0x155: {  	v15 =	vld [tilespmem:s12+$0xC470];
	v0 =	vadd.f32 v12, v0  }
0x156: {  	v13 =	vld [tilespmem:s12+$0xC800];
	v2 =	vadd.f32 v17, v2  }
0x157: {  	v10 =	vadd.f32 v14, v10;
	v12 =	vld [tilespmem:s12+$0xC810]  }
0x158: {  	s14 =	sshrl.u32 s13, $0x3;
	s13 =	sadd.s32 $0x1, s13;
	v11 =	vadd.f32 v18, v11;
	v14 =	vld [tilespmem:s12+$0xC820]  }
0x159: {  	s13 =	smul.u32 $0x6000, s14;
	v17 =	vld [tilespmem:s12+$0xC830]  }
0x15a: {  	v18 =	vld [tilespmem:s12+$0xC840];
	s11 =	sadd.s32 $0x80, s11  }
0x15b: {  	v19 =	vld [tilespmem:s12+$0xC850];
	s11 =	sand.u32 $0x380, s11;
	s13 =	sshra.s32 s13, $0x2  }
0x15c: {  	v20 =	vld [tilespmem:s12+$0xC860];
	s11 =	sor.u32 s11, s13  }
0x15d: {  	v21 =	vld [tilespmem:s11+$0xC870]  }
0x15e: {  	v22 =	vld [tilespmem:s11+$0xC440]  }
0x15f: {  	v23 =	vld [tilespmem:s11+$0xC450]  }
0x160: {  	v24 =	vld [tilespmem:s11+$0xC460]  }
0x161: {  	v25 =	vld [tilespmem:s11+$0xC470]  }
0x162: {  	v26 =	vld [tilespmem:s11+$0xC800]  }
0x163: {  	v27 =	vld [tilespmem:s11+$0xC810]  }
0x164: {  	v28 =	vld [tilespmem:s11+$0xC820]  }
0x165: {  	v29 =	vld [tilespmem:s11+$0xC830]  }
0x166: {  	v30 =	vld [tilespmem:s11+$0xC840]  }
0x167: {  	v1 =	vadd.f32 v16, v1;
	v16 =	vld [tilespmem:s11+$0xC850];
	v10 =	vadd.f32 v22, v10  }
0x168: {  	v3 =	vadd.f32 v15, v3;
	v15 =	vld [tilespmem:s11+$0xC860];
	v11 =	vadd.f32 v23, v11  }
0x169: {  	v7 =	vadd.f32 v13, v7;
	v1 =	vadd.f32 v24, v1;
	[tilespmem:$0x180C0] =	vst v10;
	v10 =	vld [tilespmem:$0x18180]  }
0x16a: {  	v8 =	vadd.f32 v12, v8;
	v3 =	vadd.f32 v25, v3;
	[tilespmem:$0x180D0] =	vst v11;
	v11 =	vld [tilespmem:$0x18190]  }
0x16b: {  	v9 =	vadd.f32 v14, v9;
	v7 =	vadd.f32 v26, v7;
	[tilespmem:$0x180E0] =	vst v1;
	v1 =	vld [tilespmem:$0x181A0]  }
0x16c: {  	v4 =	vadd.f32 v17, v4;
	v8 =	vadd.f32 v27, v8;
	[tilespmem:$0x180F0] =	vst v3;
	v3 =	vld [tilespmem:$0x181B0]  }
0x16d: {  	v5 =	vadd.f32 v18, v5;
	v9 =	vadd.f32 v28, v9;
	[tilespmem:$0x18100] =	vst v7;
	v7 =	vld [tilespmem:$0x181C0]  }
0x16e: {  	v6 =	vadd.f32 v19, v6;
	v4 =	vadd.f32 v29, v4;
	[tilespmem:$0x18110] =	vst v8;
	v8 =	vld [tilespmem:$0x181D0]  }
0x16f: {  	v0 =	vadd.f32 v20, v0;
	v5 =	vadd.f32 v30, v5;
	[tilespmem:$0x18120] =	vst v9;
	v9 =	vld [tilespmem:$0x181E0]  }
0x170: {  	s29 =	simm.s32 $0x0;
	v6 =	vadd.f32 v16, v6;
	[tilespmem:$0x18130] =	vst v4;
	v4 =	vld [tilespmem:$0x181F0]  }
0x171: {  	s30 =	smul.u32 $0x6000, s29;
	v0 =	vadd.f32 v15, v0;
	[tilespmem:$0x18140] =	vst v5;
	v5 =	vld [tilespmem:$0x18200]  }
0x172: {  	s11 =	simm.s32 $0x0;
	v2 =	vadd.f32 v21, v2;
	[tilespmem:$0x18150] =	vst v6;
	v6 =	vld [tilespmem:$0x18210]  }
0x173: {  	s12 =	sshra.s32 s30, $0x2;
	s31 =	sand.u32 $0x380, s11;
	[tilespmem:$0x18160] =	vst v0;
	v0 =	vld [tilespmem:$0x18220]  }
0x174: {  	s12 =	sor.u32 s31, s12;
	[tilespmem:$0x18170] =	vst v2;
	v2 =	vld [tilespmem:$0x18230]  }
0x175: {  	v12 =	vld [tilespmem:s12+$0xD030]  }
0x176: {  	v14 =	vld [tilespmem:s12+$0xCC00]  }
0x177: {  	v17 =	vld [tilespmem:s12+$0xCC10]  }
0x178: {  	v16 =	vld [tilespmem:s12+$0xCC20]  }
0x179: {  	v15 =	vld [tilespmem:s12+$0xCC30]  }
0x17a: {  	v13 =	vld [tilespmem:s12+$0xCC40]  }
0x17b: {  	v2 =	vadd.f32 v12, v2;
	v12 =	vld [tilespmem:s12+$0xCC50]  }
0x17c: {  	s14 =	simm.s32 $0x0;
	s13 =	simm.s32 $0x2;
	v10 =	vadd.f32 v14, v10;
	v11 =	vadd.f32 v17, v11;
	v14 =	vld [tilespmem:s12+$0xCC60]  }
.LBB2_14:
0x17d: {  	p1 =	sne.s32 s13, $0x3F;
	s14 =	smul.u32 $0x6000, s14;
	v1 =	vadd.f32 v16, v1;
	v16 =	vld [tilespmem:s12+$0xCC70]  }
0x17e: {  	s11 =	sadd.s32 $0x80, s11;
	v3 =	vadd.f32 v15, v3;
	v15 =	vld [tilespmem:s12+$0xD000]  }
0x17f: {  	s15 =	sand.u32 $0x380, s11;
	s14 =	sshra.s32 s14, $0x2;
	v7 =	vadd.f32 v13, v7;
	v13 =	vld [tilespmem:s12+$0xD010]  }
0x180: {  	v8 =	vadd.f32 v12, v8;
	v12 =	vld [tilespmem:s12+$0xD020];
	s12 =	sor.u32 s15, s14  }
0x181: {  	v17 =	vld [tilespmem:s12+$0xD030];
	v9 =	vadd.f32 v14, v9  }
0x182: {  	v14 =	vld [tilespmem:s12+$0xCC00];
	v4 =	vadd.f32 v16, v4  }
0x183: {  	v18 =	vld [tilespmem:s12+$0xCC10];
	v5 =	vadd.f32 v15, v5  }
.Ltmp6:
0x184: {  	v16 =	vld [tilespmem:s12+$0xCC20];
	v6 =	vadd.f32 v13, v6;
	(pc) =	sbr.rel @p1 .LBB2_14-.Ltmp6, $4  }
0x185: {  	v15 =	vld [tilespmem:s12+$0xCC30];
	v0 =	vadd.f32 v12, v0  }
0x186: {  	v13 =	vld [tilespmem:s12+$0xCC40];
	v2 =	vadd.f32 v17, v2  }
0x187: {  	v10 =	vadd.f32 v14, v10;
	v12 =	vld [tilespmem:s12+$0xCC50]  }
0x188: {  	s14 =	sshrl.u32 s13, $0x3;
	s13 =	sadd.s32 $0x1, s13;
	v11 =	vadd.f32 v18, v11;
	v14 =	vld [tilespmem:s12+$0xCC60]  }
0x189: {  	s13 =	smul.u32 $0x6000, s14;
	v17 =	vld [tilespmem:s12+$0xCC70]  }
0x18a: {  	v18 =	vld [tilespmem:s12+$0xD000];
	s11 =	sadd.s32 $0x80, s11  }
0x18b: {  	v19 =	vld [tilespmem:s12+$0xD010];
	s11 =	sand.u32 $0x380, s11;
	s13 =	sshra.s32 s13, $0x2  }
0x18c: {  	v20 =	vld [tilespmem:s12+$0xD020];
	s11 =	sor.u32 s11, s13  }
0x18d: {  	v21 =	vld [tilespmem:s11+$0xD030]  }
0x18e: {  	v22 =	vld [tilespmem:s11+$0xCC00]  }
0x18f: {  	v23 =	vld [tilespmem:s11+$0xCC10]  }
0x190: {  	v24 =	vld [tilespmem:s11+$0xCC20]  }
0x191: {  	v25 =	vld [tilespmem:s11+$0xCC30]  }
0x192: {  	v26 =	vld [tilespmem:s11+$0xCC40]  }
0x193: {  	v27 =	vld [tilespmem:s11+$0xCC50]  }
0x194: {  	v28 =	vld [tilespmem:s11+$0xCC60]  }
0x195: {  	v29 =	vld [tilespmem:s11+$0xCC70]  }
0x196: {  	v1 =	vadd.f32 v16, v1;
	v3 =	vadd.f32 v15, v3;
	v30 =	vld [tilespmem:s11+$0xD000]  }
0x197: {  	v7 =	vadd.f32 v13, v7;
	v16 =	vld [tilespmem:s11+$0xD010];
	v10 =	vadd.f32 v22, v10  }
0x198: {  	v8 =	vadd.f32 v12, v8;
	v15 =	vld [tilespmem:s11+$0xD020];
	v11 =	vadd.f32 v23, v11  }
0x199: {  	v12 =	vadd.f32 v17, v4;
	v4 =	vld [tilespmem:$0x18280];
	v1 =	vadd.f32 v24, v1;
	[tilespmem:$0x18180] =	vst v10  }
0x19a: {  	v13 =	vadd.f32 v18, v5;
	v5 =	vld [tilespmem:$0x18290];
	v3 =	vadd.f32 v25, v3;
	[tilespmem:$0x18190] =	vst v11  }
0x19b: {  	v9 =	vadd.f32 v14, v9;
	v7 =	vadd.f32 v26, v7;
	v10 =	vld [tilespmem:$0x18240];
	[tilespmem:$0x181A0] =	vst v1  }
0x19c: {  	v8 =	vadd.f32 v27, v8;
	v11 =	vld [tilespmem:$0x18250];
	[tilespmem:$0x181B0] =	vst v3  }
0x19d: {  	v9 =	vadd.f32 v28, v9;
	v1 =	vld [tilespmem:$0x18260];
	[tilespmem:$0x181C0] =	vst v7  }
0x19e: {  	v6 =	vadd.f32 v19, v6;
	v3 =	vld [tilespmem:$0x18270];
	v7 =	vadd.f32 v29, v12;
	[tilespmem:$0x181D0] =	vst v8  }
0x19f: {  	v8 =	vadd.f32 v20, v0;
	v12 =	vadd.f32 v30, v13;
	[tilespmem:$0x181E0] =	vst v9;
	v0 =	vld [tilespmem:$0x182A0]  }
0x1a0: {  	s29 =	simm.s32 $0x0;
	v9 =	vadd.f32 v16, v6;
	v6 =	vld [tilespmem:$0x182B0];
	[tilespmem:$0x181F0] =	vst v7  }
0x1a1: {  	s30 =	smul.u32 $0x6000, s29;
	v8 =	vadd.f32 v15, v8;
	[tilespmem:$0x18200] =	vst v12;
	v7 =	vld [tilespmem:$0x182C0]  }
0x1a2: {  	s11 =	simm.s32 $0x0;
	v12 =	vadd.f32 v21, v2;
	[tilespmem:$0x18210] =	vst v9;
	v2 =	vld [tilespmem:$0x182D0]  }
0x1a3: {  	s12 =	sshra.s32 s30, $0x2;
	s31 =	sand.u32 $0x380, s11;
	v9 =	vld [tilespmem:$0x182F0];
	[tilespmem:$0x18220] =	vst v8  }
0x1a4: {  	s12 =	sor.u32 s31, s12;
	v8 =	vld [tilespmem:$0x182E0];
	[tilespmem:$0x18230] =	vst v12  }
0x1a5: {  	v13 =	vld [tilespmem:s12+$0xD470]  }
0x1a6: {  	v14 =	vld [tilespmem:s12+$0xD040]  }
0x1a7: {  	v17 =	vld [tilespmem:s12+$0xD050]  }
0x1a8: {  	v16 =	vld [tilespmem:s12+$0xD060]  }
0x1a9: {  	v15 =	vld [tilespmem:s12+$0xD070]  }
0x1aa: {  	v12 =	vld [tilespmem:s12+$0xD400]  }
0x1ab: {  	v9 =	vadd.f32 v13, v9;
	v13 =	vld [tilespmem:s12+$0xD410]  }
0x1ac: {  	s14 =	simm.s32 $0x0;
	s13 =	simm.s32 $0x2;
	v10 =	vadd.f32 v14, v10;
	v11 =	vadd.f32 v17, v11;
	v14 =	vld [tilespmem:s12+$0xD420]  }
.LBB2_16:
0x1ad: {  	p1 =	sne.s32 s13, $0x3F;
	s14 =	smul.u32 $0x6000, s14;
	v1 =	vadd.f32 v16, v1;
	v16 =	vld [tilespmem:s12+$0xD430]  }
0x1ae: {  	s11 =	sadd.s32 $0x80, s11;
	v3 =	vadd.f32 v15, v3;
	v15 =	vld [tilespmem:s12+$0xD440]  }
0x1af: {  	s15 =	sand.u32 $0x380, s11;
	s14 =	sshra.s32 s14, $0x2;
	v4 =	vadd.f32 v12, v4;
	v12 =	vld [tilespmem:s12+$0xD450]  }
0x1b0: {  	v5 =	vadd.f32 v13, v5;
	v13 =	vld [tilespmem:s12+$0xD460];
	s12 =	sor.u32 s15, s14  }
0x1b1: {  	v17 =	vld [tilespmem:s12+$0xD470];
	v0 =	vadd.f32 v14, v0  }
0x1b2: {  	v14 =	vld [tilespmem:s12+$0xD040];
	v6 =	vadd.f32 v16, v6  }
0x1b3: {  	v18 =	vld [tilespmem:s12+$0xD050];
	v7 =	vadd.f32 v15, v7  }
.Ltmp7:
0x1b4: {  	v16 =	vld [tilespmem:s12+$0xD060];
	v2 =	vadd.f32 v12, v2;
	(pc) =	sbr.rel @p1 .LBB2_16-.Ltmp7, $4  }
0x1b5: {  	v15 =	vld [tilespmem:s12+$0xD070];
	v8 =	vadd.f32 v13, v8  }
0x1b6: {  	v12 =	vld [tilespmem:s12+$0xD400];
	v9 =	vadd.f32 v17, v9  }
0x1b7: {  	v10 =	vadd.f32 v14, v10;
	v13 =	vld [tilespmem:s12+$0xD410]  }
0x1b8: {  	s14 =	sshrl.u32 s13, $0x3;
	s13 =	sadd.s32 $0x1, s13;
	v11 =	vadd.f32 v18, v11;
	v14 =	vld [tilespmem:s12+$0xD420]  }
0x1b9: {  	s13 =	smul.u32 $0x6000, s14;
	v17 =	vld [tilespmem:s12+$0xD430]  }
0x1ba: {  	v18 =	vld [tilespmem:s12+$0xD440];
	s11 =	sadd.s32 $0x80, s11  }
0x1bb: {  	v19 =	vld [tilespmem:s12+$0xD450];
	s11 =	sand.u32 $0x380, s11;
	s13 =	sshra.s32 s13, $0x2  }
0x1bc: {  	v20 =	vld [tilespmem:s12+$0xD460];
	s11 =	sor.u32 s11, s13  }
0x1bd: {  	v21 =	vld [tilespmem:s11+$0xD470]  }
0x1be: {  	v22 =	vld [tilespmem:s11+$0xD040]  }
0x1bf: {  	v23 =	vld [tilespmem:s11+$0xD050]  }
0x1c0: {  	v24 =	vld [tilespmem:s11+$0xD060]  }
0x1c1: {  	v25 =	vld [tilespmem:s11+$0xD070]  }
0x1c2: {  	v26 =	vld [tilespmem:s11+$0xD400]  }
0x1c3: {  	v27 =	vld [tilespmem:s11+$0xD410]  }
0x1c4: {  	v28 =	vld [tilespmem:s11+$0xD420]  }
0x1c5: {  	v29 =	vld [tilespmem:s11+$0xD430]  }
0x1c6: {  	v1 =	vadd.f32 v16, v1;
	v30 =	vld [tilespmem:s11+$0xD440];
	v10 =	vadd.f32 v22, v10  }
0x1c7: {  	v3 =	vadd.f32 v15, v3;
	v56 =	vld [tilespmem:s11+$0xD450];
	v11 =	vadd.f32 v23, v11  }
0x1c8: {  	v4 =	vadd.f32 v12, v4;
	v57 =	vld [tilespmem:s11+$0xD460];
	v1 =	vadd.f32 v24, v1;
	[tilespmem:$0x18240] =	vst v10  }
0x1c9: {  	v5 =	vadd.f32 v13, v5;
	v3 =	vadd.f32 v25, v3;
	[tilespmem:$0x18250] =	vst v11  }
0x1ca: {  	v0 =	vadd.f32 v14, v0;
	v4 =	vadd.f32 v26, v4;
	[tilespmem:$0x18260] =	vst v1  }
0x1cb: {  	v2 =	vadd.f32 v19, v2;
	v5 =	vadd.f32 v27, v5;
	[tilespmem:$0x18270] =	vst v3  }
0x1cc: {  	v60 =	vadd.f32 v20, v8;
	v0 =	vadd.f32 v28, v0;
	[tilespmem:$0x18280] =	vst v4  }
0x1cd: {  	v61 =	vadd.f32 v56, v2;
	[tilespmem:$0x18290] =	vst v5  }
0x1ce: {  	v58 =	vadd.f32 v17, v6;
	v62 =	vadd.f32 v57, v60;
	[tilespmem:$0x182A0] =	vst v0  }
.Ltmp8:
0x1cf: {  	v59 =	vadd.f32 v18, v7;
	v63 =	vadd.f32 v21, v9;
	[tilespmem:$0x182D0] =	vst v61;
	(pc) =	sbr.rel @p0 .LBB2_19-.Ltmp8, $4  }
0x1d0: {  	v1 =	vadd.f32 v29, v58;
	[tilespmem:$0x182E0] =	vst v62  }
0x1d1: {  	v3 =	vadd.f32 v30, v59;
	[tilespmem:$0x182F0] =	vst v63  }
0x1d2: {  	[tilespmem:$0x182B0] =	vst v1  }
0x1d3: {  	[tilespmem:$0x182C0] =	vst v3  }
.Ltmp9:
0x1d4: {  	s10 =	sadd.s32 s10, s6;
	(pc) =	sbr.rel .LBB2_1-.Ltmp9, $3  }
0x1d5: {  	s10 =	sshrl.u32 s10, $0x3  }
0x1d6: {  	s10 =	smul.u32 $0x300, s10;
	_ =	sdelay $0x1  }
0x1d7: {  	p0 =	por $0x1, $0x1;
	s11 =	sadd.s32 s1, s10;
	s10 =	simm.s32 $0x80  }
.LBB2_19:
0x1d8: {  	s1 =	sshrl.u32 s3, $0x3  }
0x1d9: {  	s2 =	sshll.u32 s3, $0x7;
	s1 =	smul.u32 $0x1800, s1  }
0x1da: {  	s2 =	sand.u32 $0x380, s2  }
0x1db: {  	s1 =	sor.u32 s2, s1  }
0x1dc: {  	s29 =	simm.s32 $0x80;
	s30 =	simm.s32 $0x400;
	s1 =	sshrl.u32 s1, $0x3  }
0x1dd: {  	s5 =	simm.s32 $0x18000;
	s31 =	simm.s32 $0x3;
	s1 =	sadd.s32 s4, s1  }
0x1de: {  	[hbm4b:s1+s29] =	stream.strided.scatter [tilespmem:s5], [sflag:$0x3], $0x300, s30, s29, $0x38;
	[tilespmem:$0x18300] =	vst v63  }
0x1df: {  	_ =	swait.ge [sflag:s31], $0x300  }
0x1e0: {  	[sflag:s31] =	ssyncset.done $0x0  }
0x1e1: {  	[sflag:s31] =	ssyncadd.s32 $0xFFFFFD00  }
0x1e2: {  	_ =	sfence.sel $0x180000  }
0x1e3: {  	[bflag:$0x0] =	sbarrier.arrive $0xFFFF  }
0x1e4: {  	p0 =	sne.s32 s3, $0x0;
	_ =	strace $0x90000047  }
0x1e5: {  	s0 =	sadd.s32 @!p0 $0x100000, s0;
	[bflag:$0x2] =	sbarrier.arrive $0xFFFF  }
0x1e6: {  	[sflag:s0] =	ssyncadd.tile.s32 @!p0 $0x1;
	_ =	shalt  }
.Lfunc_end2:
_tile_overlayer_lowered:
.L_overlay_start_2:
0x1e7: {  	(tag) =	ssettag $0x2  }
0x1e8: {  	s0 =	rddreg [dreg:$0x0];
	s2 =	stileid.u32  }
0x1e9: {  	s1 =	rddreg [dreg:$0x1];
	p0 =	sne.s32 s2, $0x0  }
0x1ea: {  	s3 =	rddreg [dreg:$0x2];
	[bflag:$0x3] =	sbarrier.arrive $0xFFFF;
	s2 =	simm.s32 @!p0 $0x1C03  }
0x1eb: {  	[timem:s3], [sflag:s2] =	dma.local @!p0 [hbm:s0], s1  }
0x1ec: {  	s0 =	simm.s32 @!p0 $0x3  }
0x1ed: {  	_ =	swait.ge @!p0 [sflag:s0], s1  }
0x1ee: {  	s1 =	ssub.s32 @!p0 $0x0, s1;
	[sflag:s0] =	ssyncset.done @!p0 $0x0  }
0x1ef: {  	[sflag:s0] =	ssyncadd.s32 @!p0 s1  }
0x1f0: {  	[bflag:$0x3] =	sbarrier.arrive $0xFFFF  }
0x1f1: {  	_ =	shalt  }

</sc_bundles>
